<compile_context>
chip_gen: v7x
topology: tpu7x:2x2x1
jax: 0.10.2.dev20260603
libtpu: 0.0.44.dev20260713+nightly
codegen_flags: <defaults>
</compile_context>

<pallas_src>
import functools
from typing import Any

import jax
import jax.numpy as jnp
from jax import lax
from jax.experimental import pallas as pl
from jax.experimental.pallas import tpu as pltpu

B = 4
V = 8
C = 256
N = 196
T1 = V - 1
K = 8
NODES = V * N
E = 2 * T1 * K
CNT = B * V * N
NPAIR = B * T1
ROWLEN = N * N
NVREG = ROWLEN // 16
_BIGI = 2**30


def _tca_body(xm_ref, xc_ref, xp_ref, w_ref, g_ref, be_ref,
              y_ref, sco_ref, sho_ref, sm_ref, ys_ref, st_ref):
    i = pl.program_id(0)

    @pl.when(i == 0)
    def _():
        st_ref[...] = jnp.zeros_like(st_ref)

    @pl.when(i < B * V)
    def _():
        t = i % V
        xm = xm_ref[0]
        xc = xc_ref[0]
        xp = xp_ref[0]
        w = w_ref[...]
        dn = (((0,), (1,)), ((), ()))
        y = lax.dot_general(xc, w[1], dn, preferred_element_type=jnp.float32)
        ym = lax.dot_general(xm, w[0], dn, preferred_element_type=jnp.float32)
        yp = lax.dot_general(xp, w[2], dn, preferred_element_type=jnp.float32)
        mm = jnp.where(t > 0, 1.0, 0.0).astype(jnp.float32)
        mp = jnp.where(t < V - 1, 1.0, 0.0).astype(jnp.float32)
        y = y + mm * ym + mp * yp
        y_ref[0, 0] = y
        ys_ref[pl.ds(i, 1)] = y[None]
        st_ref[0:1, :] += jnp.sum(y, axis=0, keepdims=True)
        st_ref[1:2, :] += jnp.sum(y * y, axis=0, keepdims=True)

    @pl.when(i == B * V)
    def _():
        eps = jnp.float32(1e-5)
        mean = st_ref[0:1, :] / CNT
        var = st_ref[1:2, :] / CNT - mean * mean
        s = lax.rsqrt(var + eps) * g_ref[...]
        sh = be_ref[...] - mean * s
        st_ref[2:3, :] = s
        st_ref[3:4, :] = sh
        sco_ref[...] = s
        sho_ref[...] = sh

    @pl.when(i >= B * V)
    def _():
        p = i - B * V
        b = p // T1
        t = p % T1
        q = b * V + t
        s = st_ref[2:3, :]
        sh = st_ref[3:4, :]
        xa = ys_ref[pl.ds(q, 1)][0] * s + sh
        xb = ys_ref[pl.ds(q + 1, 1)][0] * s + sh
        a2 = jnp.sum(xa * xa, axis=1, keepdims=True)
        b2 = jnp.sum(xb * xb, axis=1, keepdims=True)
        g = lax.dot_general(xa, xb, (((1,), (1,)), ((), ())),
                            preferred_element_type=jnp.float32)
        d2 = jnp.clip(a2 + b2.T - 2.0 * g, 0.0, None)
        sim = -jnp.sqrt(d2)
        nrm = jnp.sqrt(jnp.sum(sim * sim))
        sm_ref[0] = sim / jnp.maximum(nrm, 1e-12)


def _tca(x3, w3, bn1_g2, bn1_b2):
    nsteps = B * V + NPAIR
    zero3 = lambda i: (0, 0, 0)
    return pl.pallas_call(
        _tca_body,
        grid=(nsteps,),
        in_specs=[
            pl.BlockSpec((1, C, N), lambda i: (
                jnp.where(i < B * V,
                          (i // V) * V + jnp.maximum(i % V - 1, 0), 0), 0, 0)),
            pl.BlockSpec((1, C, N), lambda i: (jnp.where(i < B * V, i, 0), 0, 0)),
            pl.BlockSpec((1, C, N), lambda i: (
                jnp.where(i < B * V,
                          (i // V) * V + jnp.minimum(i % V + 1, V - 1), 0), 0, 0)),
            pl.BlockSpec((3, C, C), zero3),
            pl.BlockSpec((1, C), lambda i: (0, 0)),
            pl.BlockSpec((1, C), lambda i: (0, 0)),
        ],
        out_specs=[
            pl.BlockSpec((1, 1, N, C), lambda i: (
                jnp.where(i < B * V, i // V, B - 1),
                jnp.where(i < B * V, i % V, V - 1), 0, 0)),
            pl.BlockSpec((1, C), lambda i: (0, 0)),
            pl.BlockSpec((1, C), lambda i: (0, 0)),
            pl.BlockSpec((1, N, N), lambda i: (
                jnp.where(i < B * V, 0, i - B * V), 0, 0)),
        ],
        out_shape=[
            jax.ShapeDtypeStruct((B, V, N, C), jnp.float32),
            jax.ShapeDtypeStruct((1, C), jnp.float32),
            jax.ShapeDtypeStruct((1, C), jnp.float32),
            jax.ShapeDtypeStruct((NPAIR, N, N), jnp.float32),
        ],
        scratch_shapes=[
            pltpu.VMEM((B * V, N, C), jnp.float32),
            pltpu.VMEM((8, C), jnp.float32),
        ],
    )(x3, x3, x3, w3, bn1_g2, bn1_b2)


def _sc_insert(kregs, iregs, kv, iv):
    for j in range(K):
        c = kv > kregs[j]
        nk = jnp.where(c, kv, kregs[j])
        kv = jnp.where(c, kregs[j], kv)
        ni = jnp.where(c, iv, iregs[j])
        iv = jnp.where(c, iregs[j], iv)
        kregs[j] = nk
        iregs[j] = ni
    return kv, iv


def _sc_insert_tie(kregs, iregs, kv, iv):
    for j in range(K):
        c = (kv > kregs[j]) | ((kv == kregs[j]) & (iv < iregs[j]))
        nk = jnp.where(c, kv, kregs[j])
        kv = jnp.where(c, kregs[j], kv)
        ni = jnp.where(c, iv, iregs[j])
        iv = jnp.where(c, iregs[j], iv)
        kregs[j] = nk
        iregs[j] = ni
    return kv, iv


def _sc_topk_cands(sim_flat):
    from jax.experimental.pallas import tpu_sc as plsc

    mesh = plsc.VectorSubcoreMesh(core_axis_name="c", subcore_axis_name="s")

    @functools.partial(
        pl.kernel,
        out_type=[
            jax.ShapeDtypeStruct((NPAIR * K * 16,), jnp.float32),
            jax.ShapeDtypeStruct((NPAIR * K * 16,), jnp.int32),
        ],
        mesh=mesh,
        scratch_types=[
            pltpu.VMEM((ROWLEN,), jnp.float32),
            pltpu.VMEM((K * 16,), jnp.float32),
            pltpu.VMEM((K * 16,), jnp.int32),
            pltpu.SemaphoreType.DMA,
            pltpu.SemaphoreType.DMA,
            pltpu.SemaphoreType.DMA,
            pltpu.SemaphoreType.DMA,
        ],
    )
    def body(sim_hbm, outk_hbm, outi_hbm, row_v, kbuf_v, ibuf_v,
             sem0, sem1, sem2, sem3):
        wid = lax.axis_index("s") * 2 + lax.axis_index("c")

        @pl.when(wid < NPAIR)
        def _():
            CH = 9600
            sems = [sem0, sem1, sem2, sem3]
            copies = []
            for c in range(4):
                ln = CH if c < 3 else (ROWLEN - 3 * CH)
                copies.append(pltpu.async_copy(
                    sim_hbm.at[pl.ds(wid * ROWLEN + c * CH, ln)],
                    row_v.at[pl.ds(c * CH, ln)], sems[c]))
            lane = lax.iota(jnp.int32, 16)
            ninf = jnp.float32(-jnp.inf)

            def step(g, carry):
                regs = list(carry)
                g0k, g0i = regs[0:K], regs[K:2 * K]
                g1k, g1i = regs[2 * K:3 * K], regs[3 * K:4 * K]
                base = g * 32
                va = row_v[pl.ds(base, 16)]
                vb = row_v[pl.ds(base + 16, 16)]
                _sc_insert(g0k, g0i, va, base + lane)
                _sc_insert(g1k, g1i, vb, base + 16 + lane)
                return tuple(g0k + g0i + g1k + g1i)

            carry = tuple(
                ([jnp.full((16,), ninf, jnp.float32) for _ in range(K)]
                 + [jnp.full((16,), _BIGI, jnp.int32) for _ in range(K)]) * 2)
            for c in range(4):
                copies[c].wait()
                carry = lax.fori_loop(c * 300, (c + 1) * 300, step, carry)
            fin = list(carry)
            g0k, g0i = fin[0:K], fin[K:2 * K]
            g1k, g1i = fin[2 * K:3 * K], fin[3 * K:4 * K]
            tb = (NVREG - 1) * 16
            _sc_insert(g0k, g0i, row_v[pl.ds(tb, 16)], tb + lane)
            for j in range(K):
                _sc_insert_tie(g0k, g0i, g1k[j], g1i[j])
            for j in range(K):
                kbuf_v[pl.ds(j * 16, 16)] = g0k[j]
                ibuf_v[pl.ds(j * 16, 16)] = g0i[j]
            pltpu.sync_copy(kbuf_v, outk_hbm.at[pl.ds(wid * K * 16, K * 16)])
            pltpu.sync_copy(ibuf_v, outi_hbm.at[pl.ds(wid * K * 16, K * 16)])

    return body(sim_flat)


def _tcb_body(y_ref, ck_ref, ci_ref, sp_ref, sc_ref, sh_ref, gw_ref, gb_ref,
              wu_ref, g2_ref, b2_ref, o_ref, zs_ref, st_ref):
    i = pl.program_id(0)

    @pl.when(i == 0)
    def _():
        st_ref[...] = jnp.zeros_like(st_ref)

    @pl.when(i < B)
    def _():
        _tcb_gcn(y_ref, ck_ref, ci_ref, sp_ref, sc_ref, sh_ref, gw_ref,
                 gb_ref, wu_ref, zs_ref, st_ref, i)

    @pl.when(i == B)
    def _():
        eps = jnp.float32(1e-5)
        mean2 = st_ref[:, 0:1] / CNT
        var2 = st_ref[:, 1:2] / CNT - mean2 * mean2
        s2v = lax.rsqrt(var2 + eps) * g2_ref[...]
        st_ref[:, 2:3] = s2v
        st_ref[:, 3:4] = b2_ref[...] - mean2 * s2v

    @pl.when(i >= B)
    def _():
        j = i - B
        o_ref[0] = (zs_ref[pl.ds(j, 1)][0] * st_ref[:, 2:3]
                    + st_ref[:, 3:4])


def _tcb_gcn(y_ref, ck_ref, ci_ref, sp_ref, sc_ref, sh_ref, gw_ref, gb_ref,
             wu_ref, zs_ref, st_ref, b):
    spanv = sp_ref[0, 0]
    ninf = -jnp.float32(jnp.inf)
    big = jnp.int32(_BIGI)
    k2 = ck_ref[0]
    i2 = ci_ref[0]
    k8iota = lax.broadcasted_iota(jnp.int32, (T1, K), 1)
    idxm = jnp.zeros((T1, K), jnp.int32)
    for k in range(K):
        m = jnp.max(k2, axis=1, keepdims=True)
        sel = k2 == m
        fidx = jnp.min(jnp.where(sel, i2, big), axis=1, keepdims=True)
        k2 = jnp.where(sel & (i2 == fidx), ninf, k2)
        idxm = jnp.where(k8iota == k, fidx, idxm)
    row = idxm // N
    col = idxm - row * N
    tcol = lax.broadcasted_iota(jnp.int32, (T1, K), 0)
    rowg = row + tcol * N
    colg = col + (tcol + spanv) * N
    lanes3 = lax.broadcasted_iota(jnp.int32, (T1, K, NODES), 2)
    s_rowg = jnp.where(lanes3 == rowg[:, :, None], 1.0, 0.0).reshape(
        T1 * K, NODES)
    s_colg = jnp.where(lanes3 == colg[:, :, None], 1.0, 0.0).reshape(
        T1 * K, NODES)
    s_src = jnp.concatenate([s_rowg, s_colg], axis=0)
    s_dst = jnp.concatenate([s_colg, s_rowg], axis=0)

    xn = y_ref[0] * sc_ref[...] + sh_ref[...]
    h = lax.dot_general(xn, gw_ref[...], (((1,), (1,)), ((), ())),
                        preferred_element_type=jnp.float32)

    ones_e = jnp.ones((E, 1), jnp.float32)
    deg = 1.0 + lax.dot_general(s_dst, ones_e, (((0,), (0,)), ((), ())),
                                preferred_element_type=jnp.float32)
    dinv = lax.rsqrt(deg)
    hs = lax.dot_general(s_src, h, (((1,), (0,)), ((), ())),
                         preferred_element_type=jnp.float32)
    dinv_src = lax.dot_general(s_src, dinv, (((1,), (0,)), ((), ())),
                               preferred_element_type=jnp.float32)
    dinv_dst = lax.dot_general(s_dst, dinv, (((1,), (0,)), ((), ())),
                               preferred_element_type=jnp.float32)
    contrib = hs * (dinv_src * dinv_dst)
    scat = lax.dot_general(s_dst, contrib, (((0,), (0,)), ((), ())),
                           preferred_element_type=jnp.float32)
    out = h * (dinv * dinv) + scat + gb_ref[...]

    wu = wu_ref[...]
    dn = (((1,), (1,)), ((), ()))
    for t in range(V):
        z = lax.dot_general(wu[1], out[t * N:(t + 1) * N, :], dn,
                            preferred_element_type=jnp.float32)
        if t > 0:
            z = z + lax.dot_general(wu[0], out[(t - 1) * N:t * N, :], dn,
                                    preferred_element_type=jnp.float32)
        if t < V - 1:
            z = z + lax.dot_general(wu[2], out[(t + 1) * N:(t + 2) * N, :], dn,
                                    preferred_element_type=jnp.float32)
        zs_ref[pl.ds(b * V + t, 1)] = z[None]
        st_ref[:, 0:1] += jnp.sum(z, axis=1, keepdims=True)
        st_ref[:, 1:2] += jnp.sum(z * z, axis=1, keepdims=True)


def _tcb(y_flat, ck, ci, span_arr, scale, shift, gcn_w, gcn_b, wu3, g2, b2):
    nsteps = B + B * V
    return pl.pallas_call(
        _tcb_body,
        grid=(nsteps,),
        in_specs=[
            pl.BlockSpec((1, NODES, C), lambda i: (jnp.minimum(i, B - 1), 0, 0)),
            pl.BlockSpec((1, T1, K * 16), lambda i: (jnp.minimum(i, B - 1), 0, 0)),
            pl.BlockSpec((1, T1, K * 16), lambda i: (jnp.minimum(i, B - 1), 0, 0)),
            pl.BlockSpec(memory_space=pltpu.SMEM),
            pl.BlockSpec((1, C), lambda i: (0, 0)),
            pl.BlockSpec((1, C), lambda i: (0, 0)),
            pl.BlockSpec((C, C), lambda i: (0, 0)),
            pl.BlockSpec((1, C), lambda i: (0, 0)),
            pl.BlockSpec((3, C, C), lambda i: (0, 0, 0)),
            pl.BlockSpec((C, 1), lambda i: (0, 0)),
            pl.BlockSpec((C, 1), lambda i: (0, 0)),
        ],
        out_specs=pl.BlockSpec((1, C, N), lambda i: (
            jnp.where(i < B, 0, i - B), 0, 0)),
        out_shape=jax.ShapeDtypeStruct((B * V, C, N), jnp.float32),
        scratch_shapes=[
            pltpu.VMEM((B * V, C, N), jnp.float32),
            pltpu.VMEM((C, 8), jnp.float32),
        ],
    )(y_flat, ck, ci, span_arr, scale, shift, gcn_w, gcn_b, wu3, g2, b2)


def kernel(x, w_down, bn1_g, bn1_b, gcn_w, gcn_b, w_up, bn2_g, bn2_b,
           batch: Any, span: Any):
    dep = jnp.asarray(batch, jnp.float32) / B
    x3 = x.reshape(B * V, C, N)
    w3 = jnp.transpose(w_down[:, :, :, 0, 0], (2, 0, 1)) * dep

    y, scale, shift, simn = _tca(x3, w3, bn1_g[None, :], bn1_b[None, :])
    ck, ci = _sc_topk_cands(simn.reshape(-1))
    ck = ck.reshape(B, T1, K * 16)
    ci = ci.reshape(B, T1, K * 16)
    span_arr = jnp.asarray(span, jnp.int32).reshape(1, 1)

    y_flat = y.reshape(B, NODES, C)
    wu3 = jnp.transpose(w_up[:, :, :, 0, 0], (2, 0, 1))
    out = _tcb(y_flat, ck, ci, span_arr, scale, shift, gcn_w, gcn_b[None, :],
               wu3, bn2_g[:, None], bn2_b[:, None])
    return out.reshape(B * V, C, 14, 14)

# --- scband reference (transcript-rebuilt; emitter-appended) ---
"""Pipeline reference for scband-temporal-graph-57509612094120 (READ-ONLY COPY).

The authoritative reference and input builder live on the scoring server;
editing this copy changes nothing except your own understanding.
"""

import jax, jax.numpy as jnp
import numpy as np

K_NEIGHBORS = 8


def conv3d(x, w):
    return jax.lax.conv_general_dilated(
        x, w, window_strides=(1, 1, 1),
        padding=((1, 1), (0, 0), (0, 0)),
        dimension_numbers=('NCDHW', 'OIDHW', 'NCDHW'))


def batchnorm3d(x, g, b, eps=1e-5):
    mean = jnp.mean(x, axis=(0, 2, 3, 4), keepdims=True)
    var = jnp.var(x, axis=(0, 2, 3, 4), keepdims=True)
    xn = (x - mean) / jnp.sqrt(var + eps)
    return xn * g.reshape(1, -1, 1, 1, 1) + b.reshape(1, -1, 1, 1, 1)


def cdist(x, y):
    # x, y: (b, t, n, c) -> (b, t, n, n) euclidean distance
    x2 = jnp.sum(x * x, axis=-1)
    y2 = jnp.sum(y * y, axis=-1)
    xy = jnp.einsum('btnc,btmc->btnm', x, y)
    d2 = jnp.clip(x2[..., :, None] + y2[..., None, :] - 2.0 * xy, 0.0, None)
    return jnp.sqrt(d2)


def gcn_conv(x, edge_index, W, bias):
    # x: (N, c), edge_index: (2, E). PyG GCNConv with self-loops + sym norm.
    N = x.shape[0]
    loop = jnp.arange(N, dtype=edge_index.dtype)
    src = jnp.concatenate([edge_index[0], loop])
    dst = jnp.concatenate([edge_index[1], loop])
    deg = jnp.zeros((N,), dtype=x.dtype).at[dst].add(1.0)
    dinv = jnp.where(deg > 0, 1.0 / jnp.sqrt(deg), 0.0)
    norm = dinv[src] * dinv[dst]
    h = x @ W.T
    out = jnp.zeros_like(h).at[dst].add(h[src] * norm[:, None])
    return out + bias


def forward(x, w_down, bn1_g, bn1_b, gcn_w, gcn_b, w_up, bn2_g, bn2_b, batch, span):
    tlen, c, hgt, wid = x.shape
    b = 4
    span_s = 1
    v = tlen // b
    n = hgt * wid
    dep = jnp.asarray(batch, dtype=x.dtype) / b
    xr = jnp.transpose(x.reshape(b, v, c, hgt, wid), (0, 2, 1, 3, 4)) * dep  # b c v h w
    xd = batchnorm3d(conv3d(xr, w_down), bn1_g, bn1_b)
    xf = xd.reshape(b, c, v, n)  # b c v (h w)
    x1 = xf[:, :, :-span_s, :]
    x2 = xf[:, :, span_s:, :]

    def sim_fn(xa, xb):
        xa = jnp.transpose(xa, (0, 2, 3, 1))  # b t n c
        xb = jnp.transpose(xb, (0, 2, 3, 1))
        return -cdist(xa, xb)

    sim = jax.lax.stop_gradient(sim_fn(x1, x2))  # torch.no_grad
    t1 = v - span_s
    simf = sim.reshape(b, t1, -1)
    nrm = jnp.linalg.norm(simf, axis=-1, keepdims=True)
    simn = simf / jnp.maximum(nrm, 1e-12)
    _, topk_idx = jax.lax.top_k(simn, K_NEIGHBORS)  # (b, t1, k)
    row = topk_idx // n
    col = topk_idx % n
    offs = jnp.arange(t1)
    row_g = row + (offs * n)[None, :, None]
    col_g = col + ((offs + span) * n)[None, :, None]
    fe = jnp.stack([row_g.reshape(b, -1), col_g.reshape(b, -1)], axis=-1)  # (b, t1*k, 2)
    fe_re = jnp.stack([fe[:, :, 1], fe[:, :, 0]], axis=-1)
    edges = jnp.transpose(jnp.concatenate([fe, fe_re], axis=1), (0, 2, 1))  # (b, 2, 2*t1*k)
    edges = jax.lax.stop_gradient(edges)
    xn = jnp.transpose(xf, (0, 2, 3, 1)).reshape(b, v * n, c)  # b (v n) c
    out = jax.vmap(lambda xi, ei: gcn_conv(xi, ei, gcn_w, gcn_b))(xn, edges)
    xo = jnp.transpose(out, (0, 2, 1)).reshape(b, c, v, hgt, wid)
    xo = batchnorm3d(conv3d(xo, w_up), bn2_g, bn2_b)
    return jnp.transpose(xo, (0, 2, 1, 3, 4)).reshape(tlen, c, hgt, wid)


def setup_inputs(seed: int = 0):
    key = jax.random.key(seed)
    ks = jax.random.split(key, 8)
    C = 256
    x = jax.random.normal(ks[0], (32, C, 14, 14), dtype=jnp.float32)
    w_down = jax.random.normal(ks[1], (C, C, 3, 1, 1), dtype=jnp.float32) * 0.05
    bn1_g = jnp.ones((C,), dtype=jnp.float32)
    bn1_b = jnp.zeros((C,), dtype=jnp.float32)
    gcn_w = jax.random.normal(ks[2], (C, C), dtype=jnp.float32) * 0.05
    gcn_b = jnp.zeros((C,), dtype=jnp.float32)
    w_up = jax.random.normal(ks[3], (C, C, 3, 1, 1), dtype=jnp.float32) * 0.05
    bn2_g = jnp.ones((C,), dtype=jnp.float32)
    bn2_b = jnp.zeros((C,), dtype=jnp.float32)
    return {"x": x, "w_down": w_down, "bn1_g": bn1_g, "bn1_b": bn1_b,
            "gcn_w": gcn_w, "gcn_b": gcn_b, "w_up": w_up,
            "bn2_g": bn2_g, "bn2_b": bn2_b, "batch": 4, "span": 1}


def reference(x, w_down, bn1_g, bn1_b, gcn_w, gcn_b, w_up, bn2_g, bn2_b, batch, span):
    return forward(x, w_down, bn1_g, bn1_b, gcn_w, gcn_b, w_up, bn2_g, bn2_b, batch, span)

if __name__ == "__main__":
    import jax
    _d = setup_inputs()
    print(jax.jit(kernel)(*tuple(_d.values())))

</pallas_src>

<mosaic_0001>
#map = affine_map<(d0, d1) -> (0)>
module attributes {stable_mosaic.version = 14 : i64} {
  func.func @body(%arg0: i32, %arg1: i32, %arg2: memref<1075648xf32, #tpu.memory_space<hbm>>, %arg3: memref<3584xf32, #tpu.memory_space<hbm>>, %arg4: memref<3584xi32, #tpu.memory_space<hbm>>, %arg5: memref<38416xf32, #tpu.memory_space<vmem>>, %arg6: memref<128xf32, #tpu.memory_space<vmem>>, %arg7: memref<128xi32, #tpu.memory_space<vmem>>, %arg8: memref<!tpu.dma_semaphore, #tpu.memory_space<semaphore_mem>>, %arg9: memref<!tpu.dma_semaphore, #tpu.memory_space<semaphore_mem>>, %arg10: memref<!tpu.dma_semaphore, #tpu.memory_space<semaphore_mem>>, %arg11: memref<!tpu.dma_semaphore, #tpu.memory_space<semaphore_mem>>) attributes {dimension_semantics = [#tpu.dimension_semantics<core_parallel>, #tpu.dimension_semantics<subcore_parallel>], iteration_bounds = array<i64: 2, 16>, scalar_prefetch = 0 : i64, scratch_operands = 7 : i64, tpu.core_type = #tpu.core_type<sc_vector_subcore>, window_params = [{transform_indices = #map}, {transform_indices = #map}, {transform_indices = #map}]} {
    %mul3A = arith.constant 2 : i32
    %mul3A_0 = arith.muli %arg1, %mul3A : i32
    %add3A = arith.addi %mul3A_0, %arg0 : i32
    %lt3A = arith.constant 28 : i32
    %lt3A_1 = arith.cmpi slt, %add3A, %lt3A : i32
    %convert_element_type3A = arith.extui %lt3A_1 : i1 to i32
    %cond3A = arith.constant 0 : i32
    %cond3A_2 = arith.cmpi ne, %convert_element_type3A, %cond3A : i32
    scf.if %cond3A_2 {
      %mul3A_3 = arith.constant 38416 : i32
      %mul3A_4 = arith.muli %add3A, %mul3A_3 : i32
      %add3A_5 = arith.constant 0 : i32
      %add3A_6 = arith.addi %mul3A_4, %add3A_5 : i32
      %dma_start3A = arith.constant 0 : i32
      %dma_start3A_7 = tpu.memref_slice %arg5[%dma_start3A] : memref<38416xf32, #tpu.memory_space<vmem>> -> memref<9600xf32, #tpu.memory_space<vmem>>
      %dma_start3A_8 = tpu.memref_slice %arg2[%add3A_6] : memref<1075648xf32, #tpu.memory_space<hbm>> -> memref<9600xf32, #tpu.memory_space<hbm>>
      %dma_start3A_9 = arith.constant 0 : i32
      %dma_start3A_10 = tpu.memref_slice %arg5[%dma_start3A_9] : memref<38416xf32, #tpu.memory_space<vmem>> -> memref<9600xf32, #tpu.memory_space<vmem>>
      %dma_start3A_11 = tpu.memref_slice %arg2[%add3A_6] : memref<1075648xf32, #tpu.memory_space<hbm>> -> memref<9600xf32, #tpu.memory_space<hbm>>
      tpu.enqueue_dma source(%dma_start3A_11 : memref<9600xf32, #tpu.memory_space<hbm>>) target(%dma_start3A_10 : memref<9600xf32, #tpu.memory_space<vmem>>) target_semaphore(%arg8 : memref<!tpu.dma_semaphore, #tpu.memory_space<semaphore_mem>>)
      %mul3A_12 = arith.constant 38416 : i32
      %mul3A_13 = arith.muli %add3A, %mul3A_12 : i32
      %add3A_14 = arith.constant 9600 : i32
      %add3A_15 = arith.addi %mul3A_13, %add3A_14 : i32
      %dma_start3A_16 = arith.constant 9600 : i32
      %dma_start3A_17 = tpu.memref_slice %arg5[%dma_start3A_16] : memref<38416xf32, #tpu.memory_space<vmem>> -> memref<9600xf32, #tpu.memory_space<vmem>>
      %dma_start3A_18 = tpu.memref_slice %arg2[%add3A_15] : memref<1075648xf32, #tpu.memory_space<hbm>> -> memref<9600xf32, #tpu.memory_space<hbm>>
      %dma_start3A_19 = arith.constant 9600 : i32
      %dma_start3A_20 = tpu.memref_slice %arg5[%dma_start3A_19] : memref<38416xf32, #tpu.memory_space<vmem>> -> memref<9600xf32, #tpu.memory_space<vmem>>
      %dma_start3A_21 = tpu.memref_slice %arg2[%add3A_15] : memref<1075648xf32, #tpu.memory_space<hbm>> -> memref<9600xf32, #tpu.memory_space<hbm>>
      tpu.enqueue_dma source(%dma_start3A_21 : memref<9600xf32, #tpu.memory_space<hbm>>) target(%dma_start3A_20 : memref<9600xf32, #tpu.memory_space<vmem>>) target_semaphore(%arg9 : memref<!tpu.dma_semaphore, #tpu.memory_space<semaphore_mem>>)
      %mul3A_22 = arith.constant 38416 : i32
      %mul3A_23 = arith.muli %add3A, %mul3A_22 : i32
      %add3A_24 = arith.constant 19200 : i32
      %add3A_25 = arith.addi %mul3A_23, %add3A_24 : i32
      %dma_start3A_26 = arith.constant 19200 : i32
      %dma_start3A_27 = tpu.memref_slice %arg5[%dma_start3A_26] : memref<38416xf32, #tpu.memory_space<vmem>> -> memref<9600xf32, #tpu.memory_space<vmem>>
      %dma_start3A_28 = tpu.memref_slice %arg2[%add3A_25] : memref<1075648xf32, #tpu.memory_space<hbm>> -> memref<9600xf32, #tpu.memory_space<hbm>>
      %dma_start3A_29 = arith.constant 19200 : i32
      %dma_start3A_30 = tpu.memref_slice %arg5[%dma_start3A_29] : memref<38416xf32, #tpu.memory_space<vmem>> -> memref<9600xf32, #tpu.memory_space<vmem>>
      %dma_start3A_31 = tpu.memref_slice %arg2[%add3A_25] : memref<1075648xf32, #tpu.memory_space<hbm>> -> memref<9600xf32, #tpu.memory_space<hbm>>
      tpu.enqueue_dma source(%dma_start3A_31 : memref<9600xf32, #tpu.memory_space<hbm>>) target(%dma_start3A_30 : memref<9600xf32, #tpu.memory_space<vmem>>) target_semaphore(%arg10 : memref<!tpu.dma_semaphore, #tpu.memory_space<semaphore_mem>>)
      %mul3A_32 = arith.constant 38416 : i32
      %mul3A_33 = arith.muli %add3A, %mul3A_32 : i32
      %add3A_34 = arith.constant 28800 : i32
      %add3A_35 = arith.addi %mul3A_33, %add3A_34 : i32
      %dma_start3A_36 = arith.constant 28800 : i32
      %dma_start3A_37 = tpu.memref_slice %arg5[%dma_start3A_36] : memref<38416xf32, #tpu.memory_space<vmem>> -> memref<9616xf32, #tpu.memory_space<vmem>>
      %dma_start3A_38 = tpu.memref_slice %arg2[%add3A_35] : memref<1075648xf32, #tpu.memory_space<hbm>> -> memref<9616xf32, #tpu.memory_space<hbm>>
      %dma_start3A_39 = arith.constant 28800 : i32
      %dma_start3A_40 = tpu.memref_slice %arg5[%dma_start3A_39] : memref<38416xf32, #tpu.memory_space<vmem>> -> memref<9616xf32, #tpu.memory_space<vmem>>
      %dma_start3A_41 = tpu.memref_slice %arg2[%add3A_35] : memref<1075648xf32, #tpu.memory_space<hbm>> -> memref<9616xf32, #tpu.memory_space<hbm>>
      tpu.enqueue_dma source(%dma_start3A_41 : memref<9616xf32, #tpu.memory_space<hbm>>) target(%dma_start3A_40 : memref<9616xf32, #tpu.memory_space<vmem>>) target_semaphore(%arg11 : memref<!tpu.dma_semaphore, #tpu.memory_space<semaphore_mem>>)
      %iota3A = tpu.iota {dimensions = array<i32: 0>} : vector<16xi32>
      %broadcast_in_dim3A = arith.constant 0xFF800000 : f32
      %broadcast_in_dim3A_42 = vector.broadcast %broadcast_in_dim3A : f32 to vector<16xf32>
      %broadcast_in_dim3A_43 = arith.constant 0xFF800000 : f32
      %broadcast_in_dim3A_44 = vector.broadcast %broadcast_in_dim3A_43 : f32 to vector<16xf32>
      %broadcast_in_dim3A_45 = arith.constant 0xFF800000 : f32
      %broadcast_in_dim3A_46 = vector.broadcast %broadcast_in_dim3A_45 : f32 to vector<16xf32>
      %broadcast_in_dim3A_47 = arith.constant 0xFF800000 : f32
      %broadcast_in_dim3A_48 = vector.broadcast %broadcast_in_dim3A_47 : f32 to vector<16xf32>
      %broadcast_in_dim3A_49 = arith.constant 0xFF800000 : f32
      %broadcast_in_dim3A_50 = vector.broadcast %broadcast_in_dim3A_49 : f32 to vector<16xf32>
      %broadcast_in_dim3A_51 = arith.constant 0xFF800000 : f32
      %broadcast_in_dim3A_52 = vector.broadcast %broadcast_in_dim3A_51 : f32 to vector<16xf32>
      %broadcast_in_dim3A_53 = arith.constant 0xFF800000 : f32
      %broadcast_in_dim3A_54 = vector.broadcast %broadcast_in_dim3A_53 : f32 to vector<16xf32>
      %broadcast_in_dim3A_55 = arith.constant 0xFF800000 : f32
      %broadcast_in_dim3A_56 = vector.broadcast %broadcast_in_dim3A_55 : f32 to vector<16xf32>
      %broadcast_in_dim3A_57 = arith.constant 1073741824 : i32
      %broadcast_in_dim3A_58 = vector.broadcast %broadcast_in_dim3A_57 : i32 to vector<16xi32>
      %broadcast_in_dim3A_59 = arith.constant 1073741824 : i32
      %broadcast_in_dim3A_60 = vector.broadcast %broadcast_in_dim3A_59 : i32 to vector<16xi32>
      %broadcast_in_dim3A_61 = arith.constant 1073741824 : i32
      %broadcast_in_dim3A_62 = vector.broadcast %broadcast_in_dim3A_61 : i32 to vector<16xi32>
      %broadcast_in_dim3A_63 = arith.constant 1073741824 : i32
      %broadcast_in_dim3A_64 = vector.broadcast %broadcast_in_dim3A_63 : i32 to vector<16xi32>
      %broadcast_in_dim3A_65 = arith.constant 1073741824 : i32
      %broadcast_in_dim3A_66 = vector.broadcast %broadcast_in_dim3A_65 : i32 to vector<16xi32>
      %broadcast_in_dim3A_67 = arith.constant 1073741824 : i32
      %broadcast_in_dim3A_68 = vector.broadcast %broadcast_in_dim3A_67 : i32 to vector<16xi32>
      %broadcast_in_dim3A_69 = arith.constant 1073741824 : i32
      %broadcast_in_dim3A_70 = vector.broadcast %broadcast_in_dim3A_69 : i32 to vector<16xi32>
      %broadcast_in_dim3A_71 = arith.constant 1073741824 : i32
      %broadcast_in_dim3A_72 = vector.broadcast %broadcast_in_dim3A_71 : i32 to vector<16xi32>
      %dma_wait3A = arith.constant 0 : i32
      %dma_wait3A_73 = tpu.memref_slice %arg5[%dma_wait3A] : memref<38416xf32, #tpu.memory_space<vmem>> -> memref<9600xf32, #tpu.memory_space<vmem>>
      %dma_wait3A_74 = tpu.memref_slice %arg2[%add3A_6] : memref<1075648xf32, #tpu.memory_space<hbm>> -> memref<9600xf32, #tpu.memory_space<hbm>>
      %dma_wait3A_75 = arith.constant 0 : i32
      %dma_wait3A_76 = tpu.memref_slice %arg5[%dma_wait3A_75] : memref<38416xf32, #tpu.memory_space<vmem>> -> memref<9600xf32, #tpu.memory_space<vmem>>
      %dma_wait3A_77 = tpu.memref_slice %arg2[%add3A_6] : memref<1075648xf32, #tpu.memory_space<hbm>> -> memref<9600xf32, #tpu.memory_space<hbm>>
      tpu.wait_dma2 semaphore(%arg8 : memref<!tpu.dma_semaphore, #tpu.memory_space<semaphore_mem>>) src(%dma_wait3A_77 : memref<9600xf32, #tpu.memory_space<hbm>>) dst(%dma_wait3A_76 : memref<9600xf32, #tpu.memory_space<vmem>>)
      %scan3A = arith.constant 0 : i32
      %scan3A_78 = arith.constant 300 : i32
      %scan3A_79 = arith.addi %scan3A, %scan3A_78 : i32
      %scan3A_80 = arith.constant 1 : i32
      %scan3A_81:32 = scf.for %scan3A_806 = %scan3A to %scan3A_79 step %scan3A_80 iter_args(%scan3A_807 = %broadcast_in_dim3A_42, %scan3A_808 = %broadcast_in_dim3A_44, %scan3A_809 = %broadcast_in_dim3A_46, %scan3A_810 = %broadcast_in_dim3A_48, %scan3A_811 = %broadcast_in_dim3A_50, %scan3A_812 = %broadcast_in_dim3A_52, %scan3A_813 = %broadcast_in_dim3A_54, %scan3A_814 = %broadcast_in_dim3A_56, %scan3A_815 = %broadcast_in_dim3A_58, %scan3A_816 = %broadcast_in_dim3A_60, %scan3A_817 = %broadcast_in_dim3A_62, %scan3A_818 = %broadcast_in_dim3A_64, %scan3A_819 = %broadcast_in_dim3A_66, %scan3A_820 = %broadcast_in_dim3A_68, %scan3A_821 = %broadcast_in_dim3A_70, %scan3A_822 = %broadcast_in_dim3A_72, %scan3A_823 = %broadcast_in_dim3A_42, %scan3A_824 = %broadcast_in_dim3A_44, %scan3A_825 = %broadcast_in_dim3A_46, %scan3A_826 = %broadcast_in_dim3A_48, %scan3A_827 = %broadcast_in_dim3A_50, %scan3A_828 = %broadcast_in_dim3A_52, %scan3A_829 = %broadcast_in_dim3A_54, %scan3A_830 = %broadcast_in_dim3A_56, %scan3A_831 = %broadcast_in_dim3A_58, %scan3A_832 = %broadcast_in_dim3A_60, %scan3A_833 = %broadcast_in_dim3A_62, %scan3A_834 = %broadcast_in_dim3A_64, %scan3A_835 = %broadcast_in_dim3A_66, %scan3A_836 = %broadcast_in_dim3A_68, %scan3A_837 = %broadcast_in_dim3A_70, %scan3A_838 = %broadcast_in_dim3A_72) -> (vector<16xf32>, vector<16xf32>, vector<16xf32>, vector<16xf32>, vector<16xf32>, vector<16xf32>, vector<16xf32>, vector<16xf32>, vector<16xi32>, vector<16xi32>, vector<16xi32>, vector<16xi32>, vector<16xi32>, vector<16xi32>, vector<16xi32>, vector<16xi32>, vector<16xf32>, vector<16xf32>, vector<16xf32>, vector<16xf32>, vector<16xf32>, vector<16xf32>, vector<16xf32>, vector<16xf32>, vector<16xi32>, vector<16xi32>, vector<16xi32>, vector<16xi32>, vector<16xi32>, vector<16xi32>, vector<16xi32>, vector<16xi32>)  : i32 {
        %mul3A_839 = arith.constant 32 : i32
        %mul3A_840 = arith.muli %scan3A_806, %mul3A_839 : i32
        %get3A_841 = arith.index_cast %mul3A_840 : i32 to index
        %get3A_842 = tpu.vector_load %arg5[%get3A_841] {strides = array<i32>} : memref<38416xf32, #tpu.memory_space<vmem>>, vector<16xf32>,
        %get3A_843 = vector.shape_cast %get3A_842 : vector<16xf32> to vector<16xf32>
        %add3A_844 = arith.constant 16 : i32
        %add3A_845 = arith.addi %mul3A_840, %add3A_844 : i32
        %get3A_846 = arith.index_cast %add3A_845 : i32 to index
        %get3A_847 = tpu.vector_load %arg5[%get3A_846] {strides = array<i32>} : memref<38416xf32, #tpu.memory_space<vmem>>, vector<16xf32>,
        %get3A_848 = vector.shape_cast %get3A_847 : vector<16xf32> to vector<16xf32>
        %add3A_849 = vector.broadcast %mul3A_840 : i32 to vector<16xi32>
        %add3A_850 = arith.addi %add3A_849, %iota3A : vector<16xi32>
        %gt3A_851 = arith.cmpf ogt, %get3A_843, %scan3A_807 : vector<16xf32>
        %select_n3A_852 = arith.select %gt3A_851, %get3A_843, %scan3A_807 : vector<16xi1>, vector<16xf32>
        %select_n3A_853 = arith.select %gt3A_851, %scan3A_807, %get3A_843 : vector<16xi1>, vector<16xf32>
        %select_n3A_854 = arith.select %gt3A_851, %add3A_850, %scan3A_815 : vector<16xi1>, vector<16xi32>
        %select_n3A_855 = arith.select %gt3A_851, %scan3A_815, %add3A_850 : vector<16xi1>, vector<16xi32>
        %gt3A_856 = arith.cmpf ogt, %select_n3A_853, %scan3A_808 : vector<16xf32>
        %select_n3A_857 = arith.select %gt3A_856, %select_n3A_853, %scan3A_808 : vector<16xi1>, vector<16xf32>
        %select_n3A_858 = arith.select %gt3A_856, %scan3A_808, %select_n3A_853 : vector<16xi1>, vector<16xf32>
        %select_n3A_859 = arith.select %gt3A_856, %select_n3A_855, %scan3A_816 : vector<16xi1>, vector<16xi32>
        %select_n3A_860 = arith.select %gt3A_856, %scan3A_816, %select_n3A_855 : vector<16xi1>, vector<16xi32>
        %gt3A_861 = arith.cmpf ogt, %select_n3A_858, %scan3A_809 : vector<16xf32>
        %select_n3A_862 = arith.select %gt3A_861, %select_n3A_858, %scan3A_809 : vector<16xi1>, vector<16xf32>
        %select_n3A_863 = arith.select %gt3A_861, %scan3A_809, %select_n3A_858 : vector<16xi1>, vector<16xf32>
        %select_n3A_864 = arith.select %gt3A_861, %select_n3A_860, %scan3A_817 : vector<16xi1>, vector<16xi32>
        %select_n3A_865 = arith.select %gt3A_861, %scan3A_817, %select_n3A_860 : vector<16xi1>, vector<16xi32>
        %gt3A_866 = arith.cmpf ogt, %select_n3A_863, %scan3A_810 : vector<16xf32>
        %select_n3A_867 = arith.select %gt3A_866, %select_n3A_863, %scan3A_810 : vector<16xi1>, vector<16xf32>
        %select_n3A_868 = arith.select %gt3A_866, %scan3A_810, %select_n3A_863 : vector<16xi1>, vector<16xf32>
        %select_n3A_869 = arith.select %gt3A_866, %select_n3A_865, %scan3A_818 : vector<16xi1>, vector<16xi32>
        %select_n3A_870 = arith.select %gt3A_866, %scan3A_818, %select_n3A_865 : vector<16xi1>, vector<16xi32>
        %gt3A_871 = arith.cmpf ogt, %select_n3A_868, %scan3A_811 : vector<16xf32>
        %select_n3A_872 = arith.select %gt3A_871, %select_n3A_868, %scan3A_811 : vector<16xi1>, vector<16xf32>
        %select_n3A_873 = arith.select %gt3A_871, %scan3A_811, %select_n3A_868 : vector<16xi1>, vector<16xf32>
        %select_n3A_874 = arith.select %gt3A_871, %select_n3A_870, %scan3A_819 : vector<16xi1>, vector<16xi32>
        %select_n3A_875 = arith.select %gt3A_871, %scan3A_819, %select_n3A_870 : vector<16xi1>, vector<16xi32>
        %gt3A_876 = arith.cmpf ogt, %select_n3A_873, %scan3A_812 : vector<16xf32>
        %select_n3A_877 = arith.select %gt3A_876, %select_n3A_873, %scan3A_812 : vector<16xi1>, vector<16xf32>
        %select_n3A_878 = arith.select %gt3A_876, %scan3A_812, %select_n3A_873 : vector<16xi1>, vector<16xf32>
        %select_n3A_879 = arith.select %gt3A_876, %select_n3A_875, %scan3A_820 : vector<16xi1>, vector<16xi32>
        %select_n3A_880 = arith.select %gt3A_876, %scan3A_820, %select_n3A_875 : vector<16xi1>, vector<16xi32>
        %gt3A_881 = arith.cmpf ogt, %select_n3A_878, %scan3A_813 : vector<16xf32>
        %select_n3A_882 = arith.select %gt3A_881, %select_n3A_878, %scan3A_813 : vector<16xi1>, vector<16xf32>
        %select_n3A_883 = arith.select %gt3A_881, %scan3A_813, %select_n3A_878 : vector<16xi1>, vector<16xf32>
        %select_n3A_884 = arith.select %gt3A_881, %select_n3A_880, %scan3A_821 : vector<16xi1>, vector<16xi32>
        %select_n3A_885 = arith.select %gt3A_881, %scan3A_821, %select_n3A_880 : vector<16xi1>, vector<16xi32>
        %gt3A_886 = arith.cmpf ogt, %select_n3A_883, %scan3A_814 : vector<16xf32>
        %select_n3A_887 = arith.select %gt3A_886, %select_n3A_883, %scan3A_814 : vector<16xi1>, vector<16xf32>
        %select_n3A_888 = arith.select %gt3A_886, %scan3A_814, %select_n3A_883 : vector<16xi1>, vector<16xf32>
        %select_n3A_889 = arith.select %gt3A_886, %select_n3A_885, %scan3A_822 : vector<16xi1>, vector<16xi32>
        %select_n3A_890 = arith.select %gt3A_886, %scan3A_822, %select_n3A_885 : vector<16xi1>, vector<16xi32>
        %add3A_891 = arith.constant 16 : i32
        %add3A_892 = arith.addi %mul3A_840, %add3A_891 : i32
        %add3A_893 = vector.broadcast %add3A_892 : i32 to vector<16xi32>
        %add3A_894 = arith.addi %add3A_893, %iota3A : vector<16xi32>
        %gt3A_895 = arith.cmpf ogt, %get3A_848, %scan3A_823 : vector<16xf32>
        %select_n3A_896 = arith.select %gt3A_895, %get3A_848, %scan3A_823 : vector<16xi1>, vector<16xf32>
        %select_n3A_897 = arith.select %gt3A_895, %scan3A_823, %get3A_848 : vector<16xi1>, vector<16xf32>
        %select_n3A_898 = arith.select %gt3A_895, %add3A_894, %scan3A_831 : vector<16xi1>, vector<16xi32>
        %select_n3A_899 = arith.select %gt3A_895, %scan3A_831, %add3A_894 : vector<16xi1>, vector<16xi32>
        %gt3A_900 = arith.cmpf ogt, %select_n3A_897, %scan3A_824 : vector<16xf32>
        %select_n3A_901 = arith.select %gt3A_900, %select_n3A_897, %scan3A_824 : vector<16xi1>, vector<16xf32>
        %select_n3A_902 = arith.select %gt3A_900, %scan3A_824, %select_n3A_897 : vector<16xi1>, vector<16xf32>
        %select_n3A_903 = arith.select %gt3A_900, %select_n3A_899, %scan3A_832 : vector<16xi1>, vector<16xi32>
        %select_n3A_904 = arith.select %gt3A_900, %scan3A_832, %select_n3A_899 : vector<16xi1>, vector<16xi32>
        %gt3A_905 = arith.cmpf ogt, %select_n3A_902, %scan3A_825 : vector<16xf32>
        %select_n3A_906 = arith.select %gt3A_905, %select_n3A_902, %scan3A_825 : vector<16xi1>, vector<16xf32>
        %select_n3A_907 = arith.select %gt3A_905, %scan3A_825, %select_n3A_902 : vector<16xi1>, vector<16xf32>
        %select_n3A_908 = arith.select %gt3A_905, %select_n3A_904, %scan3A_833 : vector<16xi1>, vector<16xi32>
        %select_n3A_909 = arith.select %gt3A_905, %scan3A_833, %select_n3A_904 : vector<16xi1>, vector<16xi32>
        %gt3A_910 = arith.cmpf ogt, %select_n3A_907, %scan3A_826 : vector<16xf32>
        %select_n3A_911 = arith.select %gt3A_910, %select_n3A_907, %scan3A_826 : vector<16xi1>, vector<16xf32>
        %select_n3A_912 = arith.select %gt3A_910, %scan3A_826, %select_n3A_907 : vector<16xi1>, vector<16xf32>
        %select_n3A_913 = arith.select %gt3A_910, %select_n3A_909, %scan3A_834 : vector<16xi1>, vector<16xi32>
        %select_n3A_914 = arith.select %gt3A_910, %scan3A_834, %select_n3A_909 : vector<16xi1>, vector<16xi32>
        %gt3A_915 = arith.cmpf ogt, %select_n3A_912, %scan3A_827 : vector<16xf32>
        %select_n3A_916 = arith.select %gt3A_915, %select_n3A_912, %scan3A_827 : vector<16xi1>, vector<16xf32>
        %select_n3A_917 = arith.select %gt3A_915, %scan3A_827, %select_n3A_912 : vector<16xi1>, vector<16xf32>
        %select_n3A_918 = arith.select %gt3A_915, %select_n3A_914, %scan3A_835 : vector<16xi1>, vector<16xi32>
        %select_n3A_919 = arith.select %gt3A_915, %scan3A_835, %select_n3A_914 : vector<16xi1>, vector<16xi32>
        %gt3A_920 = arith.cmpf ogt, %select_n3A_917, %scan3A_828 : vector<16xf32>
        %select_n3A_921 = arith.select %gt3A_920, %select_n3A_917, %scan3A_828 : vector<16xi1>, vector<16xf32>
        %select_n3A_922 = arith.select %gt3A_920, %scan3A_828, %select_n3A_917 : vector<16xi1>, vector<16xf32>
        %select_n3A_923 = arith.select %gt3A_920, %select_n3A_919, %scan3A_836 : vector<16xi1>, vector<16xi32>
        %select_n3A_924 = arith.select %gt3A_920, %scan3A_836, %select_n3A_919 : vector<16xi1>, vector<16xi32>
        %gt3A_925 = arith.cmpf ogt, %select_n3A_922, %scan3A_829 : vector<16xf32>
        %select_n3A_926 = arith.select %gt3A_925, %select_n3A_922, %scan3A_829 : vector<16xi1>, vector<16xf32>
        %select_n3A_927 = arith.select %gt3A_925, %scan3A_829, %select_n3A_922 : vector<16xi1>, vector<16xf32>
        %select_n3A_928 = arith.select %gt3A_925, %select_n3A_924, %scan3A_837 : vector<16xi1>, vector<16xi32>
        %select_n3A_929 = arith.select %gt3A_925, %scan3A_837, %select_n3A_924 : vector<16xi1>, vector<16xi32>
        %gt3A_930 = arith.cmpf ogt, %select_n3A_927, %scan3A_830 : vector<16xf32>
        %select_n3A_931 = arith.select %gt3A_930, %select_n3A_927, %scan3A_830 : vector<16xi1>, vector<16xf32>
        %select_n3A_932 = arith.select %gt3A_930, %scan3A_830, %select_n3A_927 : vector<16xi1>, vector<16xf32>
        %select_n3A_933 = arith.select %gt3A_930, %select_n3A_929, %scan3A_838 : vector<16xi1>, vector<16xi32>
        %select_n3A_934 = arith.select %gt3A_930, %scan3A_838, %select_n3A_929 : vector<16xi1>, vector<16xi32>
        scf.yield %select_n3A_852, %select_n3A_857, %select_n3A_862, %select_n3A_867, %select_n3A_872, %select_n3A_877, %select_n3A_882, %select_n3A_887, %select_n3A_854, %select_n3A_859, %select_n3A_864, %select_n3A_869, %select_n3A_874, %select_n3A_879, %select_n3A_884, %select_n3A_889, %select_n3A_896, %select_n3A_901, %select_n3A_906, %select_n3A_911, %select_n3A_916, %select_n3A_921, %select_n3A_926, %select_n3A_931, %select_n3A_898, %select_n3A_903, %select_n3A_908, %select_n3A_913, %select_n3A_918, %select_n3A_923, %select_n3A_928, %select_n3A_933 : vector<16xf32>, vector<16xf32>, vector<16xf32>, vector<16xf32>, vector<16xf32>, vector<16xf32>, vector<16xf32>, vector<16xf32>, vector<16xi32>, vector<16xi32>, vector<16xi32>, vector<16xi32>, vector<16xi32>, vector<16xi32>, vector<16xi32>, vector<16xi32>, vector<16xf32>, vector<16xf32>, vector<16xf32>, vector<16xf32>, vector<16xf32>, vector<16xf32>, vector<16xf32>, vector<16xf32>, vector<16xi32>, vector<16xi32>, vector<16xi32>, vector<16xi32>, vector<16xi32>, vector<16xi32>, vector<16xi32>, vector<16xi32>
      }
      %scan3A_82 = arith.constant 300 : i32
      %dma_wait3A_83 = arith.constant 9600 : i32
      %dma_wait3A_84 = tpu.memref_slice %arg5[%dma_wait3A_83] : memref<38416xf32, #tpu.memory_space<vmem>> -> memref<9600xf32, #tpu.memory_space<vmem>>
      %dma_wait3A_85 = tpu.memref_slice %arg2[%add3A_15] : memref<1075648xf32, #tpu.memory_space<hbm>> -> memref<9600xf32, #tpu.memory_space<hbm>>
      %dma_wait3A_86 = arith.constant 9600 : i32
      %dma_wait3A_87 = tpu.memref_slice %arg5[%dma_wait3A_86] : memref<38416xf32, #tpu.memory_space<vmem>> -> memref<9600xf32, #tpu.memory_space<vmem>>
      %dma_wait3A_88 = tpu.memref_slice %arg2[%add3A_15] : memref<1075648xf32, #tpu.memory_space<hbm>> -> memref<9600xf32, #tpu.memory_space<hbm>>
      tpu.wait_dma2 semaphore(%arg9 : memref<!tpu.dma_semaphore, #tpu.memory_space<semaphore_mem>>) src(%dma_wait3A_88 : memref<9600xf32, #tpu.memory_space<hbm>>) dst(%dma_wait3A_87 : memref<9600xf32, #tpu.memory_space<vmem>>)
      %scan3A_89 = arith.constant 300 : i32
      %scan3A_90 = arith.constant 300 : i32
      %scan3A_91 = arith.addi %scan3A_89, %scan3A_90 : i32
      %scan3A_92 = arith.constant 1 : i32
      %scan3A_93:32 = scf.for %scan3A_806 = %scan3A_89 to %scan3A_91 step %scan3A_92 iter_args(%scan3A_807 = %scan3A_81#0, %scan3A_808 = %scan3A_81#1, %scan3A_809 = %scan3A_81#2, %scan3A_810 = %scan3A_81#3, %scan3A_811 = %scan3A_81#4, %scan3A_812 = %scan3A_81#5, %scan3A_813 = %scan3A_81#6, %scan3A_814 = %scan3A_81#7, %scan3A_815 = %scan3A_81#8, %scan3A_816 = %scan3A_81#9, %scan3A_817 = %scan3A_81#10, %scan3A_818 = %scan3A_81#11, %scan3A_819 = %scan3A_81#12, %scan3A_820 = %scan3A_81#13, %scan3A_821 = %scan3A_81#14, %scan3A_822 = %scan3A_81#15, %scan3A_823 = %scan3A_81#16, %scan3A_824 = %scan3A_81#17, %scan3A_825 = %scan3A_81#18, %scan3A_826 = %scan3A_81#19, %scan3A_827 = %scan3A_81#20, %scan3A_828 = %scan3A_81#21, %scan3A_829 = %scan3A_81#22, %scan3A_830 = %scan3A_81#23, %scan3A_831 = %scan3A_81#24, %scan3A_832 = %scan3A_81#25, %scan3A_833 = %scan3A_81#26, %scan3A_834 = %scan3A_81#27, %scan3A_835 = %scan3A_81#28, %scan3A_836 = %scan3A_81#29, %scan3A_837 = %scan3A_81#30, %scan3A_838 = %scan3A_81#31) -> (vector<16xf32>, vector<16xf32>, vector<16xf32>, vector<16xf32>, vector<16xf32>, vector<16xf32>, vector<16xf32>, vector<16xf32>, vector<16xi32>, vector<16xi32>, vector<16xi32>, vector<16xi32>, vector<16xi32>, vector<16xi32>, vector<16xi32>, vector<16xi32>, vector<16xf32>, vector<16xf32>, vector<16xf32>, vector<16xf32>, vector<16xf32>, vector<16xf32>, vector<16xf32>, vector<16xf32>, vector<16xi32>, vector<16xi32>, vector<16xi32>, vector<16xi32>, vector<16xi32>, vector<16xi32>, vector<16xi32>, vector<16xi32>)  : i32 {
        %mul3A_839 = arith.constant 32 : i32
        %mul3A_840 = arith.muli %scan3A_806, %mul3A_839 : i32
        %get3A_841 = arith.index_cast %mul3A_840 : i32 to index
        %get3A_842 = tpu.vector_load %arg5[%get3A_841] {strides = array<i32>} : memref<38416xf32, #tpu.memory_space<vmem>>, vector<16xf32>,
        %get3A_843 = vector.shape_cast %get3A_842 : vector<16xf32> to vector<16xf32>
        %add3A_844 = arith.constant 16 : i32
        %add3A_845 = arith.addi %mul3A_840, %add3A_844 : i32
        %get3A_846 = arith.index_cast %add3A_845 : i32 to index
        %get3A_847 = tpu.vector_load %arg5[%get3A_846] {strides = array<i32>} : memref<38416xf32, #tpu.memory_space<vmem>>, vector<16xf32>,
        %get3A_848 = vector.shape_cast %get3A_847 : vector<16xf32> to vector<16xf32>
        %add3A_849 = vector.broadcast %mul3A_840 : i32 to vector<16xi32>
        %add3A_850 = arith.addi %add3A_849, %iota3A : vector<16xi32>
        %gt3A_851 = arith.cmpf ogt, %get3A_843, %scan3A_807 : vector<16xf32>
        %select_n3A_852 = arith.select %gt3A_851, %get3A_843, %scan3A_807 : vector<16xi1>, vector<16xf32>
        %select_n3A_853 = arith.select %gt3A_851, %scan3A_807, %get3A_843 : vector<16xi1>, vector<16xf32>
        %select_n3A_854 = arith.select %gt3A_851, %add3A_850, %scan3A_815 : vector<16xi1>, vector<16xi32>
        %select_n3A_855 = arith.select %gt3A_851, %scan3A_815, %add3A_850 : vector<16xi1>, vector<16xi32>
        %gt3A_856 = arith.cmpf ogt, %select_n3A_853, %scan3A_808 : vector<16xf32>
        %select_n3A_857 = arith.select %gt3A_856, %select_n3A_853, %scan3A_808 : vector<16xi1>, vector<16xf32>
        %select_n3A_858 = arith.select %gt3A_856, %scan3A_808, %select_n3A_853 : vector<16xi1>, vector<16xf32>
        %select_n3A_859 = arith.select %gt3A_856, %select_n3A_855, %scan3A_816 : vector<16xi1>, vector<16xi32>
        %select_n3A_860 = arith.select %gt3A_856, %scan3A_816, %select_n3A_855 : vector<16xi1>, vector<16xi32>
        %gt3A_861 = arith.cmpf ogt, %select_n3A_858, %scan3A_809 : vector<16xf32>
        %select_n3A_862 = arith.select %gt3A_861, %select_n3A_858, %scan3A_809 : vector<16xi1>, vector<16xf32>
        %select_n3A_863 = arith.select %gt3A_861, %scan3A_809, %select_n3A_858 : vector<16xi1>, vector<16xf32>
        %select_n3A_864 = arith.select %gt3A_861, %select_n3A_860, %scan3A_817 : vector<16xi1>, vector<16xi32>
        %select_n3A_865 = arith.select %gt3A_861, %scan3A_817, %select_n3A_860 : vector<16xi1>, vector<16xi32>
        %gt3A_866 = arith.cmpf ogt, %select_n3A_863, %scan3A_810 : vector<16xf32>
        %select_n3A_867 = arith.select %gt3A_866, %select_n3A_863, %scan3A_810 : vector<16xi1>, vector<16xf32>
        %select_n3A_868 = arith.select %gt3A_866, %scan3A_810, %select_n3A_863 : vector<16xi1>, vector<16xf32>
        %select_n3A_869 = arith.select %gt3A_866, %select_n3A_865, %scan3A_818 : vector<16xi1>, vector<16xi32>
        %select_n3A_870 = arith.select %gt3A_866, %scan3A_818, %select_n3A_865 : vector<16xi1>, vector<16xi32>
        %gt3A_871 = arith.cmpf ogt, %select_n3A_868, %scan3A_811 : vector<16xf32>
        %select_n3A_872 = arith.select %gt3A_871, %select_n3A_868, %scan3A_811 : vector<16xi1>, vector<16xf32>
        %select_n3A_873 = arith.select %gt3A_871, %scan3A_811, %select_n3A_868 : vector<16xi1>, vector<16xf32>
        %select_n3A_874 = arith.select %gt3A_871, %select_n3A_870, %scan3A_819 : vector<16xi1>, vector<16xi32>
        %select_n3A_875 = arith.select %gt3A_871, %scan3A_819, %select_n3A_870 : vector<16xi1>, vector<16xi32>
        %gt3A_876 = arith.cmpf ogt, %select_n3A_873, %scan3A_812 : vector<16xf32>
        %select_n3A_877 = arith.select %gt3A_876, %select_n3A_873, %scan3A_812 : vector<16xi1>, vector<16xf32>
        %select_n3A_878 = arith.select %gt3A_876, %scan3A_812, %select_n3A_873 : vector<16xi1>, vector<16xf32>
        %select_n3A_879 = arith.select %gt3A_876, %select_n3A_875, %scan3A_820 : vector<16xi1>, vector<16xi32>
        %select_n3A_880 = arith.select %gt3A_876, %scan3A_820, %select_n3A_875 : vector<16xi1>, vector<16xi32>
        %gt3A_881 = arith.cmpf ogt, %select_n3A_878, %scan3A_813 : vector<16xf32>
        %select_n3A_882 = arith.select %gt3A_881, %select_n3A_878, %scan3A_813 : vector<16xi1>, vector<16xf32>
        %select_n3A_883 = arith.select %gt3A_881, %scan3A_813, %select_n3A_878 : vector<16xi1>, vector<16xf32>
        %select_n3A_884 = arith.select %gt3A_881, %select_n3A_880, %scan3A_821 : vector<16xi1>, vector<16xi32>
        %select_n3A_885 = arith.select %gt3A_881, %scan3A_821, %select_n3A_880 : vector<16xi1>, vector<16xi32>
        %gt3A_886 = arith.cmpf ogt, %select_n3A_883, %scan3A_814 : vector<16xf32>
        %select_n3A_887 = arith.select %gt3A_886, %select_n3A_883, %scan3A_814 : vector<16xi1>, vector<16xf32>
        %select_n3A_888 = arith.select %gt3A_886, %scan3A_814, %select_n3A_883 : vector<16xi1>, vector<16xf32>
        %select_n3A_889 = arith.select %gt3A_886, %select_n3A_885, %scan3A_822 : vector<16xi1>, vector<16xi32>
        %select_n3A_890 = arith.select %gt3A_886, %scan3A_822, %select_n3A_885 : vector<16xi1>, vector<16xi32>
        %add3A_891 = arith.constant 16 : i32
        %add3A_892 = arith.addi %mul3A_840, %add3A_891 : i32
        %add3A_893 = vector.broadcast %add3A_892 : i32 to vector<16xi32>
        %add3A_894 = arith.addi %add3A_893, %iota3A : vector<16xi32>
        %gt3A_895 = arith.cmpf ogt, %get3A_848, %scan3A_823 : vector<16xf32>
        %select_n3A_896 = arith.select %gt3A_895, %get3A_848, %scan3A_823 : vector<16xi1>, vector<16xf32>
        %select_n3A_897 = arith.select %gt3A_895, %scan3A_823, %get3A_848 : vector<16xi1>, vector<16xf32>
        %select_n3A_898 = arith.select %gt3A_895, %add3A_894, %scan3A_831 : vector<16xi1>, vector<16xi32>
        %select_n3A_899 = arith.select %gt3A_895, %scan3A_831, %add3A_894 : vector<16xi1>, vector<16xi32>
        %gt3A_900 = arith.cmpf ogt, %select_n3A_897, %scan3A_824 : vector<16xf32>
        %select_n3A_901 = arith.select %gt3A_900, %select_n3A_897, %scan3A_824 : vector<16xi1>, vector<16xf32>
        %select_n3A_902 = arith.select %gt3A_900, %scan3A_824, %select_n3A_897 : vector<16xi1>, vector<16xf32>
        %select_n3A_903 = arith.select %gt3A_900, %select_n3A_899, %scan3A_832 : vector<16xi1>, vector<16xi32>
        %select_n3A_904 = arith.select %gt3A_900, %scan3A_832, %select_n3A_899 : vector<16xi1>, vector<16xi32>
        %gt3A_905 = arith.cmpf ogt, %select_n3A_902, %scan3A_825 : vector<16xf32>
        %select_n3A_906 = arith.select %gt3A_905, %select_n3A_902, %scan3A_825 : vector<16xi1>, vector<16xf32>
        %select_n3A_907 = arith.select %gt3A_905, %scan3A_825, %select_n3A_902 : vector<16xi1>, vector<16xf32>
        %select_n3A_908 = arith.select %gt3A_905, %select_n3A_904, %scan3A_833 : vector<16xi1>, vector<16xi32>
        %select_n3A_909 = arith.select %gt3A_905, %scan3A_833, %select_n3A_904 : vector<16xi1>, vector<16xi32>
        %gt3A_910 = arith.cmpf ogt, %select_n3A_907, %scan3A_826 : vector<16xf32>
        %select_n3A_911 = arith.select %gt3A_910, %select_n3A_907, %scan3A_826 : vector<16xi1>, vector<16xf32>
        %select_n3A_912 = arith.select %gt3A_910, %scan3A_826, %select_n3A_907 : vector<16xi1>, vector<16xf32>
        %select_n3A_913 = arith.select %gt3A_910, %select_n3A_909, %scan3A_834 : vector<16xi1>, vector<16xi32>
        %select_n3A_914 = arith.select %gt3A_910, %scan3A_834, %select_n3A_909 : vector<16xi1>, vector<16xi32>
        %gt3A_915 = arith.cmpf ogt, %select_n3A_912, %scan3A_827 : vector<16xf32>
        %select_n3A_916 = arith.select %gt3A_915, %select_n3A_912, %scan3A_827 : vector<16xi1>, vector<16xf32>
        %select_n3A_917 = arith.select %gt3A_915, %scan3A_827, %select_n3A_912 : vector<16xi1>, vector<16xf32>
        %select_n3A_918 = arith.select %gt3A_915, %select_n3A_914, %scan3A_835 : vector<16xi1>, vector<16xi32>
        %select_n3A_919 = arith.select %gt3A_915, %scan3A_835, %select_n3A_914 : vector<16xi1>, vector<16xi32>
        %gt3A_920 = arith.cmpf ogt, %select_n3A_917, %scan3A_828 : vector<16xf32>
        %select_n3A_921 = arith.select %gt3A_920, %select_n3A_917, %scan3A_828 : vector<16xi1>, vector<16xf32>
        %select_n3A_922 = arith.select %gt3A_920, %scan3A_828, %select_n3A_917 : vector<16xi1>, vector<16xf32>
        %select_n3A_923 = arith.select %gt3A_920, %select_n3A_919, %scan3A_836 : vector<16xi1>, vector<16xi32>
        %select_n3A_924 = arith.select %gt3A_920, %scan3A_836, %select_n3A_919 : vector<16xi1>, vector<16xi32>
        %gt3A_925 = arith.cmpf ogt, %select_n3A_922, %scan3A_829 : vector<16xf32>
        %select_n3A_926 = arith.select %gt3A_925, %select_n3A_922, %scan3A_829 : vector<16xi1>, vector<16xf32>
        %select_n3A_927 = arith.select %gt3A_925, %scan3A_829, %select_n3A_922 : vector<16xi1>, vector<16xf32>
        %select_n3A_928 = arith.select %gt3A_925, %select_n3A_924, %scan3A_837 : vector<16xi1>, vector<16xi32>
        %select_n3A_929 = arith.select %gt3A_925, %scan3A_837, %select_n3A_924 : vector<16xi1>, vector<16xi32>
        %gt3A_930 = arith.cmpf ogt, %select_n3A_927, %scan3A_830 : vector<16xf32>
        %select_n3A_931 = arith.select %gt3A_930, %select_n3A_927, %scan3A_830 : vector<16xi1>, vector<16xf32>
        %select_n3A_932 = arith.select %gt3A_930, %scan3A_830, %select_n3A_927 : vector<16xi1>, vector<16xf32>
        %select_n3A_933 = arith.select %gt3A_930, %select_n3A_929, %scan3A_838 : vector<16xi1>, vector<16xi32>
        %select_n3A_934 = arith.select %gt3A_930, %scan3A_838, %select_n3A_929 : vector<16xi1>, vector<16xi32>
        scf.yield %select_n3A_852, %select_n3A_857, %select_n3A_862, %select_n3A_867, %select_n3A_872, %select_n3A_877, %select_n3A_882, %select_n3A_887, %select_n3A_854, %select_n3A_859, %select_n3A_864, %select_n3A_869, %select_n3A_874, %select_n3A_879, %select_n3A_884, %select_n3A_889, %select_n3A_896, %select_n3A_901, %select_n3A_906, %select_n3A_911, %select_n3A_916, %select_n3A_921, %select_n3A_926, %select_n3A_931, %select_n3A_898, %select_n3A_903, %select_n3A_908, %select_n3A_913, %select_n3A_918, %select_n3A_923, %select_n3A_928, %select_n3A_933 : vector<16xf32>, vector<16xf32>, vector<16xf32>, vector<16xf32>, vector<16xf32>, vector<16xf32>, vector<16xf32>, vector<16xf32>, vector<16xi32>, vector<16xi32>, vector<16xi32>, vector<16xi32>, vector<16xi32>, vector<16xi32>, vector<16xi32>, vector<16xi32>, vector<16xf32>, vector<16xf32>, vector<16xf32>, vector<16xf32>, vector<16xf32>, vector<16xf32>, vector<16xf32>, vector<16xf32>, vector<16xi32>, vector<16xi32>, vector<16xi32>, vector<16xi32>, vector<16xi32>, vector<16xi32>, vector<16xi32>, vector<16xi32>
      }
      %scan3A_94 = arith.constant 300 : i32
      %dma_wait3A_95 = arith.constant 19200 : i32
      %dma_wait3A_96 = tpu.memref_slice %arg5[%dma_wait3A_95] : memref<38416xf32, #tpu.memory_space<vmem>> -> memref<9600xf32, #tpu.memory_space<vmem>>
      %dma_wait3A_97 = tpu.memref_slice %arg2[%add3A_25] : memref<1075648xf32, #tpu.memory_space<hbm>> -> memref<9600xf32, #tpu.memory_space<hbm>>
      %dma_wait3A_98 = arith.constant 19200 : i32
      %dma_wait3A_99 = tpu.memref_slice %arg5[%dma_wait3A_98] : memref<38416xf32, #tpu.memory_space<vmem>> -> memref<9600xf32, #tpu.memory_space<vmem>>
      %dma_wait3A_100 = tpu.memref_slice %arg2[%add3A_25] : memref<1075648xf32, #tpu.memory_space<hbm>> -> memref<9600xf32, #tpu.memory_space<hbm>>
      tpu.wait_dma2 semaphore(%arg10 : memref<!tpu.dma_semaphore, #tpu.memory_space<semaphore_mem>>) src(%dma_wait3A_100 : memref<9600xf32, #tpu.memory_space<hbm>>) dst(%dma_wait3A_99 : memref<9600xf32, #tpu.memory_space<vmem>>)
      %scan3A_101 = arith.constant 600 : i32
      %scan3A_102 = arith.constant 300 : i32
      %scan3A_103 = arith.addi %scan3A_101, %scan3A_102 : i32
      %scan3A_104 = arith.constant 1 : i32
      %scan3A_105:32 = scf.for %scan3A_806 = %scan3A_101 to %scan3A_103 step %scan3A_104 iter_args(%scan3A_807 = %scan3A_93#0, %scan3A_808 = %scan3A_93#1, %scan3A_809 = %scan3A_93#2, %scan3A_810 = %scan3A_93#3, %scan3A_811 = %scan3A_93#4, %scan3A_812 = %scan3A_93#5, %scan3A_813 = %scan3A_93#6, %scan3A_814 = %scan3A_93#7, %scan3A_815 = %scan3A_93#8, %scan3A_816 = %scan3A_93#9, %scan3A_817 = %scan3A_93#10, %scan3A_818 = %scan3A_93#11, %scan3A_819 = %scan3A_93#12, %scan3A_820 = %scan3A_93#13, %scan3A_821 = %scan3A_93#14, %scan3A_822 = %scan3A_93#15, %scan3A_823 = %scan3A_93#16, %scan3A_824 = %scan3A_93#17, %scan3A_825 = %scan3A_93#18, %scan3A_826 = %scan3A_93#19, %scan3A_827 = %scan3A_93#20, %scan3A_828 = %scan3A_93#21, %scan3A_829 = %scan3A_93#22, %scan3A_830 = %scan3A_93#23, %scan3A_831 = %scan3A_93#24, %scan3A_832 = %scan3A_93#25, %scan3A_833 = %scan3A_93#26, %scan3A_834 = %scan3A_93#27, %scan3A_835 = %scan3A_93#28, %scan3A_836 = %scan3A_93#29, %scan3A_837 = %scan3A_93#30, %scan3A_838 = %scan3A_93#31) -> (vector<16xf32>, vector<16xf32>, vector<16xf32>, vector<16xf32>, vector<16xf32>, vector<16xf32>, vector<16xf32>, vector<16xf32>, vector<16xi32>, vector<16xi32>, vector<16xi32>, vector<16xi32>, vector<16xi32>, vector<16xi32>, vector<16xi32>, vector<16xi32>, vector<16xf32>, vector<16xf32>, vector<16xf32>, vector<16xf32>, vector<16xf32>, vector<16xf32>, vector<16xf32>, vector<16xf32>, vector<16xi32>, vector<16xi32>, vector<16xi32>, vector<16xi32>, vector<16xi32>, vector<16xi32>, vector<16xi32>, vector<16xi32>)  : i32 {
        %mul3A_839 = arith.constant 32 : i32
        %mul3A_840 = arith.muli %scan3A_806, %mul3A_839 : i32
        %get3A_841 = arith.index_cast %mul3A_840 : i32 to index
        %get3A_842 = tpu.vector_load %arg5[%get3A_841] {strides = array<i32>} : memref<38416xf32, #tpu.memory_space<vmem>>, vector<16xf32>,
        %get3A_843 = vector.shape_cast %get3A_842 : vector<16xf32> to vector<16xf32>
        %add3A_844 = arith.constant 16 : i32
        %add3A_845 = arith.addi %mul3A_840, %add3A_844 : i32
        %get3A_846 = arith.index_cast %add3A_845 : i32 to index
        %get3A_847 = tpu.vector_load %arg5[%get3A_846] {strides = array<i32>} : memref<38416xf32, #tpu.memory_space<vmem>>, vector<16xf32>,
        %get3A_848 = vector.shape_cast %get3A_847 : vector<16xf32> to vector<16xf32>
        %add3A_849 = vector.broadcast %mul3A_840 : i32 to vector<16xi32>
        %add3A_850 = arith.addi %add3A_849, %iota3A : vector<16xi32>
        %gt3A_851 = arith.cmpf ogt, %get3A_843, %scan3A_807 : vector<16xf32>
        %select_n3A_852 = arith.select %gt3A_851, %get3A_843, %scan3A_807 : vector<16xi1>, vector<16xf32>
        %select_n3A_853 = arith.select %gt3A_851, %scan3A_807, %get3A_843 : vector<16xi1>, vector<16xf32>
        %select_n3A_854 = arith.select %gt3A_851, %add3A_850, %scan3A_815 : vector<16xi1>, vector<16xi32>
        %select_n3A_855 = arith.select %gt3A_851, %scan3A_815, %add3A_850 : vector<16xi1>, vector<16xi32>
        %gt3A_856 = arith.cmpf ogt, %select_n3A_853, %scan3A_808 : vector<16xf32>
        %select_n3A_857 = arith.select %gt3A_856, %select_n3A_853, %scan3A_808 : vector<16xi1>, vector<16xf32>
        %select_n3A_858 = arith.select %gt3A_856, %scan3A_808, %select_n3A_853 : vector<16xi1>, vector<16xf32>
        %select_n3A_859 = arith.select %gt3A_856, %select_n3A_855, %scan3A_816 : vector<16xi1>, vector<16xi32>
        %select_n3A_860 = arith.select %gt3A_856, %scan3A_816, %select_n3A_855 : vector<16xi1>, vector<16xi32>
        %gt3A_861 = arith.cmpf ogt, %select_n3A_858, %scan3A_809 : vector<16xf32>
        %select_n3A_862 = arith.select %gt3A_861, %select_n3A_858, %scan3A_809 : vector<16xi1>, vector<16xf32>
        %select_n3A_863 = arith.select %gt3A_861, %scan3A_809, %select_n3A_858 : vector<16xi1>, vector<16xf32>
        %select_n3A_864 = arith.select %gt3A_861, %select_n3A_860, %scan3A_817 : vector<16xi1>, vector<16xi32>
        %select_n3A_865 = arith.select %gt3A_861, %scan3A_817, %select_n3A_860 : vector<16xi1>, vector<16xi32>
        %gt3A_866 = arith.cmpf ogt, %select_n3A_863, %scan3A_810 : vector<16xf32>
        %select_n3A_867 = arith.select %gt3A_866, %select_n3A_863, %scan3A_810 : vector<16xi1>, vector<16xf32>
        %select_n3A_868 = arith.select %gt3A_866, %scan3A_810, %select_n3A_863 : vector<16xi1>, vector<16xf32>
        %select_n3A_869 = arith.select %gt3A_866, %select_n3A_865, %scan3A_818 : vector<16xi1>, vector<16xi32>
        %select_n3A_870 = arith.select %gt3A_866, %scan3A_818, %select_n3A_865 : vector<16xi1>, vector<16xi32>
        %gt3A_871 = arith.cmpf ogt, %select_n3A_868, %scan3A_811 : vector<16xf32>
        %select_n3A_872 = arith.select %gt3A_871, %select_n3A_868, %scan3A_811 : vector<16xi1>, vector<16xf32>
        %select_n3A_873 = arith.select %gt3A_871, %scan3A_811, %select_n3A_868 : vector<16xi1>, vector<16xf32>
        %select_n3A_874 = arith.select %gt3A_871, %select_n3A_870, %scan3A_819 : vector<16xi1>, vector<16xi32>
        %select_n3A_875 = arith.select %gt3A_871, %scan3A_819, %select_n3A_870 : vector<16xi1>, vector<16xi32>
        %gt3A_876 = arith.cmpf ogt, %select_n3A_873, %scan3A_812 : vector<16xf32>
        %select_n3A_877 = arith.select %gt3A_876, %select_n3A_873, %scan3A_812 : vector<16xi1>, vector<16xf32>
        %select_n3A_878 = arith.select %gt3A_876, %scan3A_812, %select_n3A_873 : vector<16xi1>, vector<16xf32>
        %select_n3A_879 = arith.select %gt3A_876, %select_n3A_875, %scan3A_820 : vector<16xi1>, vector<16xi32>
        %select_n3A_880 = arith.select %gt3A_876, %scan3A_820, %select_n3A_875 : vector<16xi1>, vector<16xi32>
        %gt3A_881 = arith.cmpf ogt, %select_n3A_878, %scan3A_813 : vector<16xf32>
        %select_n3A_882 = arith.select %gt3A_881, %select_n3A_878, %scan3A_813 : vector<16xi1>, vector<16xf32>
        %select_n3A_883 = arith.select %gt3A_881, %scan3A_813, %select_n3A_878 : vector<16xi1>, vector<16xf32>
        %select_n3A_884 = arith.select %gt3A_881, %select_n3A_880, %scan3A_821 : vector<16xi1>, vector<16xi32>
        %select_n3A_885 = arith.select %gt3A_881, %scan3A_821, %select_n3A_880 : vector<16xi1>, vector<16xi32>
        %gt3A_886 = arith.cmpf ogt, %select_n3A_883, %scan3A_814 : vector<16xf32>
        %select_n3A_887 = arith.select %gt3A_886, %select_n3A_883, %scan3A_814 : vector<16xi1>, vector<16xf32>
        %select_n3A_888 = arith.select %gt3A_886, %scan3A_814, %select_n3A_883 : vector<16xi1>, vector<16xf32>
        %select_n3A_889 = arith.select %gt3A_886, %select_n3A_885, %scan3A_822 : vector<16xi1>, vector<16xi32>
        %select_n3A_890 = arith.select %gt3A_886, %scan3A_822, %select_n3A_885 : vector<16xi1>, vector<16xi32>
        %add3A_891 = arith.constant 16 : i32
        %add3A_892 = arith.addi %mul3A_840, %add3A_891 : i32
        %add3A_893 = vector.broadcast %add3A_892 : i32 to vector<16xi32>
        %add3A_894 = arith.addi %add3A_893, %iota3A : vector<16xi32>
        %gt3A_895 = arith.cmpf ogt, %get3A_848, %scan3A_823 : vector<16xf32>
        %select_n3A_896 = arith.select %gt3A_895, %get3A_848, %scan3A_823 : vector<16xi1>, vector<16xf32>
        %select_n3A_897 = arith.select %gt3A_895, %scan3A_823, %get3A_848 : vector<16xi1>, vector<16xf32>
        %select_n3A_898 = arith.select %gt3A_895, %add3A_894, %scan3A_831 : vector<16xi1>, vector<16xi32>
        %select_n3A_899 = arith.select %gt3A_895, %scan3A_831, %add3A_894 : vector<16xi1>, vector<16xi32>
        %gt3A_900 = arith.cmpf ogt, %select_n3A_897, %scan3A_824 : vector<16xf32>
        %select_n3A_901 = arith.select %gt3A_900, %select_n3A_897, %scan3A_824 : vector<16xi1>, vector<16xf32>
        %select_n3A_902 = arith.select %gt3A_900, %scan3A_824, %select_n3A_897 : vector<16xi1>, vector<16xf32>
        %select_n3A_903 = arith.select %gt3A_900, %select_n3A_899, %scan3A_832 : vector<16xi1>, vector<16xi32>
        %select_n3A_904 = arith.select %gt3A_900, %scan3A_832, %select_n3A_899 : vector<16xi1>, vector<16xi32>
        %gt3A_905 = arith.cmpf ogt, %select_n3A_902, %scan3A_825 : vector<16xf32>
        %select_n3A_906 = arith.select %gt3A_905, %select_n3A_902, %scan3A_825 : vector<16xi1>, vector<16xf32>
        %select_n3A_907 = arith.select %gt3A_905, %scan3A_825, %select_n3A_902 : vector<16xi1>, vector<16xf32>
        %select_n3A_908 = arith.select %gt3A_905, %select_n3A_904, %scan3A_833 : vector<16xi1>, vector<16xi32>
        %select_n3A_909 = arith.select %gt3A_905, %scan3A_833, %select_n3A_904 : vector<16xi1>, vector<16xi32>
        %gt3A_910 = arith.cmpf ogt, %select_n3A_907, %scan3A_826 : vector<16xf32>
        %select_n3A_911 = arith.select %gt3A_910, %select_n3A_907, %scan3A_826 : vector<16xi1>, vector<16xf32>
        %select_n3A_912 = arith.select %gt3A_910, %scan3A_826, %select_n3A_907 : vector<16xi1>, vector<16xf32>
        %select_n3A_913 = arith.select %gt3A_910, %select_n3A_909, %scan3A_834 : vector<16xi1>, vector<16xi32>
        %select_n3A_914 = arith.select %gt3A_910, %scan3A_834, %select_n3A_909 : vector<16xi1>, vector<16xi32>
        %gt3A_915 = arith.cmpf ogt, %select_n3A_912, %scan3A_827 : vector<16xf32>
        %select_n3A_916 = arith.select %gt3A_915, %select_n3A_912, %scan3A_827 : vector<16xi1>, vector<16xf32>
        %select_n3A_917 = arith.select %gt3A_915, %scan3A_827, %select_n3A_912 : vector<16xi1>, vector<16xf32>
        %select_n3A_918 = arith.select %gt3A_915, %select_n3A_914, %scan3A_835 : vector<16xi1>, vector<16xi32>
        %select_n3A_919 = arith.select %gt3A_915, %scan3A_835, %select_n3A_914 : vector<16xi1>, vector<16xi32>
        %gt3A_920 = arith.cmpf ogt, %select_n3A_917, %scan3A_828 : vector<16xf32>
        %select_n3A_921 = arith.select %gt3A_920, %select_n3A_917, %scan3A_828 : vector<16xi1>, vector<16xf32>
        %select_n3A_922 = arith.select %gt3A_920, %scan3A_828, %select_n3A_917 : vector<16xi1>, vector<16xf32>
        %select_n3A_923 = arith.select %gt3A_920, %select_n3A_919, %scan3A_836 : vector<16xi1>, vector<16xi32>
        %select_n3A_924 = arith.select %gt3A_920, %scan3A_836, %select_n3A_919 : vector<16xi1>, vector<16xi32>
        %gt3A_925 = arith.cmpf ogt, %select_n3A_922, %scan3A_829 : vector<16xf32>
        %select_n3A_926 = arith.select %gt3A_925, %select_n3A_922, %scan3A_829 : vector<16xi1>, vector<16xf32>
        %select_n3A_927 = arith.select %gt3A_925, %scan3A_829, %select_n3A_922 : vector<16xi1>, vector<16xf32>
        %select_n3A_928 = arith.select %gt3A_925, %select_n3A_924, %scan3A_837 : vector<16xi1>, vector<16xi32>
        %select_n3A_929 = arith.select %gt3A_925, %scan3A_837, %select_n3A_924 : vector<16xi1>, vector<16xi32>
        %gt3A_930 = arith.cmpf ogt, %select_n3A_927, %scan3A_830 : vector<16xf32>
        %select_n3A_931 = arith.select %gt3A_930, %select_n3A_927, %scan3A_830 : vector<16xi1>, vector<16xf32>
        %select_n3A_932 = arith.select %gt3A_930, %scan3A_830, %select_n3A_927 : vector<16xi1>, vector<16xf32>
        %select_n3A_933 = arith.select %gt3A_930, %select_n3A_929, %scan3A_838 : vector<16xi1>, vector<16xi32>
        %select_n3A_934 = arith.select %gt3A_930, %scan3A_838, %select_n3A_929 : vector<16xi1>, vector<16xi32>
        scf.yield %select_n3A_852, %select_n3A_857, %select_n3A_862, %select_n3A_867, %select_n3A_872, %select_n3A_877, %select_n3A_882, %select_n3A_887, %select_n3A_854, %select_n3A_859, %select_n3A_864, %select_n3A_869, %select_n3A_874, %select_n3A_879, %select_n3A_884, %select_n3A_889, %select_n3A_896, %select_n3A_901, %select_n3A_906, %select_n3A_911, %select_n3A_916, %select_n3A_921, %select_n3A_926, %select_n3A_931, %select_n3A_898, %select_n3A_903, %select_n3A_908, %select_n3A_913, %select_n3A_918, %select_n3A_923, %select_n3A_928, %select_n3A_933 : vector<16xf32>, vector<16xf32>, vector<16xf32>, vector<16xf32>, vector<16xf32>, vector<16xf32>, vector<16xf32>, vector<16xf32>, vector<16xi32>, vector<16xi32>, vector<16xi32>, vector<16xi32>, vector<16xi32>, vector<16xi32>, vector<16xi32>, vector<16xi32>, vector<16xf32>, vector<16xf32>, vector<16xf32>, vector<16xf32>, vector<16xf32>, vector<16xf32>, vector<16xf32>, vector<16xf32>, vector<16xi32>, vector<16xi32>, vector<16xi32>, vector<16xi32>, vector<16xi32>, vector<16xi32>, vector<16xi32>, vector<16xi32>
      }
      %scan3A_106 = arith.constant 300 : i32
      %dma_wait3A_107 = arith.constant 28800 : i32
      %dma_wait3A_108 = tpu.memref_slice %arg5[%dma_wait3A_107] : memref<38416xf32, #tpu.memory_space<vmem>> -> memref<9616xf32, #tpu.memory_space<vmem>>
      %dma_wait3A_109 = tpu.memref_slice %arg2[%add3A_35] : memref<1075648xf32, #tpu.memory_space<hbm>> -> memref<9616xf32, #tpu.memory_space<hbm>>
      %dma_wait3A_110 = arith.constant 28800 : i32
      %dma_wait3A_111 = tpu.memref_slice %arg5[%dma_wait3A_110] : memref<38416xf32, #tpu.memory_space<vmem>> -> memref<9616xf32, #tpu.memory_space<vmem>>
      %dma_wait3A_112 = tpu.memref_slice %arg2[%add3A_35] : memref<1075648xf32, #tpu.memory_space<hbm>> -> memref<9616xf32, #tpu.memory_space<hbm>>
      tpu.wait_dma2 semaphore(%arg11 : memref<!tpu.dma_semaphore, #tpu.memory_space<semaphore_mem>>) src(%dma_wait3A_112 : memref<9616xf32, #tpu.memory_space<hbm>>) dst(%dma_wait3A_111 : memref<9616xf32, #tpu.memory_space<vmem>>)
      %scan3A_113 = arith.constant 900 : i32
      %scan3A_114 = arith.constant 300 : i32
      %scan3A_115 = arith.addi %scan3A_113, %scan3A_114 : i32
      %scan3A_116 = arith.constant 1 : i32
      %scan3A_117:32 = scf.for %scan3A_806 = %scan3A_113 to %scan3A_115 step %scan3A_116 iter_args(%scan3A_807 = %scan3A_105#0, %scan3A_808 = %scan3A_105#1, %scan3A_809 = %scan3A_105#2, %scan3A_810 = %scan3A_105#3, %scan3A_811 = %scan3A_105#4, %scan3A_812 = %scan3A_105#5, %scan3A_813 = %scan3A_105#6, %scan3A_814 = %scan3A_105#7, %scan3A_815 = %scan3A_105#8, %scan3A_816 = %scan3A_105#9, %scan3A_817 = %scan3A_105#10, %scan3A_818 = %scan3A_105#11, %scan3A_819 = %scan3A_105#12, %scan3A_820 = %scan3A_105#13, %scan3A_821 = %scan3A_105#14, %scan3A_822 = %scan3A_105#15, %scan3A_823 = %scan3A_105#16, %scan3A_824 = %scan3A_105#17, %scan3A_825 = %scan3A_105#18, %scan3A_826 = %scan3A_105#19, %scan3A_827 = %scan3A_105#20, %scan3A_828 = %scan3A_105#21, %scan3A_829 = %scan3A_105#22, %scan3A_830 = %scan3A_105#23, %scan3A_831 = %scan3A_105#24, %scan3A_832 = %scan3A_105#25, %scan3A_833 = %scan3A_105#26, %scan3A_834 = %scan3A_105#27, %scan3A_835 = %scan3A_105#28, %scan3A_836 = %scan3A_105#29, %scan3A_837 = %scan3A_105#30, %scan3A_838 = %scan3A_105#31) -> (vector<16xf32>, vector<16xf32>, vector<16xf32>, vector<16xf32>, vector<16xf32>, vector<16xf32>, vector<16xf32>, vector<16xf32>, vector<16xi32>, vector<16xi32>, vector<16xi32>, vector<16xi32>, vector<16xi32>, vector<16xi32>, vector<16xi32>, vector<16xi32>, vector<16xf32>, vector<16xf32>, vector<16xf32>, vector<16xf32>, vector<16xf32>, vector<16xf32>, vector<16xf32>, vector<16xf32>, vector<16xi32>, vector<16xi32>, vector<16xi32>, vector<16xi32>, vector<16xi32>, vector<16xi32>, vector<16xi32>, vector<16xi32>)  : i32 {
        %mul3A_839 = arith.constant 32 : i32
        %mul3A_840 = arith.muli %scan3A_806, %mul3A_839 : i32
        %get3A_841 = arith.index_cast %mul3A_840 : i32 to index
        %get3A_842 = tpu.vector_load %arg5[%get3A_841] {strides = array<i32>} : memref<38416xf32, #tpu.memory_space<vmem>>, vector<16xf32>,
        %get3A_843 = vector.shape_cast %get3A_842 : vector<16xf32> to vector<16xf32>
        %add3A_844 = arith.constant 16 : i32
        %add3A_845 = arith.addi %mul3A_840, %add3A_844 : i32
        %get3A_846 = arith.index_cast %add3A_845 : i32 to index
        %get3A_847 = tpu.vector_load %arg5[%get3A_846] {strides = array<i32>} : memref<38416xf32, #tpu.memory_space<vmem>>, vector<16xf32>,
        %get3A_848 = vector.shape_cast %get3A_847 : vector<16xf32> to vector<16xf32>
        %add3A_849 = vector.broadcast %mul3A_840 : i32 to vector<16xi32>
        %add3A_850 = arith.addi %add3A_849, %iota3A : vector<16xi32>
        %gt3A_851 = arith.cmpf ogt, %get3A_843, %scan3A_807 : vector<16xf32>
        %select_n3A_852 = arith.select %gt3A_851, %get3A_843, %scan3A_807 : vector<16xi1>, vector<16xf32>
        %select_n3A_853 = arith.select %gt3A_851, %scan3A_807, %get3A_843 : vector<16xi1>, vector<16xf32>
        %select_n3A_854 = arith.select %gt3A_851, %add3A_850, %scan3A_815 : vector<16xi1>, vector<16xi32>
        %select_n3A_855 = arith.select %gt3A_851, %scan3A_815, %add3A_850 : vector<16xi1>, vector<16xi32>
        %gt3A_856 = arith.cmpf ogt, %select_n3A_853, %scan3A_808 : vector<16xf32>
        %select_n3A_857 = arith.select %gt3A_856, %select_n3A_853, %scan3A_808 : vector<16xi1>, vector<16xf32>
        %select_n3A_858 = arith.select %gt3A_856, %scan3A_808, %select_n3A_853 : vector<16xi1>, vector<16xf32>
        %select_n3A_859 = arith.select %gt3A_856, %select_n3A_855, %scan3A_816 : vector<16xi1>, vector<16xi32>
        %select_n3A_860 = arith.select %gt3A_856, %scan3A_816, %select_n3A_855 : vector<16xi1>, vector<16xi32>
        %gt3A_861 = arith.cmpf ogt, %select_n3A_858, %scan3A_809 : vector<16xf32>
        %select_n3A_862 = arith.select %gt3A_861, %select_n3A_858, %scan3A_809 : vector<16xi1>, vector<16xf32>
        %select_n3A_863 = arith.select %gt3A_861, %scan3A_809, %select_n3A_858 : vector<16xi1>, vector<16xf32>
        %select_n3A_864 = arith.select %gt3A_861, %select_n3A_860, %scan3A_817 : vector<16xi1>, vector<16xi32>
        %select_n3A_865 = arith.select %gt3A_861, %scan3A_817, %select_n3A_860 : vector<16xi1>, vector<16xi32>
        %gt3A_866 = arith.cmpf ogt, %select_n3A_863, %scan3A_810 : vector<16xf32>
        %select_n3A_867 = arith.select %gt3A_866, %select_n3A_863, %scan3A_810 : vector<16xi1>, vector<16xf32>
        %select_n3A_868 = arith.select %gt3A_866, %scan3A_810, %select_n3A_863 : vector<16xi1>, vector<16xf32>
        %select_n3A_869 = arith.select %gt3A_866, %select_n3A_865, %scan3A_818 : vector<16xi1>, vector<16xi32>
        %select_n3A_870 = arith.select %gt3A_866, %scan3A_818, %select_n3A_865 : vector<16xi1>, vector<16xi32>
        %gt3A_871 = arith.cmpf ogt, %select_n3A_868, %scan3A_811 : vector<16xf32>
        %select_n3A_872 = arith.select %gt3A_871, %select_n3A_868, %scan3A_811 : vector<16xi1>, vector<16xf32>
        %select_n3A_873 = arith.select %gt3A_871, %scan3A_811, %select_n3A_868 : vector<16xi1>, vector<16xf32>
        %select_n3A_874 = arith.select %gt3A_871, %select_n3A_870, %scan3A_819 : vector<16xi1>, vector<16xi32>
        %select_n3A_875 = arith.select %gt3A_871, %scan3A_819, %select_n3A_870 : vector<16xi1>, vector<16xi32>
        %gt3A_876 = arith.cmpf ogt, %select_n3A_873, %scan3A_812 : vector<16xf32>
        %select_n3A_877 = arith.select %gt3A_876, %select_n3A_873, %scan3A_812 : vector<16xi1>, vector<16xf32>
        %select_n3A_878 = arith.select %gt3A_876, %scan3A_812, %select_n3A_873 : vector<16xi1>, vector<16xf32>
        %select_n3A_879 = arith.select %gt3A_876, %select_n3A_875, %scan3A_820 : vector<16xi1>, vector<16xi32>
        %select_n3A_880 = arith.select %gt3A_876, %scan3A_820, %select_n3A_875 : vector<16xi1>, vector<16xi32>
        %gt3A_881 = arith.cmpf ogt, %select_n3A_878, %scan3A_813 : vector<16xf32>
        %select_n3A_882 = arith.select %gt3A_881, %select_n3A_878, %scan3A_813 : vector<16xi1>, vector<16xf32>
        %select_n3A_883 = arith.select %gt3A_881, %scan3A_813, %select_n3A_878 : vector<16xi1>, vector<16xf32>
        %select_n3A_884 = arith.select %gt3A_881, %select_n3A_880, %scan3A_821 : vector<16xi1>, vector<16xi32>
        %select_n3A_885 = arith.select %gt3A_881, %scan3A_821, %select_n3A_880 : vector<16xi1>, vector<16xi32>
        %gt3A_886 = arith.cmpf ogt, %select_n3A_883, %scan3A_814 : vector<16xf32>
        %select_n3A_887 = arith.select %gt3A_886, %select_n3A_883, %scan3A_814 : vector<16xi1>, vector<16xf32>
        %select_n3A_888 = arith.select %gt3A_886, %scan3A_814, %select_n3A_883 : vector<16xi1>, vector<16xf32>
        %select_n3A_889 = arith.select %gt3A_886, %select_n3A_885, %scan3A_822 : vector<16xi1>, vector<16xi32>
        %select_n3A_890 = arith.select %gt3A_886, %scan3A_822, %select_n3A_885 : vector<16xi1>, vector<16xi32>
        %add3A_891 = arith.constant 16 : i32
        %add3A_892 = arith.addi %mul3A_840, %add3A_891 : i32
        %add3A_893 = vector.broadcast %add3A_892 : i32 to vector<16xi32>
        %add3A_894 = arith.addi %add3A_893, %iota3A : vector<16xi32>
        %gt3A_895 = arith.cmpf ogt, %get3A_848, %scan3A_823 : vector<16xf32>
        %select_n3A_896 = arith.select %gt3A_895, %get3A_848, %scan3A_823 : vector<16xi1>, vector<16xf32>
        %select_n3A_897 = arith.select %gt3A_895, %scan3A_823, %get3A_848 : vector<16xi1>, vector<16xf32>
        %select_n3A_898 = arith.select %gt3A_895, %add3A_894, %scan3A_831 : vector<16xi1>, vector<16xi32>
        %select_n3A_899 = arith.select %gt3A_895, %scan3A_831, %add3A_894 : vector<16xi1>, vector<16xi32>
        %gt3A_900 = arith.cmpf ogt, %select_n3A_897, %scan3A_824 : vector<16xf32>
        %select_n3A_901 = arith.select %gt3A_900, %select_n3A_897, %scan3A_824 : vector<16xi1>, vector<16xf32>
        %select_n3A_902 = arith.select %gt3A_900, %scan3A_824, %select_n3A_897 : vector<16xi1>, vector<16xf32>
        %select_n3A_903 = arith.select %gt3A_900, %select_n3A_899, %scan3A_832 : vector<16xi1>, vector<16xi32>
        %select_n3A_904 = arith.select %gt3A_900, %scan3A_832, %select_n3A_899 : vector<16xi1>, vector<16xi32>
        %gt3A_905 = arith.cmpf ogt, %select_n3A_902, %scan3A_825 : vector<16xf32>
        %select_n3A_906 = arith.select %gt3A_905, %select_n3A_902, %scan3A_825 : vector<16xi1>, vector<16xf32>
        %select_n3A_907 = arith.select %gt3A_905, %scan3A_825, %select_n3A_902 : vector<16xi1>, vector<16xf32>
        %select_n3A_908 = arith.select %gt3A_905, %select_n3A_904, %scan3A_833 : vector<16xi1>, vector<16xi32>
        %select_n3A_909 = arith.select %gt3A_905, %scan3A_833, %select_n3A_904 : vector<16xi1>, vector<16xi32>
        %gt3A_910 = arith.cmpf ogt, %select_n3A_907, %scan3A_826 : vector<16xf32>
        %select_n3A_911 = arith.select %gt3A_910, %select_n3A_907, %scan3A_826 : vector<16xi1>, vector<16xf32>
        %select_n3A_912 = arith.select %gt3A_910, %scan3A_826, %select_n3A_907 : vector<16xi1>, vector<16xf32>
        %select_n3A_913 = arith.select %gt3A_910, %select_n3A_909, %scan3A_834 : vector<16xi1>, vector<16xi32>
        %select_n3A_914 = arith.select %gt3A_910, %scan3A_834, %select_n3A_909 : vector<16xi1>, vector<16xi32>
        %gt3A_915 = arith.cmpf ogt, %select_n3A_912, %scan3A_827 : vector<16xf32>
        %select_n3A_916 = arith.select %gt3A_915, %select_n3A_912, %scan3A_827 : vector<16xi1>, vector<16xf32>
        %select_n3A_917 = arith.select %gt3A_915, %scan3A_827, %select_n3A_912 : vector<16xi1>, vector<16xf32>
        %select_n3A_918 = arith.select %gt3A_915, %select_n3A_914, %scan3A_835 : vector<16xi1>, vector<16xi32>
        %select_n3A_919 = arith.select %gt3A_915, %scan3A_835, %select_n3A_914 : vector<16xi1>, vector<16xi32>
        %gt3A_920 = arith.cmpf ogt, %select_n3A_917, %scan3A_828 : vector<16xf32>
        %select_n3A_921 = arith.select %gt3A_920, %select_n3A_917, %scan3A_828 : vector<16xi1>, vector<16xf32>
        %select_n3A_922 = arith.select %gt3A_920, %scan3A_828, %select_n3A_917 : vector<16xi1>, vector<16xf32>
        %select_n3A_923 = arith.select %gt3A_920, %select_n3A_919, %scan3A_836 : vector<16xi1>, vector<16xi32>
        %select_n3A_924 = arith.select %gt3A_920, %scan3A_836, %select_n3A_919 : vector<16xi1>, vector<16xi32>
        %gt3A_925 = arith.cmpf ogt, %select_n3A_922, %scan3A_829 : vector<16xf32>
        %select_n3A_926 = arith.select %gt3A_925, %select_n3A_922, %scan3A_829 : vector<16xi1>, vector<16xf32>
        %select_n3A_927 = arith.select %gt3A_925, %scan3A_829, %select_n3A_922 : vector<16xi1>, vector<16xf32>
        %select_n3A_928 = arith.select %gt3A_925, %select_n3A_924, %scan3A_837 : vector<16xi1>, vector<16xi32>
        %select_n3A_929 = arith.select %gt3A_925, %scan3A_837, %select_n3A_924 : vector<16xi1>, vector<16xi32>
        %gt3A_930 = arith.cmpf ogt, %select_n3A_927, %scan3A_830 : vector<16xf32>
        %select_n3A_931 = arith.select %gt3A_930, %select_n3A_927, %scan3A_830 : vector<16xi1>, vector<16xf32>
        %select_n3A_932 = arith.select %gt3A_930, %scan3A_830, %select_n3A_927 : vector<16xi1>, vector<16xf32>
        %select_n3A_933 = arith.select %gt3A_930, %select_n3A_929, %scan3A_838 : vector<16xi1>, vector<16xi32>
        %select_n3A_934 = arith.select %gt3A_930, %scan3A_838, %select_n3A_929 : vector<16xi1>, vector<16xi32>
        scf.yield %select_n3A_852, %select_n3A_857, %select_n3A_862, %select_n3A_867, %select_n3A_872, %select_n3A_877, %select_n3A_882, %select_n3A_887, %select_n3A_854, %select_n3A_859, %select_n3A_864, %select_n3A_869, %select_n3A_874, %select_n3A_879, %select_n3A_884, %select_n3A_889, %select_n3A_896, %select_n3A_901, %select_n3A_906, %select_n3A_911, %select_n3A_916, %select_n3A_921, %select_n3A_926, %select_n3A_931, %select_n3A_898, %select_n3A_903, %select_n3A_908, %select_n3A_913, %select_n3A_918, %select_n3A_923, %select_n3A_928, %select_n3A_933 : vector<16xf32>, vector<16xf32>, vector<16xf32>, vector<16xf32>, vector<16xf32>, vector<16xf32>, vector<16xf32>, vector<16xf32>, vector<16xi32>, vector<16xi32>, vector<16xi32>, vector<16xi32>, vector<16xi32>, vector<16xi32>, vector<16xi32>, vector<16xi32>, vector<16xf32>, vector<16xf32>, vector<16xf32>, vector<16xf32>, vector<16xf32>, vector<16xf32>, vector<16xf32>, vector<16xf32>, vector<16xi32>, vector<16xi32>, vector<16xi32>, vector<16xi32>, vector<16xi32>, vector<16xi32>, vector<16xi32>, vector<16xi32>
      }
      %scan3A_118 = arith.constant 300 : i32
      %get3A = arith.constant 38400 : index
      %get3A_119 = tpu.vector_load %arg5[%get3A] {strides = array<i32>} : memref<38416xf32, #tpu.memory_space<vmem>>, vector<16xf32>,
      %get3A_120 = vector.shape_cast %get3A_119 : vector<16xf32> to vector<16xf32>
      %add3A_121 = arith.constant 38400 : i32
      %add3A_122 = vector.broadcast %add3A_121 : i32 to vector<16xi32>
      %add3A_123 = arith.addi %add3A_122, %iota3A : vector<16xi32>
      %gt3A = arith.cmpf ogt, %get3A_120, %scan3A_117#0 : vector<16xf32>
      %select_n3A = arith.select %gt3A, %get3A_120, %scan3A_117#0 : vector<16xi1>, vector<16xf32>
      %select_n3A_124 = arith.select %gt3A, %scan3A_117#0, %get3A_120 : vector<16xi1>, vector<16xf32>
      %select_n3A_125 = arith.select %gt3A, %add3A_123, %scan3A_117#8 : vector<16xi1>, vector<16xi32>
      %select_n3A_126 = arith.select %gt3A, %scan3A_117#8, %add3A_123 : vector<16xi1>, vector<16xi32>
      %gt3A_127 = arith.cmpf ogt, %select_n3A_124, %scan3A_117#1 : vector<16xf32>
      %select_n3A_128 = arith.select %gt3A_127, %select_n3A_124, %scan3A_117#1 : vector<16xi1>, vector<16xf32>
      %select_n3A_129 = arith.select %gt3A_127, %scan3A_117#1, %select_n3A_124 : vector<16xi1>, vector<16xf32>
      %select_n3A_130 = arith.select %gt3A_127, %select_n3A_126, %scan3A_117#9 : vector<16xi1>, vector<16xi32>
      %select_n3A_131 = arith.select %gt3A_127, %scan3A_117#9, %select_n3A_126 : vector<16xi1>, vector<16xi32>
      %gt3A_132 = arith.cmpf ogt, %select_n3A_129, %scan3A_117#2 : vector<16xf32>
      %select_n3A_133 = arith.select %gt3A_132, %select_n3A_129, %scan3A_117#2 : vector<16xi1>, vector<16xf32>
      %select_n3A_134 = arith.select %gt3A_132, %scan3A_117#2, %select_n3A_129 : vector<16xi1>, vector<16xf32>
      %select_n3A_135 = arith.select %gt3A_132, %select_n3A_131, %scan3A_117#10 : vector<16xi1>, vector<16xi32>
      %select_n3A_136 = arith.select %gt3A_132, %scan3A_117#10, %select_n3A_131 : vector<16xi1>, vector<16xi32>
      %gt3A_137 = arith.cmpf ogt, %select_n3A_134, %scan3A_117#3 : vector<16xf32>
      %select_n3A_138 = arith.select %gt3A_137, %select_n3A_134, %scan3A_117#3 : vector<16xi1>, vector<16xf32>
      %select_n3A_139 = arith.select %gt3A_137, %scan3A_117#3, %select_n3A_134 : vector<16xi1>, vector<16xf32>
      %select_n3A_140 = arith.select %gt3A_137, %select_n3A_136, %scan3A_117#11 : vector<16xi1>, vector<16xi32>
      %select_n3A_141 = arith.select %gt3A_137, %scan3A_117#11, %select_n3A_136 : vector<16xi1>, vector<16xi32>
      %gt3A_142 = arith.cmpf ogt, %select_n3A_139, %scan3A_117#4 : vector<16xf32>
      %select_n3A_143 = arith.select %gt3A_142, %select_n3A_139, %scan3A_117#4 : vector<16xi1>, vector<16xf32>
      %select_n3A_144 = arith.select %gt3A_142, %scan3A_117#4, %select_n3A_139 : vector<16xi1>, vector<16xf32>
      %select_n3A_145 = arith.select %gt3A_142, %select_n3A_141, %scan3A_117#12 : vector<16xi1>, vector<16xi32>
      %select_n3A_146 = arith.select %gt3A_142, %scan3A_117#12, %select_n3A_141 : vector<16xi1>, vector<16xi32>
      %gt3A_147 = arith.cmpf ogt, %select_n3A_144, %scan3A_117#5 : vector<16xf32>
      %select_n3A_148 = arith.select %gt3A_147, %select_n3A_144, %scan3A_117#5 : vector<16xi1>, vector<16xf32>
      %select_n3A_149 = arith.select %gt3A_147, %scan3A_117#5, %select_n3A_144 : vector<16xi1>, vector<16xf32>
      %select_n3A_150 = arith.select %gt3A_147, %select_n3A_146, %scan3A_117#13 : vector<16xi1>, vector<16xi32>
      %select_n3A_151 = arith.select %gt3A_147, %scan3A_117#13, %select_n3A_146 : vector<16xi1>, vector<16xi32>
      %gt3A_152 = arith.cmpf ogt, %select_n3A_149, %scan3A_117#6 : vector<16xf32>
      %select_n3A_153 = arith.select %gt3A_152, %select_n3A_149, %scan3A_117#6 : vector<16xi1>, vector<16xf32>
      %select_n3A_154 = arith.select %gt3A_152, %scan3A_117#6, %select_n3A_149 : vector<16xi1>, vector<16xf32>
      %select_n3A_155 = arith.select %gt3A_152, %select_n3A_151, %scan3A_117#14 : vector<16xi1>, vector<16xi32>
      %select_n3A_156 = arith.select %gt3A_152, %scan3A_117#14, %select_n3A_151 : vector<16xi1>, vector<16xi32>
      %gt3A_157 = arith.cmpf ogt, %select_n3A_154, %scan3A_117#7 : vector<16xf32>
      %select_n3A_158 = arith.select %gt3A_157, %select_n3A_154, %scan3A_117#7 : vector<16xi1>, vector<16xf32>
      %select_n3A_159 = arith.select %gt3A_157, %scan3A_117#7, %select_n3A_154 : vector<16xi1>, vector<16xf32>
      %select_n3A_160 = arith.select %gt3A_157, %select_n3A_156, %scan3A_117#15 : vector<16xi1>, vector<16xi32>
      %select_n3A_161 = arith.select %gt3A_157, %scan3A_117#15, %select_n3A_156 : vector<16xi1>, vector<16xi32>
      %gt3A_162 = arith.cmpf ogt, %scan3A_117#16, %select_n3A : vector<16xf32>
      %eq3A = arith.cmpf oeq, %scan3A_117#16, %select_n3A : vector<16xf32>
      %lt3A_163 = arith.cmpi slt, %scan3A_117#24, %select_n3A_125 : vector<16xi32>
      %and3A = arith.andi %eq3A, %lt3A_163 : vector<16xi1>
      %or3A = arith.ori %gt3A_162, %and3A : vector<16xi1>
      %select_n3A_164 = arith.select %or3A, %scan3A_117#16, %select_n3A : vector<16xi1>, vector<16xf32>
      %select_n3A_165 = arith.select %or3A, %select_n3A, %scan3A_117#16 : vector<16xi1>, vector<16xf32>
      %select_n3A_166 = arith.select %or3A, %scan3A_117#24, %select_n3A_125 : vector<16xi1>, vector<16xi32>
      %select_n3A_167 = arith.select %or3A, %select_n3A_125, %scan3A_117#24 : vector<16xi1>, vector<16xi32>
      %gt3A_168 = arith.cmpf ogt, %select_n3A_165, %select_n3A_128 : vector<16xf32>
      %eq3A_169 = arith.cmpf oeq, %select_n3A_165, %select_n3A_128 : vector<16xf32>
      %lt3A_170 = arith.cmpi slt, %select_n3A_167, %select_n3A_130 : vector<16xi32>
      %and3A_171 = arith.andi %eq3A_169, %lt3A_170 : vector<16xi1>
      %or3A_172 = arith.ori %gt3A_168, %and3A_171 : vector<16xi1>
      %select_n3A_173 = arith.select %or3A_172, %select_n3A_165, %select_n3A_128 : vector<16xi1>, vector<16xf32>
      %select_n3A_174 = arith.select %or3A_172, %select_n3A_128, %select_n3A_165 : vector<16xi1>, vector<16xf32>
      %select_n3A_175 = arith.select %or3A_172, %select_n3A_167, %select_n3A_130 : vector<16xi1>, vector<16xi32>
      %select_n3A_176 = arith.select %or3A_172, %select_n3A_130, %select_n3A_167 : vector<16xi1>, vector<16xi32>
      %gt3A_177 = arith.cmpf ogt, %select_n3A_174, %select_n3A_133 : vector<16xf32>
      %eq3A_178 = arith.cmpf oeq, %select_n3A_174, %select_n3A_133 : vector<16xf32>
      %lt3A_179 = arith.cmpi slt, %select_n3A_176, %select_n3A_135 : vector<16xi32>
      %and3A_180 = arith.andi %eq3A_178, %lt3A_179 : vector<16xi1>
      %or3A_181 = arith.ori %gt3A_177, %and3A_180 : vector<16xi1>
      %select_n3A_182 = arith.select %or3A_181, %select_n3A_174, %select_n3A_133 : vector<16xi1>, vector<16xf32>
      %select_n3A_183 = arith.select %or3A_181, %select_n3A_133, %select_n3A_174 : vector<16xi1>, vector<16xf32>
      %select_n3A_184 = arith.select %or3A_181, %select_n3A_176, %select_n3A_135 : vector<16xi1>, vector<16xi32>
      %select_n3A_185 = arith.select %or3A_181, %select_n3A_135, %select_n3A_176 : vector<16xi1>, vector<16xi32>
      %gt3A_186 = arith.cmpf ogt, %select_n3A_183, %select_n3A_138 : vector<16xf32>
      %eq3A_187 = arith.cmpf oeq, %select_n3A_183, %select_n3A_138 : vector<16xf32>
      %lt3A_188 = arith.cmpi slt, %select_n3A_185, %select_n3A_140 : vector<16xi32>
      %and3A_189 = arith.andi %eq3A_187, %lt3A_188 : vector<16xi1>
      %or3A_190 = arith.ori %gt3A_186, %and3A_189 : vector<16xi1>
      %select_n3A_191 = arith.select %or3A_190, %select_n3A_183, %select_n3A_138 : vector<16xi1>, vector<16xf32>
      %select_n3A_192 = arith.select %or3A_190, %select_n3A_138, %select_n3A_183 : vector<16xi1>, vector<16xf32>
      %select_n3A_193 = arith.select %or3A_190, %select_n3A_185, %select_n3A_140 : vector<16xi1>, vector<16xi32>
      %select_n3A_194 = arith.select %or3A_190, %select_n3A_140, %select_n3A_185 : vector<16xi1>, vector<16xi32>
      %gt3A_195 = arith.cmpf ogt, %select_n3A_192, %select_n3A_143 : vector<16xf32>
      %eq3A_196 = arith.cmpf oeq, %select_n3A_192, %select_n3A_143 : vector<16xf32>
      %lt3A_197 = arith.cmpi slt, %select_n3A_194, %select_n3A_145 : vector<16xi32>
      %and3A_198 = arith.andi %eq3A_196, %lt3A_197 : vector<16xi1>
      %or3A_199 = arith.ori %gt3A_195, %and3A_198 : vector<16xi1>
      %select_n3A_200 = arith.select %or3A_199, %select_n3A_192, %select_n3A_143 : vector<16xi1>, vector<16xf32>
      %select_n3A_201 = arith.select %or3A_199, %select_n3A_143, %select_n3A_192 : vector<16xi1>, vector<16xf32>
      %select_n3A_202 = arith.select %or3A_199, %select_n3A_194, %select_n3A_145 : vector<16xi1>, vector<16xi32>
      %select_n3A_203 = arith.select %or3A_199, %select_n3A_145, %select_n3A_194 : vector<16xi1>, vector<16xi32>
      %gt3A_204 = arith.cmpf ogt, %select_n3A_201, %select_n3A_148 : vector<16xf32>
      %eq3A_205 = arith.cmpf oeq, %select_n3A_201, %select_n3A_148 : vector<16xf32>
      %lt3A_206 = arith.cmpi slt, %select_n3A_203, %select_n3A_150 : vector<16xi32>
      %and3A_207 = arith.andi %eq3A_205, %lt3A_206 : vector<16xi1>
      %or3A_208 = arith.ori %gt3A_204, %and3A_207 : vector<16xi1>
      %select_n3A_209 = arith.select %or3A_208, %select_n3A_201, %select_n3A_148 : vector<16xi1>, vector<16xf32>
      %select_n3A_210 = arith.select %or3A_208, %select_n3A_148, %select_n3A_201 : vector<16xi1>, vector<16xf32>
      %select_n3A_211 = arith.select %or3A_208, %select_n3A_203, %select_n3A_150 : vector<16xi1>, vector<16xi32>
      %select_n3A_212 = arith.select %or3A_208, %select_n3A_150, %select_n3A_203 : vector<16xi1>, vector<16xi32>
      %gt3A_213 = arith.cmpf ogt, %select_n3A_210, %select_n3A_153 : vector<16xf32>
      %eq3A_214 = arith.cmpf oeq, %select_n3A_210, %select_n3A_153 : vector<16xf32>
      %lt3A_215 = arith.cmpi slt, %select_n3A_212, %select_n3A_155 : vector<16xi32>
      %and3A_216 = arith.andi %eq3A_214, %lt3A_215 : vector<16xi1>
      %or3A_217 = arith.ori %gt3A_213, %and3A_216 : vector<16xi1>
      %select_n3A_218 = arith.select %or3A_217, %select_n3A_210, %select_n3A_153 : vector<16xi1>, vector<16xf32>
      %select_n3A_219 = arith.select %or3A_217, %select_n3A_153, %select_n3A_210 : vector<16xi1>, vector<16xf32>
      %select_n3A_220 = arith.select %or3A_217, %select_n3A_212, %select_n3A_155 : vector<16xi1>, vector<16xi32>
      %select_n3A_221 = arith.select %or3A_217, %select_n3A_155, %select_n3A_212 : vector<16xi1>, vector<16xi32>
      %gt3A_222 = arith.cmpf ogt, %select_n3A_219, %select_n3A_158 : vector<16xf32>
      %eq3A_223 = arith.cmpf oeq, %select_n3A_219, %select_n3A_158 : vector<16xf32>
      %lt3A_224 = arith.cmpi slt, %select_n3A_221, %select_n3A_160 : vector<16xi32>
      %and3A_225 = arith.andi %eq3A_223, %lt3A_224 : vector<16xi1>
      %or3A_226 = arith.ori %gt3A_222, %and3A_225 : vector<16xi1>
      %select_n3A_227 = arith.select %or3A_226, %select_n3A_219, %select_n3A_158 : vector<16xi1>, vector<16xf32>
      %select_n3A_228 = arith.select %or3A_226, %select_n3A_158, %select_n3A_219 : vector<16xi1>, vector<16xf32>
      %select_n3A_229 = arith.select %or3A_226, %select_n3A_221, %select_n3A_160 : vector<16xi1>, vector<16xi32>
      %select_n3A_230 = arith.select %or3A_226, %select_n3A_160, %select_n3A_221 : vector<16xi1>, vector<16xi32>
      %gt3A_231 = arith.cmpf ogt, %scan3A_117#17, %select_n3A_164 : vector<16xf32>
      %eq3A_232 = arith.cmpf oeq, %scan3A_117#17, %select_n3A_164 : vector<16xf32>
      %lt3A_233 = arith.cmpi slt, %scan3A_117#25, %select_n3A_166 : vector<16xi32>
      %and3A_234 = arith.andi %eq3A_232, %lt3A_233 : vector<16xi1>
      %or3A_235 = arith.ori %gt3A_231, %and3A_234 : vector<16xi1>
      %select_n3A_236 = arith.select %or3A_235, %scan3A_117#17, %select_n3A_164 : vector<16xi1>, vector<16xf32>
      %select_n3A_237 = arith.select %or3A_235, %select_n3A_164, %scan3A_117#17 : vector<16xi1>, vector<16xf32>
      %select_n3A_238 = arith.select %or3A_235, %scan3A_117#25, %select_n3A_166 : vector<16xi1>, vector<16xi32>
      %select_n3A_239 = arith.select %or3A_235, %select_n3A_166, %scan3A_117#25 : vector<16xi1>, vector<16xi32>
      %gt3A_240 = arith.cmpf ogt, %select_n3A_237, %select_n3A_173 : vector<16xf32>
      %eq3A_241 = arith.cmpf oeq, %select_n3A_237, %select_n3A_173 : vector<16xf32>
      %lt3A_242 = arith.cmpi slt, %select_n3A_239, %select_n3A_175 : vector<16xi32>
      %and3A_243 = arith.andi %eq3A_241, %lt3A_242 : vector<16xi1>
      %or3A_244 = arith.ori %gt3A_240, %and3A_243 : vector<16xi1>
      %select_n3A_245 = arith.select %or3A_244, %select_n3A_237, %select_n3A_173 : vector<16xi1>, vector<16xf32>
      %select_n3A_246 = arith.select %or3A_244, %select_n3A_173, %select_n3A_237 : vector<16xi1>, vector<16xf32>
      %select_n3A_247 = arith.select %or3A_244, %select_n3A_239, %select_n3A_175 : vector<16xi1>, vector<16xi32>
      %select_n3A_248 = arith.select %or3A_244, %select_n3A_175, %select_n3A_239 : vector<16xi1>, vector<16xi32>
      %gt3A_249 = arith.cmpf ogt, %select_n3A_246, %select_n3A_182 : vector<16xf32>
      %eq3A_250 = arith.cmpf oeq, %select_n3A_246, %select_n3A_182 : vector<16xf32>
      %lt3A_251 = arith.cmpi slt, %select_n3A_248, %select_n3A_184 : vector<16xi32>
      %and3A_252 = arith.andi %eq3A_250, %lt3A_251 : vector<16xi1>
      %or3A_253 = arith.ori %gt3A_249, %and3A_252 : vector<16xi1>
      %select_n3A_254 = arith.select %or3A_253, %select_n3A_246, %select_n3A_182 : vector<16xi1>, vector<16xf32>
      %select_n3A_255 = arith.select %or3A_253, %select_n3A_182, %select_n3A_246 : vector<16xi1>, vector<16xf32>
      %select_n3A_256 = arith.select %or3A_253, %select_n3A_248, %select_n3A_184 : vector<16xi1>, vector<16xi32>
      %select_n3A_257 = arith.select %or3A_253, %select_n3A_184, %select_n3A_248 : vector<16xi1>, vector<16xi32>
      %gt3A_258 = arith.cmpf ogt, %select_n3A_255, %select_n3A_191 : vector<16xf32>
      %eq3A_259 = arith.cmpf oeq, %select_n3A_255, %select_n3A_191 : vector<16xf32>
      %lt3A_260 = arith.cmpi slt, %select_n3A_257, %select_n3A_193 : vector<16xi32>
      %and3A_261 = arith.andi %eq3A_259, %lt3A_260 : vector<16xi1>
      %or3A_262 = arith.ori %gt3A_258, %and3A_261 : vector<16xi1>
      %select_n3A_263 = arith.select %or3A_262, %select_n3A_255, %select_n3A_191 : vector<16xi1>, vector<16xf32>
      %select_n3A_264 = arith.select %or3A_262, %select_n3A_191, %select_n3A_255 : vector<16xi1>, vector<16xf32>
      %select_n3A_265 = arith.select %or3A_262, %select_n3A_257, %select_n3A_193 : vector<16xi1>, vector<16xi32>
      %select_n3A_266 = arith.select %or3A_262, %select_n3A_193, %select_n3A_257 : vector<16xi1>, vector<16xi32>
      %gt3A_267 = arith.cmpf ogt, %select_n3A_264, %select_n3A_200 : vector<16xf32>
      %eq3A_268 = arith.cmpf oeq, %select_n3A_264, %select_n3A_200 : vector<16xf32>
      %lt3A_269 = arith.cmpi slt, %select_n3A_266, %select_n3A_202 : vector<16xi32>
      %and3A_270 = arith.andi %eq3A_268, %lt3A_269 : vector<16xi1>
      %or3A_271 = arith.ori %gt3A_267, %and3A_270 : vector<16xi1>
      %select_n3A_272 = arith.select %or3A_271, %select_n3A_264, %select_n3A_200 : vector<16xi1>, vector<16xf32>
      %select_n3A_273 = arith.select %or3A_271, %select_n3A_200, %select_n3A_264 : vector<16xi1>, vector<16xf32>
      %select_n3A_274 = arith.select %or3A_271, %select_n3A_266, %select_n3A_202 : vector<16xi1>, vector<16xi32>
      %select_n3A_275 = arith.select %or3A_271, %select_n3A_202, %select_n3A_266 : vector<16xi1>, vector<16xi32>
      %gt3A_276 = arith.cmpf ogt, %select_n3A_273, %select_n3A_209 : vector<16xf32>
      %eq3A_277 = arith.cmpf oeq, %select_n3A_273, %select_n3A_209 : vector<16xf32>
      %lt3A_278 = arith.cmpi slt, %select_n3A_275, %select_n3A_211 : vector<16xi32>
      %and3A_279 = arith.andi %eq3A_277, %lt3A_278 : vector<16xi1>
      %or3A_280 = arith.ori %gt3A_276, %and3A_279 : vector<16xi1>
      %select_n3A_281 = arith.select %or3A_280, %select_n3A_273, %select_n3A_209 : vector<16xi1>, vector<16xf32>
      %select_n3A_282 = arith.select %or3A_280, %select_n3A_209, %select_n3A_273 : vector<16xi1>, vector<16xf32>
      %select_n3A_283 = arith.select %or3A_280, %select_n3A_275, %select_n3A_211 : vector<16xi1>, vector<16xi32>
      %select_n3A_284 = arith.select %or3A_280, %select_n3A_211, %select_n3A_275 : vector<16xi1>, vector<16xi32>
      %gt3A_285 = arith.cmpf ogt, %select_n3A_282, %select_n3A_218 : vector<16xf32>
      %eq3A_286 = arith.cmpf oeq, %select_n3A_282, %select_n3A_218 : vector<16xf32>
      %lt3A_287 = arith.cmpi slt, %select_n3A_284, %select_n3A_220 : vector<16xi32>
      %and3A_288 = arith.andi %eq3A_286, %lt3A_287 : vector<16xi1>
      %or3A_289 = arith.ori %gt3A_285, %and3A_288 : vector<16xi1>
      %select_n3A_290 = arith.select %or3A_289, %select_n3A_282, %select_n3A_218 : vector<16xi1>, vector<16xf32>
      %select_n3A_291 = arith.select %or3A_289, %select_n3A_218, %select_n3A_282 : vector<16xi1>, vector<16xf32>
      %select_n3A_292 = arith.select %or3A_289, %select_n3A_284, %select_n3A_220 : vector<16xi1>, vector<16xi32>
      %select_n3A_293 = arith.select %or3A_289, %select_n3A_220, %select_n3A_284 : vector<16xi1>, vector<16xi32>
      %gt3A_294 = arith.cmpf ogt, %select_n3A_291, %select_n3A_227 : vector<16xf32>
      %eq3A_295 = arith.cmpf oeq, %select_n3A_291, %select_n3A_227 : vector<16xf32>
      %lt3A_296 = arith.cmpi slt, %select_n3A_293, %select_n3A_229 : vector<16xi32>
      %and3A_297 = arith.andi %eq3A_295, %lt3A_296 : vector<16xi1>
      %or3A_298 = arith.ori %gt3A_294, %and3A_297 : vector<16xi1>
      %select_n3A_299 = arith.select %or3A_298, %select_n3A_291, %select_n3A_227 : vector<16xi1>, vector<16xf32>
      %select_n3A_300 = arith.select %or3A_298, %select_n3A_227, %select_n3A_291 : vector<16xi1>, vector<16xf32>
      %select_n3A_301 = arith.select %or3A_298, %select_n3A_293, %select_n3A_229 : vector<16xi1>, vector<16xi32>
      %select_n3A_302 = arith.select %or3A_298, %select_n3A_229, %select_n3A_293 : vector<16xi1>, vector<16xi32>
      %gt3A_303 = arith.cmpf ogt, %scan3A_117#18, %select_n3A_236 : vector<16xf32>
      %eq3A_304 = arith.cmpf oeq, %scan3A_117#18, %select_n3A_236 : vector<16xf32>
      %lt3A_305 = arith.cmpi slt, %scan3A_117#26, %select_n3A_238 : vector<16xi32>
      %and3A_306 = arith.andi %eq3A_304, %lt3A_305 : vector<16xi1>
      %or3A_307 = arith.ori %gt3A_303, %and3A_306 : vector<16xi1>
      %select_n3A_308 = arith.select %or3A_307, %scan3A_117#18, %select_n3A_236 : vector<16xi1>, vector<16xf32>
      %select_n3A_309 = arith.select %or3A_307, %select_n3A_236, %scan3A_117#18 : vector<16xi1>, vector<16xf32>
      %select_n3A_310 = arith.select %or3A_307, %scan3A_117#26, %select_n3A_238 : vector<16xi1>, vector<16xi32>
      %select_n3A_311 = arith.select %or3A_307, %select_n3A_238, %scan3A_117#26 : vector<16xi1>, vector<16xi32>
      %gt3A_312 = arith.cmpf ogt, %select_n3A_309, %select_n3A_245 : vector<16xf32>
      %eq3A_313 = arith.cmpf oeq, %select_n3A_309, %select_n3A_245 : vector<16xf32>
      %lt3A_314 = arith.cmpi slt, %select_n3A_311, %select_n3A_247 : vector<16xi32>
      %and3A_315 = arith.andi %eq3A_313, %lt3A_314 : vector<16xi1>
      %or3A_316 = arith.ori %gt3A_312, %and3A_315 : vector<16xi1>
      %select_n3A_317 = arith.select %or3A_316, %select_n3A_309, %select_n3A_245 : vector<16xi1>, vector<16xf32>
      %select_n3A_318 = arith.select %or3A_316, %select_n3A_245, %select_n3A_309 : vector<16xi1>, vector<16xf32>
      %select_n3A_319 = arith.select %or3A_316, %select_n3A_311, %select_n3A_247 : vector<16xi1>, vector<16xi32>
      %select_n3A_320 = arith.select %or3A_316, %select_n3A_247, %select_n3A_311 : vector<16xi1>, vector<16xi32>
      %gt3A_321 = arith.cmpf ogt, %select_n3A_318, %select_n3A_254 : vector<16xf32>
      %eq3A_322 = arith.cmpf oeq, %select_n3A_318, %select_n3A_254 : vector<16xf32>
      %lt3A_323 = arith.cmpi slt, %select_n3A_320, %select_n3A_256 : vector<16xi32>
      %and3A_324 = arith.andi %eq3A_322, %lt3A_323 : vector<16xi1>
      %or3A_325 = arith.ori %gt3A_321, %and3A_324 : vector<16xi1>
      %select_n3A_326 = arith.select %or3A_325, %select_n3A_318, %select_n3A_254 : vector<16xi1>, vector<16xf32>
      %select_n3A_327 = arith.select %or3A_325, %select_n3A_254, %select_n3A_318 : vector<16xi1>, vector<16xf32>
      %select_n3A_328 = arith.select %or3A_325, %select_n3A_320, %select_n3A_256 : vector<16xi1>, vector<16xi32>
      %select_n3A_329 = arith.select %or3A_325, %select_n3A_256, %select_n3A_320 : vector<16xi1>, vector<16xi32>
      %gt3A_330 = arith.cmpf ogt, %select_n3A_327, %select_n3A_263 : vector<16xf32>
      %eq3A_331 = arith.cmpf oeq, %select_n3A_327, %select_n3A_263 : vector<16xf32>
      %lt3A_332 = arith.cmpi slt, %select_n3A_329, %select_n3A_265 : vector<16xi32>
      %and3A_333 = arith.andi %eq3A_331, %lt3A_332 : vector<16xi1>
      %or3A_334 = arith.ori %gt3A_330, %and3A_333 : vector<16xi1>
      %select_n3A_335 = arith.select %or3A_334, %select_n3A_327, %select_n3A_263 : vector<16xi1>, vector<16xf32>
      %select_n3A_336 = arith.select %or3A_334, %select_n3A_263, %select_n3A_327 : vector<16xi1>, vector<16xf32>
      %select_n3A_337 = arith.select %or3A_334, %select_n3A_329, %select_n3A_265 : vector<16xi1>, vector<16xi32>
      %select_n3A_338 = arith.select %or3A_334, %select_n3A_265, %select_n3A_329 : vector<16xi1>, vector<16xi32>
      %gt3A_339 = arith.cmpf ogt, %select_n3A_336, %select_n3A_272 : vector<16xf32>
      %eq3A_340 = arith.cmpf oeq, %select_n3A_336, %select_n3A_272 : vector<16xf32>
      %lt3A_341 = arith.cmpi slt, %select_n3A_338, %select_n3A_274 : vector<16xi32>
      %and3A_342 = arith.andi %eq3A_340, %lt3A_341 : vector<16xi1>
      %or3A_343 = arith.ori %gt3A_339, %and3A_342 : vector<16xi1>
      %select_n3A_344 = arith.select %or3A_343, %select_n3A_336, %select_n3A_272 : vector<16xi1>, vector<16xf32>
      %select_n3A_345 = arith.select %or3A_343, %select_n3A_272, %select_n3A_336 : vector<16xi1>, vector<16xf32>
      %select_n3A_346 = arith.select %or3A_343, %select_n3A_338, %select_n3A_274 : vector<16xi1>, vector<16xi32>
      %select_n3A_347 = arith.select %or3A_343, %select_n3A_274, %select_n3A_338 : vector<16xi1>, vector<16xi32>
      %gt3A_348 = arith.cmpf ogt, %select_n3A_345, %select_n3A_281 : vector<16xf32>
      %eq3A_349 = arith.cmpf oeq, %select_n3A_345, %select_n3A_281 : vector<16xf32>
      %lt3A_350 = arith.cmpi slt, %select_n3A_347, %select_n3A_283 : vector<16xi32>
      %and3A_351 = arith.andi %eq3A_349, %lt3A_350 : vector<16xi1>
      %or3A_352 = arith.ori %gt3A_348, %and3A_351 : vector<16xi1>
      %select_n3A_353 = arith.select %or3A_352, %select_n3A_345, %select_n3A_281 : vector<16xi1>, vector<16xf32>
      %select_n3A_354 = arith.select %or3A_352, %select_n3A_281, %select_n3A_345 : vector<16xi1>, vector<16xf32>
      %select_n3A_355 = arith.select %or3A_352, %select_n3A_347, %select_n3A_283 : vector<16xi1>, vector<16xi32>
      %select_n3A_356 = arith.select %or3A_352, %select_n3A_283, %select_n3A_347 : vector<16xi1>, vector<16xi32>
      %gt3A_357 = arith.cmpf ogt, %select_n3A_354, %select_n3A_290 : vector<16xf32>
      %eq3A_358 = arith.cmpf oeq, %select_n3A_354, %select_n3A_290 : vector<16xf32>
      %lt3A_359 = arith.cmpi slt, %select_n3A_356, %select_n3A_292 : vector<16xi32>
      %and3A_360 = arith.andi %eq3A_358, %lt3A_359 : vector<16xi1>
      %or3A_361 = arith.ori %gt3A_357, %and3A_360 : vector<16xi1>
      %select_n3A_362 = arith.select %or3A_361, %select_n3A_354, %select_n3A_290 : vector<16xi1>, vector<16xf32>
      %select_n3A_363 = arith.select %or3A_361, %select_n3A_290, %select_n3A_354 : vector<16xi1>, vector<16xf32>
      %select_n3A_364 = arith.select %or3A_361, %select_n3A_356, %select_n3A_292 : vector<16xi1>, vector<16xi32>
      %select_n3A_365 = arith.select %or3A_361, %select_n3A_292, %select_n3A_356 : vector<16xi1>, vector<16xi32>
      %gt3A_366 = arith.cmpf ogt, %select_n3A_363, %select_n3A_299 : vector<16xf32>
      %eq3A_367 = arith.cmpf oeq, %select_n3A_363, %select_n3A_299 : vector<16xf32>
      %lt3A_368 = arith.cmpi slt, %select_n3A_365, %select_n3A_301 : vector<16xi32>
      %and3A_369 = arith.andi %eq3A_367, %lt3A_368 : vector<16xi1>
      %or3A_370 = arith.ori %gt3A_366, %and3A_369 : vector<16xi1>
      %select_n3A_371 = arith.select %or3A_370, %select_n3A_363, %select_n3A_299 : vector<16xi1>, vector<16xf32>
      %select_n3A_372 = arith.select %or3A_370, %select_n3A_299, %select_n3A_363 : vector<16xi1>, vector<16xf32>
      %select_n3A_373 = arith.select %or3A_370, %select_n3A_365, %select_n3A_301 : vector<16xi1>, vector<16xi32>
      %select_n3A_374 = arith.select %or3A_370, %select_n3A_301, %select_n3A_365 : vector<16xi1>, vector<16xi32>
      %gt3A_375 = arith.cmpf ogt, %scan3A_117#19, %select_n3A_308 : vector<16xf32>
      %eq3A_376 = arith.cmpf oeq, %scan3A_117#19, %select_n3A_308 : vector<16xf32>
      %lt3A_377 = arith.cmpi slt, %scan3A_117#27, %select_n3A_310 : vector<16xi32>
      %and3A_378 = arith.andi %eq3A_376, %lt3A_377 : vector<16xi1>
      %or3A_379 = arith.ori %gt3A_375, %and3A_378 : vector<16xi1>
      %select_n3A_380 = arith.select %or3A_379, %scan3A_117#19, %select_n3A_308 : vector<16xi1>, vector<16xf32>
      %select_n3A_381 = arith.select %or3A_379, %select_n3A_308, %scan3A_117#19 : vector<16xi1>, vector<16xf32>
      %select_n3A_382 = arith.select %or3A_379, %scan3A_117#27, %select_n3A_310 : vector<16xi1>, vector<16xi32>
      %select_n3A_383 = arith.select %or3A_379, %select_n3A_310, %scan3A_117#27 : vector<16xi1>, vector<16xi32>
      %gt3A_384 = arith.cmpf ogt, %select_n3A_381, %select_n3A_317 : vector<16xf32>
      %eq3A_385 = arith.cmpf oeq, %select_n3A_381, %select_n3A_317 : vector<16xf32>
      %lt3A_386 = arith.cmpi slt, %select_n3A_383, %select_n3A_319 : vector<16xi32>
      %and3A_387 = arith.andi %eq3A_385, %lt3A_386 : vector<16xi1>
      %or3A_388 = arith.ori %gt3A_384, %and3A_387 : vector<16xi1>
      %select_n3A_389 = arith.select %or3A_388, %select_n3A_381, %select_n3A_317 : vector<16xi1>, vector<16xf32>
      %select_n3A_390 = arith.select %or3A_388, %select_n3A_317, %select_n3A_381 : vector<16xi1>, vector<16xf32>
      %select_n3A_391 = arith.select %or3A_388, %select_n3A_383, %select_n3A_319 : vector<16xi1>, vector<16xi32>
      %select_n3A_392 = arith.select %or3A_388, %select_n3A_319, %select_n3A_383 : vector<16xi1>, vector<16xi32>
      %gt3A_393 = arith.cmpf ogt, %select_n3A_390, %select_n3A_326 : vector<16xf32>
      %eq3A_394 = arith.cmpf oeq, %select_n3A_390, %select_n3A_326 : vector<16xf32>
      %lt3A_395 = arith.cmpi slt, %select_n3A_392, %select_n3A_328 : vector<16xi32>
      %and3A_396 = arith.andi %eq3A_394, %lt3A_395 : vector<16xi1>
      %or3A_397 = arith.ori %gt3A_393, %and3A_396 : vector<16xi1>
      %select_n3A_398 = arith.select %or3A_397, %select_n3A_390, %select_n3A_326 : vector<16xi1>, vector<16xf32>
      %select_n3A_399 = arith.select %or3A_397, %select_n3A_326, %select_n3A_390 : vector<16xi1>, vector<16xf32>
      %select_n3A_400 = arith.select %or3A_397, %select_n3A_392, %select_n3A_328 : vector<16xi1>, vector<16xi32>
      %select_n3A_401 = arith.select %or3A_397, %select_n3A_328, %select_n3A_392 : vector<16xi1>, vector<16xi32>
      %gt3A_402 = arith.cmpf ogt, %select_n3A_399, %select_n3A_335 : vector<16xf32>
      %eq3A_403 = arith.cmpf oeq, %select_n3A_399, %select_n3A_335 : vector<16xf32>
      %lt3A_404 = arith.cmpi slt, %select_n3A_401, %select_n3A_337 : vector<16xi32>
      %and3A_405 = arith.andi %eq3A_403, %lt3A_404 : vector<16xi1>
      %or3A_406 = arith.ori %gt3A_402, %and3A_405 : vector<16xi1>
      %select_n3A_407 = arith.select %or3A_406, %select_n3A_399, %select_n3A_335 : vector<16xi1>, vector<16xf32>
      %select_n3A_408 = arith.select %or3A_406, %select_n3A_335, %select_n3A_399 : vector<16xi1>, vector<16xf32>
      %select_n3A_409 = arith.select %or3A_406, %select_n3A_401, %select_n3A_337 : vector<16xi1>, vector<16xi32>
      %select_n3A_410 = arith.select %or3A_406, %select_n3A_337, %select_n3A_401 : vector<16xi1>, vector<16xi32>
      %gt3A_411 = arith.cmpf ogt, %select_n3A_408, %select_n3A_344 : vector<16xf32>
      %eq3A_412 = arith.cmpf oeq, %select_n3A_408, %select_n3A_344 : vector<16xf32>
      %lt3A_413 = arith.cmpi slt, %select_n3A_410, %select_n3A_346 : vector<16xi32>
      %and3A_414 = arith.andi %eq3A_412, %lt3A_413 : vector<16xi1>
      %or3A_415 = arith.ori %gt3A_411, %and3A_414 : vector<16xi1>
      %select_n3A_416 = arith.select %or3A_415, %select_n3A_408, %select_n3A_344 : vector<16xi1>, vector<16xf32>
      %select_n3A_417 = arith.select %or3A_415, %select_n3A_344, %select_n3A_408 : vector<16xi1>, vector<16xf32>
      %select_n3A_418 = arith.select %or3A_415, %select_n3A_410, %select_n3A_346 : vector<16xi1>, vector<16xi32>
      %select_n3A_419 = arith.select %or3A_415, %select_n3A_346, %select_n3A_410 : vector<16xi1>, vector<16xi32>
      %gt3A_420 = arith.cmpf ogt, %select_n3A_417, %select_n3A_353 : vector<16xf32>
      %eq3A_421 = arith.cmpf oeq, %select_n3A_417, %select_n3A_353 : vector<16xf32>
      %lt3A_422 = arith.cmpi slt, %select_n3A_419, %select_n3A_355 : vector<16xi32>
      %and3A_423 = arith.andi %eq3A_421, %lt3A_422 : vector<16xi1>
      %or3A_424 = arith.ori %gt3A_420, %and3A_423 : vector<16xi1>
      %select_n3A_425 = arith.select %or3A_424, %select_n3A_417, %select_n3A_353 : vector<16xi1>, vector<16xf32>
      %select_n3A_426 = arith.select %or3A_424, %select_n3A_353, %select_n3A_417 : vector<16xi1>, vector<16xf32>
      %select_n3A_427 = arith.select %or3A_424, %select_n3A_419, %select_n3A_355 : vector<16xi1>, vector<16xi32>
      %select_n3A_428 = arith.select %or3A_424, %select_n3A_355, %select_n3A_419 : vector<16xi1>, vector<16xi32>
      %gt3A_429 = arith.cmpf ogt, %select_n3A_426, %select_n3A_362 : vector<16xf32>
      %eq3A_430 = arith.cmpf oeq, %select_n3A_426, %select_n3A_362 : vector<16xf32>
      %lt3A_431 = arith.cmpi slt, %select_n3A_428, %select_n3A_364 : vector<16xi32>
      %and3A_432 = arith.andi %eq3A_430, %lt3A_431 : vector<16xi1>
      %or3A_433 = arith.ori %gt3A_429, %and3A_432 : vector<16xi1>
      %select_n3A_434 = arith.select %or3A_433, %select_n3A_426, %select_n3A_362 : vector<16xi1>, vector<16xf32>
      %select_n3A_435 = arith.select %or3A_433, %select_n3A_362, %select_n3A_426 : vector<16xi1>, vector<16xf32>
      %select_n3A_436 = arith.select %or3A_433, %select_n3A_428, %select_n3A_364 : vector<16xi1>, vector<16xi32>
      %select_n3A_437 = arith.select %or3A_433, %select_n3A_364, %select_n3A_428 : vector<16xi1>, vector<16xi32>
      %gt3A_438 = arith.cmpf ogt, %select_n3A_435, %select_n3A_371 : vector<16xf32>
      %eq3A_439 = arith.cmpf oeq, %select_n3A_435, %select_n3A_371 : vector<16xf32>
      %lt3A_440 = arith.cmpi slt, %select_n3A_437, %select_n3A_373 : vector<16xi32>
      %and3A_441 = arith.andi %eq3A_439, %lt3A_440 : vector<16xi1>
      %or3A_442 = arith.ori %gt3A_438, %and3A_441 : vector<16xi1>
      %select_n3A_443 = arith.select %or3A_442, %select_n3A_435, %select_n3A_371 : vector<16xi1>, vector<16xf32>
      %select_n3A_444 = arith.select %or3A_442, %select_n3A_371, %select_n3A_435 : vector<16xi1>, vector<16xf32>
      %select_n3A_445 = arith.select %or3A_442, %select_n3A_437, %select_n3A_373 : vector<16xi1>, vector<16xi32>
      %select_n3A_446 = arith.select %or3A_442, %select_n3A_373, %select_n3A_437 : vector<16xi1>, vector<16xi32>
      %gt3A_447 = arith.cmpf ogt, %scan3A_117#20, %select_n3A_380 : vector<16xf32>
      %eq3A_448 = arith.cmpf oeq, %scan3A_117#20, %select_n3A_380 : vector<16xf32>
      %lt3A_449 = arith.cmpi slt, %scan3A_117#28, %select_n3A_382 : vector<16xi32>
      %and3A_450 = arith.andi %eq3A_448, %lt3A_449 : vector<16xi1>
      %or3A_451 = arith.ori %gt3A_447, %and3A_450 : vector<16xi1>
      %select_n3A_452 = arith.select %or3A_451, %scan3A_117#20, %select_n3A_380 : vector<16xi1>, vector<16xf32>
      %select_n3A_453 = arith.select %or3A_451, %select_n3A_380, %scan3A_117#20 : vector<16xi1>, vector<16xf32>
      %select_n3A_454 = arith.select %or3A_451, %scan3A_117#28, %select_n3A_382 : vector<16xi1>, vector<16xi32>
      %select_n3A_455 = arith.select %or3A_451, %select_n3A_382, %scan3A_117#28 : vector<16xi1>, vector<16xi32>
      %gt3A_456 = arith.cmpf ogt, %select_n3A_453, %select_n3A_389 : vector<16xf32>
      %eq3A_457 = arith.cmpf oeq, %select_n3A_453, %select_n3A_389 : vector<16xf32>
      %lt3A_458 = arith.cmpi slt, %select_n3A_455, %select_n3A_391 : vector<16xi32>
      %and3A_459 = arith.andi %eq3A_457, %lt3A_458 : vector<16xi1>
      %or3A_460 = arith.ori %gt3A_456, %and3A_459 : vector<16xi1>
      %select_n3A_461 = arith.select %or3A_460, %select_n3A_453, %select_n3A_389 : vector<16xi1>, vector<16xf32>
      %select_n3A_462 = arith.select %or3A_460, %select_n3A_389, %select_n3A_453 : vector<16xi1>, vector<16xf32>
      %select_n3A_463 = arith.select %or3A_460, %select_n3A_455, %select_n3A_391 : vector<16xi1>, vector<16xi32>
      %select_n3A_464 = arith.select %or3A_460, %select_n3A_391, %select_n3A_455 : vector<16xi1>, vector<16xi32>
      %gt3A_465 = arith.cmpf ogt, %select_n3A_462, %select_n3A_398 : vector<16xf32>
      %eq3A_466 = arith.cmpf oeq, %select_n3A_462, %select_n3A_398 : vector<16xf32>
      %lt3A_467 = arith.cmpi slt, %select_n3A_464, %select_n3A_400 : vector<16xi32>
      %and3A_468 = arith.andi %eq3A_466, %lt3A_467 : vector<16xi1>
      %or3A_469 = arith.ori %gt3A_465, %and3A_468 : vector<16xi1>
      %select_n3A_470 = arith.select %or3A_469, %select_n3A_462, %select_n3A_398 : vector<16xi1>, vector<16xf32>
      %select_n3A_471 = arith.select %or3A_469, %select_n3A_398, %select_n3A_462 : vector<16xi1>, vector<16xf32>
      %select_n3A_472 = arith.select %or3A_469, %select_n3A_464, %select_n3A_400 : vector<16xi1>, vector<16xi32>
      %select_n3A_473 = arith.select %or3A_469, %select_n3A_400, %select_n3A_464 : vector<16xi1>, vector<16xi32>
      %gt3A_474 = arith.cmpf ogt, %select_n3A_471, %select_n3A_407 : vector<16xf32>
      %eq3A_475 = arith.cmpf oeq, %select_n3A_471, %select_n3A_407 : vector<16xf32>
      %lt3A_476 = arith.cmpi slt, %select_n3A_473, %select_n3A_409 : vector<16xi32>
      %and3A_477 = arith.andi %eq3A_475, %lt3A_476 : vector<16xi1>
      %or3A_478 = arith.ori %gt3A_474, %and3A_477 : vector<16xi1>
      %select_n3A_479 = arith.select %or3A_478, %select_n3A_471, %select_n3A_407 : vector<16xi1>, vector<16xf32>
      %select_n3A_480 = arith.select %or3A_478, %select_n3A_407, %select_n3A_471 : vector<16xi1>, vector<16xf32>
      %select_n3A_481 = arith.select %or3A_478, %select_n3A_473, %select_n3A_409 : vector<16xi1>, vector<16xi32>
      %select_n3A_482 = arith.select %or3A_478, %select_n3A_409, %select_n3A_473 : vector<16xi1>, vector<16xi32>
      %gt3A_483 = arith.cmpf ogt, %select_n3A_480, %select_n3A_416 : vector<16xf32>
      %eq3A_484 = arith.cmpf oeq, %select_n3A_480, %select_n3A_416 : vector<16xf32>
      %lt3A_485 = arith.cmpi slt, %select_n3A_482, %select_n3A_418 : vector<16xi32>
      %and3A_486 = arith.andi %eq3A_484, %lt3A_485 : vector<16xi1>
      %or3A_487 = arith.ori %gt3A_483, %and3A_486 : vector<16xi1>
      %select_n3A_488 = arith.select %or3A_487, %select_n3A_480, %select_n3A_416 : vector<16xi1>, vector<16xf32>
      %select_n3A_489 = arith.select %or3A_487, %select_n3A_416, %select_n3A_480 : vector<16xi1>, vector<16xf32>
      %select_n3A_490 = arith.select %or3A_487, %select_n3A_482, %select_n3A_418 : vector<16xi1>, vector<16xi32>
      %select_n3A_491 = arith.select %or3A_487, %select_n3A_418, %select_n3A_482 : vector<16xi1>, vector<16xi32>
      %gt3A_492 = arith.cmpf ogt, %select_n3A_489, %select_n3A_425 : vector<16xf32>
      %eq3A_493 = arith.cmpf oeq, %select_n3A_489, %select_n3A_425 : vector<16xf32>
      %lt3A_494 = arith.cmpi slt, %select_n3A_491, %select_n3A_427 : vector<16xi32>
      %and3A_495 = arith.andi %eq3A_493, %lt3A_494 : vector<16xi1>
      %or3A_496 = arith.ori %gt3A_492, %and3A_495 : vector<16xi1>
      %select_n3A_497 = arith.select %or3A_496, %select_n3A_489, %select_n3A_425 : vector<16xi1>, vector<16xf32>
      %select_n3A_498 = arith.select %or3A_496, %select_n3A_425, %select_n3A_489 : vector<16xi1>, vector<16xf32>
      %select_n3A_499 = arith.select %or3A_496, %select_n3A_491, %select_n3A_427 : vector<16xi1>, vector<16xi32>
      %select_n3A_500 = arith.select %or3A_496, %select_n3A_427, %select_n3A_491 : vector<16xi1>, vector<16xi32>
      %gt3A_501 = arith.cmpf ogt, %select_n3A_498, %select_n3A_434 : vector<16xf32>
      %eq3A_502 = arith.cmpf oeq, %select_n3A_498, %select_n3A_434 : vector<16xf32>
      %lt3A_503 = arith.cmpi slt, %select_n3A_500, %select_n3A_436 : vector<16xi32>
      %and3A_504 = arith.andi %eq3A_502, %lt3A_503 : vector<16xi1>
      %or3A_505 = arith.ori %gt3A_501, %and3A_504 : vector<16xi1>
      %select_n3A_506 = arith.select %or3A_505, %select_n3A_498, %select_n3A_434 : vector<16xi1>, vector<16xf32>
      %select_n3A_507 = arith.select %or3A_505, %select_n3A_434, %select_n3A_498 : vector<16xi1>, vector<16xf32>
      %select_n3A_508 = arith.select %or3A_505, %select_n3A_500, %select_n3A_436 : vector<16xi1>, vector<16xi32>
      %select_n3A_509 = arith.select %or3A_505, %select_n3A_436, %select_n3A_500 : vector<16xi1>, vector<16xi32>
      %gt3A_510 = arith.cmpf ogt, %select_n3A_507, %select_n3A_443 : vector<16xf32>
      %eq3A_511 = arith.cmpf oeq, %select_n3A_507, %select_n3A_443 : vector<16xf32>
      %lt3A_512 = arith.cmpi slt, %select_n3A_509, %select_n3A_445 : vector<16xi32>
      %and3A_513 = arith.andi %eq3A_511, %lt3A_512 : vector<16xi1>
      %or3A_514 = arith.ori %gt3A_510, %and3A_513 : vector<16xi1>
      %select_n3A_515 = arith.select %or3A_514, %select_n3A_507, %select_n3A_443 : vector<16xi1>, vector<16xf32>
      %select_n3A_516 = arith.select %or3A_514, %select_n3A_443, %select_n3A_507 : vector<16xi1>, vector<16xf32>
      %select_n3A_517 = arith.select %or3A_514, %select_n3A_509, %select_n3A_445 : vector<16xi1>, vector<16xi32>
      %select_n3A_518 = arith.select %or3A_514, %select_n3A_445, %select_n3A_509 : vector<16xi1>, vector<16xi32>
      %gt3A_519 = arith.cmpf ogt, %scan3A_117#21, %select_n3A_452 : vector<16xf32>
      %eq3A_520 = arith.cmpf oeq, %scan3A_117#21, %select_n3A_452 : vector<16xf32>
      %lt3A_521 = arith.cmpi slt, %scan3A_117#29, %select_n3A_454 : vector<16xi32>
      %and3A_522 = arith.andi %eq3A_520, %lt3A_521 : vector<16xi1>
      %or3A_523 = arith.ori %gt3A_519, %and3A_522 : vector<16xi1>
      %select_n3A_524 = arith.select %or3A_523, %scan3A_117#21, %select_n3A_452 : vector<16xi1>, vector<16xf32>
      %select_n3A_525 = arith.select %or3A_523, %select_n3A_452, %scan3A_117#21 : vector<16xi1>, vector<16xf32>
      %select_n3A_526 = arith.select %or3A_523, %scan3A_117#29, %select_n3A_454 : vector<16xi1>, vector<16xi32>
      %select_n3A_527 = arith.select %or3A_523, %select_n3A_454, %scan3A_117#29 : vector<16xi1>, vector<16xi32>
      %gt3A_528 = arith.cmpf ogt, %select_n3A_525, %select_n3A_461 : vector<16xf32>
      %eq3A_529 = arith.cmpf oeq, %select_n3A_525, %select_n3A_461 : vector<16xf32>
      %lt3A_530 = arith.cmpi slt, %select_n3A_527, %select_n3A_463 : vector<16xi32>
      %and3A_531 = arith.andi %eq3A_529, %lt3A_530 : vector<16xi1>
      %or3A_532 = arith.ori %gt3A_528, %and3A_531 : vector<16xi1>
      %select_n3A_533 = arith.select %or3A_532, %select_n3A_525, %select_n3A_461 : vector<16xi1>, vector<16xf32>
      %select_n3A_534 = arith.select %or3A_532, %select_n3A_461, %select_n3A_525 : vector<16xi1>, vector<16xf32>
      %select_n3A_535 = arith.select %or3A_532, %select_n3A_527, %select_n3A_463 : vector<16xi1>, vector<16xi32>
      %select_n3A_536 = arith.select %or3A_532, %select_n3A_463, %select_n3A_527 : vector<16xi1>, vector<16xi32>
      %gt3A_537 = arith.cmpf ogt, %select_n3A_534, %select_n3A_470 : vector<16xf32>
      %eq3A_538 = arith.cmpf oeq, %select_n3A_534, %select_n3A_470 : vector<16xf32>
      %lt3A_539 = arith.cmpi slt, %select_n3A_536, %select_n3A_472 : vector<16xi32>
      %and3A_540 = arith.andi %eq3A_538, %lt3A_539 : vector<16xi1>
      %or3A_541 = arith.ori %gt3A_537, %and3A_540 : vector<16xi1>
      %select_n3A_542 = arith.select %or3A_541, %select_n3A_534, %select_n3A_470 : vector<16xi1>, vector<16xf32>
      %select_n3A_543 = arith.select %or3A_541, %select_n3A_470, %select_n3A_534 : vector<16xi1>, vector<16xf32>
      %select_n3A_544 = arith.select %or3A_541, %select_n3A_536, %select_n3A_472 : vector<16xi1>, vector<16xi32>
      %select_n3A_545 = arith.select %or3A_541, %select_n3A_472, %select_n3A_536 : vector<16xi1>, vector<16xi32>
      %gt3A_546 = arith.cmpf ogt, %select_n3A_543, %select_n3A_479 : vector<16xf32>
      %eq3A_547 = arith.cmpf oeq, %select_n3A_543, %select_n3A_479 : vector<16xf32>
      %lt3A_548 = arith.cmpi slt, %select_n3A_545, %select_n3A_481 : vector<16xi32>
      %and3A_549 = arith.andi %eq3A_547, %lt3A_548 : vector<16xi1>
      %or3A_550 = arith.ori %gt3A_546, %and3A_549 : vector<16xi1>
      %select_n3A_551 = arith.select %or3A_550, %select_n3A_543, %select_n3A_479 : vector<16xi1>, vector<16xf32>
      %select_n3A_552 = arith.select %or3A_550, %select_n3A_479, %select_n3A_543 : vector<16xi1>, vector<16xf32>
      %select_n3A_553 = arith.select %or3A_550, %select_n3A_545, %select_n3A_481 : vector<16xi1>, vector<16xi32>
      %select_n3A_554 = arith.select %or3A_550, %select_n3A_481, %select_n3A_545 : vector<16xi1>, vector<16xi32>
      %gt3A_555 = arith.cmpf ogt, %select_n3A_552, %select_n3A_488 : vector<16xf32>
      %eq3A_556 = arith.cmpf oeq, %select_n3A_552, %select_n3A_488 : vector<16xf32>
      %lt3A_557 = arith.cmpi slt, %select_n3A_554, %select_n3A_490 : vector<16xi32>
      %and3A_558 = arith.andi %eq3A_556, %lt3A_557 : vector<16xi1>
      %or3A_559 = arith.ori %gt3A_555, %and3A_558 : vector<16xi1>
      %select_n3A_560 = arith.select %or3A_559, %select_n3A_552, %select_n3A_488 : vector<16xi1>, vector<16xf32>
      %select_n3A_561 = arith.select %or3A_559, %select_n3A_488, %select_n3A_552 : vector<16xi1>, vector<16xf32>
      %select_n3A_562 = arith.select %or3A_559, %select_n3A_554, %select_n3A_490 : vector<16xi1>, vector<16xi32>
      %select_n3A_563 = arith.select %or3A_559, %select_n3A_490, %select_n3A_554 : vector<16xi1>, vector<16xi32>
      %gt3A_564 = arith.cmpf ogt, %select_n3A_561, %select_n3A_497 : vector<16xf32>
      %eq3A_565 = arith.cmpf oeq, %select_n3A_561, %select_n3A_497 : vector<16xf32>
      %lt3A_566 = arith.cmpi slt, %select_n3A_563, %select_n3A_499 : vector<16xi32>
      %and3A_567 = arith.andi %eq3A_565, %lt3A_566 : vector<16xi1>
      %or3A_568 = arith.ori %gt3A_564, %and3A_567 : vector<16xi1>
      %select_n3A_569 = arith.select %or3A_568, %select_n3A_561, %select_n3A_497 : vector<16xi1>, vector<16xf32>
      %select_n3A_570 = arith.select %or3A_568, %select_n3A_497, %select_n3A_561 : vector<16xi1>, vector<16xf32>
      %select_n3A_571 = arith.select %or3A_568, %select_n3A_563, %select_n3A_499 : vector<16xi1>, vector<16xi32>
      %select_n3A_572 = arith.select %or3A_568, %select_n3A_499, %select_n3A_563 : vector<16xi1>, vector<16xi32>
      %gt3A_573 = arith.cmpf ogt, %select_n3A_570, %select_n3A_506 : vector<16xf32>
      %eq3A_574 = arith.cmpf oeq, %select_n3A_570, %select_n3A_506 : vector<16xf32>
      %lt3A_575 = arith.cmpi slt, %select_n3A_572, %select_n3A_508 : vector<16xi32>
      %and3A_576 = arith.andi %eq3A_574, %lt3A_575 : vector<16xi1>
      %or3A_577 = arith.ori %gt3A_573, %and3A_576 : vector<16xi1>
      %select_n3A_578 = arith.select %or3A_577, %select_n3A_570, %select_n3A_506 : vector<16xi1>, vector<16xf32>
      %select_n3A_579 = arith.select %or3A_577, %select_n3A_506, %select_n3A_570 : vector<16xi1>, vector<16xf32>
      %select_n3A_580 = arith.select %or3A_577, %select_n3A_572, %select_n3A_508 : vector<16xi1>, vector<16xi32>
      %select_n3A_581 = arith.select %or3A_577, %select_n3A_508, %select_n3A_572 : vector<16xi1>, vector<16xi32>
      %gt3A_582 = arith.cmpf ogt, %select_n3A_579, %select_n3A_515 : vector<16xf32>
      %eq3A_583 = arith.cmpf oeq, %select_n3A_579, %select_n3A_515 : vector<16xf32>
      %lt3A_584 = arith.cmpi slt, %select_n3A_581, %select_n3A_517 : vector<16xi32>
      %and3A_585 = arith.andi %eq3A_583, %lt3A_584 : vector<16xi1>
      %or3A_586 = arith.ori %gt3A_582, %and3A_585 : vector<16xi1>
      %select_n3A_587 = arith.select %or3A_586, %select_n3A_579, %select_n3A_515 : vector<16xi1>, vector<16xf32>
      %select_n3A_588 = arith.select %or3A_586, %select_n3A_515, %select_n3A_579 : vector<16xi1>, vector<16xf32>
      %select_n3A_589 = arith.select %or3A_586, %select_n3A_581, %select_n3A_517 : vector<16xi1>, vector<16xi32>
      %select_n3A_590 = arith.select %or3A_586, %select_n3A_517, %select_n3A_581 : vector<16xi1>, vector<16xi32>
      %gt3A_591 = arith.cmpf ogt, %scan3A_117#22, %select_n3A_524 : vector<16xf32>
      %eq3A_592 = arith.cmpf oeq, %scan3A_117#22, %select_n3A_524 : vector<16xf32>
      %lt3A_593 = arith.cmpi slt, %scan3A_117#30, %select_n3A_526 : vector<16xi32>
      %and3A_594 = arith.andi %eq3A_592, %lt3A_593 : vector<16xi1>
      %or3A_595 = arith.ori %gt3A_591, %and3A_594 : vector<16xi1>
      %select_n3A_596 = arith.select %or3A_595, %scan3A_117#22, %select_n3A_524 : vector<16xi1>, vector<16xf32>
      %select_n3A_597 = arith.select %or3A_595, %select_n3A_524, %scan3A_117#22 : vector<16xi1>, vector<16xf32>
      %select_n3A_598 = arith.select %or3A_595, %scan3A_117#30, %select_n3A_526 : vector<16xi1>, vector<16xi32>
      %select_n3A_599 = arith.select %or3A_595, %select_n3A_526, %scan3A_117#30 : vector<16xi1>, vector<16xi32>
      %gt3A_600 = arith.cmpf ogt, %select_n3A_597, %select_n3A_533 : vector<16xf32>
      %eq3A_601 = arith.cmpf oeq, %select_n3A_597, %select_n3A_533 : vector<16xf32>
      %lt3A_602 = arith.cmpi slt, %select_n3A_599, %select_n3A_535 : vector<16xi32>
      %and3A_603 = arith.andi %eq3A_601, %lt3A_602 : vector<16xi1>
      %or3A_604 = arith.ori %gt3A_600, %and3A_603 : vector<16xi1>
      %select_n3A_605 = arith.select %or3A_604, %select_n3A_597, %select_n3A_533 : vector<16xi1>, vector<16xf32>
      %select_n3A_606 = arith.select %or3A_604, %select_n3A_533, %select_n3A_597 : vector<16xi1>, vector<16xf32>
      %select_n3A_607 = arith.select %or3A_604, %select_n3A_599, %select_n3A_535 : vector<16xi1>, vector<16xi32>
      %select_n3A_608 = arith.select %or3A_604, %select_n3A_535, %select_n3A_599 : vector<16xi1>, vector<16xi32>
      %gt3A_609 = arith.cmpf ogt, %select_n3A_606, %select_n3A_542 : vector<16xf32>
      %eq3A_610 = arith.cmpf oeq, %select_n3A_606, %select_n3A_542 : vector<16xf32>
      %lt3A_611 = arith.cmpi slt, %select_n3A_608, %select_n3A_544 : vector<16xi32>
      %and3A_612 = arith.andi %eq3A_610, %lt3A_611 : vector<16xi1>
      %or3A_613 = arith.ori %gt3A_609, %and3A_612 : vector<16xi1>
      %select_n3A_614 = arith.select %or3A_613, %select_n3A_606, %select_n3A_542 : vector<16xi1>, vector<16xf32>
      %select_n3A_615 = arith.select %or3A_613, %select_n3A_542, %select_n3A_606 : vector<16xi1>, vector<16xf32>
      %select_n3A_616 = arith.select %or3A_613, %select_n3A_608, %select_n3A_544 : vector<16xi1>, vector<16xi32>
      %select_n3A_617 = arith.select %or3A_613, %select_n3A_544, %select_n3A_608 : vector<16xi1>, vector<16xi32>
      %gt3A_618 = arith.cmpf ogt, %select_n3A_615, %select_n3A_551 : vector<16xf32>
      %eq3A_619 = arith.cmpf oeq, %select_n3A_615, %select_n3A_551 : vector<16xf32>
      %lt3A_620 = arith.cmpi slt, %select_n3A_617, %select_n3A_553 : vector<16xi32>
      %and3A_621 = arith.andi %eq3A_619, %lt3A_620 : vector<16xi1>
      %or3A_622 = arith.ori %gt3A_618, %and3A_621 : vector<16xi1>
      %select_n3A_623 = arith.select %or3A_622, %select_n3A_615, %select_n3A_551 : vector<16xi1>, vector<16xf32>
      %select_n3A_624 = arith.select %or3A_622, %select_n3A_551, %select_n3A_615 : vector<16xi1>, vector<16xf32>
      %select_n3A_625 = arith.select %or3A_622, %select_n3A_617, %select_n3A_553 : vector<16xi1>, vector<16xi32>
      %select_n3A_626 = arith.select %or3A_622, %select_n3A_553, %select_n3A_617 : vector<16xi1>, vector<16xi32>
      %gt3A_627 = arith.cmpf ogt, %select_n3A_624, %select_n3A_560 : vector<16xf32>
      %eq3A_628 = arith.cmpf oeq, %select_n3A_624, %select_n3A_560 : vector<16xf32>
      %lt3A_629 = arith.cmpi slt, %select_n3A_626, %select_n3A_562 : vector<16xi32>
      %and3A_630 = arith.andi %eq3A_628, %lt3A_629 : vector<16xi1>
      %or3A_631 = arith.ori %gt3A_627, %and3A_630 : vector<16xi1>
      %select_n3A_632 = arith.select %or3A_631, %select_n3A_624, %select_n3A_560 : vector<16xi1>, vector<16xf32>
      %select_n3A_633 = arith.select %or3A_631, %select_n3A_560, %select_n3A_624 : vector<16xi1>, vector<16xf32>
      %select_n3A_634 = arith.select %or3A_631, %select_n3A_626, %select_n3A_562 : vector<16xi1>, vector<16xi32>
      %select_n3A_635 = arith.select %or3A_631, %select_n3A_562, %select_n3A_626 : vector<16xi1>, vector<16xi32>
      %gt3A_636 = arith.cmpf ogt, %select_n3A_633, %select_n3A_569 : vector<16xf32>
      %eq3A_637 = arith.cmpf oeq, %select_n3A_633, %select_n3A_569 : vector<16xf32>
      %lt3A_638 = arith.cmpi slt, %select_n3A_635, %select_n3A_571 : vector<16xi32>
      %and3A_639 = arith.andi %eq3A_637, %lt3A_638 : vector<16xi1>
      %or3A_640 = arith.ori %gt3A_636, %and3A_639 : vector<16xi1>
      %select_n3A_641 = arith.select %or3A_640, %select_n3A_633, %select_n3A_569 : vector<16xi1>, vector<16xf32>
      %select_n3A_642 = arith.select %or3A_640, %select_n3A_569, %select_n3A_633 : vector<16xi1>, vector<16xf32>
      %select_n3A_643 = arith.select %or3A_640, %select_n3A_635, %select_n3A_571 : vector<16xi1>, vector<16xi32>
      %select_n3A_644 = arith.select %or3A_640, %select_n3A_571, %select_n3A_635 : vector<16xi1>, vector<16xi32>
      %gt3A_645 = arith.cmpf ogt, %select_n3A_642, %select_n3A_578 : vector<16xf32>
      %eq3A_646 = arith.cmpf oeq, %select_n3A_642, %select_n3A_578 : vector<16xf32>
      %lt3A_647 = arith.cmpi slt, %select_n3A_644, %select_n3A_580 : vector<16xi32>
      %and3A_648 = arith.andi %eq3A_646, %lt3A_647 : vector<16xi1>
      %or3A_649 = arith.ori %gt3A_645, %and3A_648 : vector<16xi1>
      %select_n3A_650 = arith.select %or3A_649, %select_n3A_642, %select_n3A_578 : vector<16xi1>, vector<16xf32>
      %select_n3A_651 = arith.select %or3A_649, %select_n3A_578, %select_n3A_642 : vector<16xi1>, vector<16xf32>
      %select_n3A_652 = arith.select %or3A_649, %select_n3A_644, %select_n3A_580 : vector<16xi1>, vector<16xi32>
      %select_n3A_653 = arith.select %or3A_649, %select_n3A_580, %select_n3A_644 : vector<16xi1>, vector<16xi32>
      %gt3A_654 = arith.cmpf ogt, %select_n3A_651, %select_n3A_587 : vector<16xf32>
      %eq3A_655 = arith.cmpf oeq, %select_n3A_651, %select_n3A_587 : vector<16xf32>
      %lt3A_656 = arith.cmpi slt, %select_n3A_653, %select_n3A_589 : vector<16xi32>
      %and3A_657 = arith.andi %eq3A_655, %lt3A_656 : vector<16xi1>
      %or3A_658 = arith.ori %gt3A_654, %and3A_657 : vector<16xi1>
      %select_n3A_659 = arith.select %or3A_658, %select_n3A_651, %select_n3A_587 : vector<16xi1>, vector<16xf32>
      %select_n3A_660 = arith.select %or3A_658, %select_n3A_587, %select_n3A_651 : vector<16xi1>, vector<16xf32>
      %select_n3A_661 = arith.select %or3A_658, %select_n3A_653, %select_n3A_589 : vector<16xi1>, vector<16xi32>
      %select_n3A_662 = arith.select %or3A_658, %select_n3A_589, %select_n3A_653 : vector<16xi1>, vector<16xi32>
      %gt3A_663 = arith.cmpf ogt, %scan3A_117#23, %select_n3A_596 : vector<16xf32>
      %eq3A_664 = arith.cmpf oeq, %scan3A_117#23, %select_n3A_596 : vector<16xf32>
      %lt3A_665 = arith.cmpi slt, %scan3A_117#31, %select_n3A_598 : vector<16xi32>
      %and3A_666 = arith.andi %eq3A_664, %lt3A_665 : vector<16xi1>
      %or3A_667 = arith.ori %gt3A_663, %and3A_666 : vector<16xi1>
      %select_n3A_668 = arith.select %or3A_667, %scan3A_117#23, %select_n3A_596 : vector<16xi1>, vector<16xf32>
      %select_n3A_669 = arith.select %or3A_667, %select_n3A_596, %scan3A_117#23 : vector<16xi1>, vector<16xf32>
      %select_n3A_670 = arith.select %or3A_667, %scan3A_117#31, %select_n3A_598 : vector<16xi1>, vector<16xi32>
      %select_n3A_671 = arith.select %or3A_667, %select_n3A_598, %scan3A_117#31 : vector<16xi1>, vector<16xi32>
      %gt3A_672 = arith.cmpf ogt, %select_n3A_669, %select_n3A_605 : vector<16xf32>
      %eq3A_673 = arith.cmpf oeq, %select_n3A_669, %select_n3A_605 : vector<16xf32>
      %lt3A_674 = arith.cmpi slt, %select_n3A_671, %select_n3A_607 : vector<16xi32>
      %and3A_675 = arith.andi %eq3A_673, %lt3A_674 : vector<16xi1>
      %or3A_676 = arith.ori %gt3A_672, %and3A_675 : vector<16xi1>
      %select_n3A_677 = arith.select %or3A_676, %select_n3A_669, %select_n3A_605 : vector<16xi1>, vector<16xf32>
      %select_n3A_678 = arith.select %or3A_676, %select_n3A_605, %select_n3A_669 : vector<16xi1>, vector<16xf32>
      %select_n3A_679 = arith.select %or3A_676, %select_n3A_671, %select_n3A_607 : vector<16xi1>, vector<16xi32>
      %select_n3A_680 = arith.select %or3A_676, %select_n3A_607, %select_n3A_671 : vector<16xi1>, vector<16xi32>
      %gt3A_681 = arith.cmpf ogt, %select_n3A_678, %select_n3A_614 : vector<16xf32>
      %eq3A_682 = arith.cmpf oeq, %select_n3A_678, %select_n3A_614 : vector<16xf32>
      %lt3A_683 = arith.cmpi slt, %select_n3A_680, %select_n3A_616 : vector<16xi32>
      %and3A_684 = arith.andi %eq3A_682, %lt3A_683 : vector<16xi1>
      %or3A_685 = arith.ori %gt3A_681, %and3A_684 : vector<16xi1>
      %select_n3A_686 = arith.select %or3A_685, %select_n3A_678, %select_n3A_614 : vector<16xi1>, vector<16xf32>
      %select_n3A_687 = arith.select %or3A_685, %select_n3A_614, %select_n3A_678 : vector<16xi1>, vector<16xf32>
      %select_n3A_688 = arith.select %or3A_685, %select_n3A_680, %select_n3A_616 : vector<16xi1>, vector<16xi32>
      %select_n3A_689 = arith.select %or3A_685, %select_n3A_616, %select_n3A_680 : vector<16xi1>, vector<16xi32>
      %gt3A_690 = arith.cmpf ogt, %select_n3A_687, %select_n3A_623 : vector<16xf32>
      %eq3A_691 = arith.cmpf oeq, %select_n3A_687, %select_n3A_623 : vector<16xf32>
      %lt3A_692 = arith.cmpi slt, %select_n3A_689, %select_n3A_625 : vector<16xi32>
      %and3A_693 = arith.andi %eq3A_691, %lt3A_692 : vector<16xi1>
      %or3A_694 = arith.ori %gt3A_690, %and3A_693 : vector<16xi1>
      %select_n3A_695 = arith.select %or3A_694, %select_n3A_687, %select_n3A_623 : vector<16xi1>, vector<16xf32>
      %select_n3A_696 = arith.select %or3A_694, %select_n3A_623, %select_n3A_687 : vector<16xi1>, vector<16xf32>
      %select_n3A_697 = arith.select %or3A_694, %select_n3A_689, %select_n3A_625 : vector<16xi1>, vector<16xi32>
      %select_n3A_698 = arith.select %or3A_694, %select_n3A_625, %select_n3A_689 : vector<16xi1>, vector<16xi32>
      %gt3A_699 = arith.cmpf ogt, %select_n3A_696, %select_n3A_632 : vector<16xf32>
      %eq3A_700 = arith.cmpf oeq, %select_n3A_696, %select_n3A_632 : vector<16xf32>
      %lt3A_701 = arith.cmpi slt, %select_n3A_698, %select_n3A_634 : vector<16xi32>
      %and3A_702 = arith.andi %eq3A_700, %lt3A_701 : vector<16xi1>
      %or3A_703 = arith.ori %gt3A_699, %and3A_702 : vector<16xi1>
      %select_n3A_704 = arith.select %or3A_703, %select_n3A_696, %select_n3A_632 : vector<16xi1>, vector<16xf32>
      %select_n3A_705 = arith.select %or3A_703, %select_n3A_632, %select_n3A_696 : vector<16xi1>, vector<16xf32>
      %select_n3A_706 = arith.select %or3A_703, %select_n3A_698, %select_n3A_634 : vector<16xi1>, vector<16xi32>
      %select_n3A_707 = arith.select %or3A_703, %select_n3A_634, %select_n3A_698 : vector<16xi1>, vector<16xi32>
      %gt3A_708 = arith.cmpf ogt, %select_n3A_705, %select_n3A_641 : vector<16xf32>
      %eq3A_709 = arith.cmpf oeq, %select_n3A_705, %select_n3A_641 : vector<16xf32>
      %lt3A_710 = arith.cmpi slt, %select_n3A_707, %select_n3A_643 : vector<16xi32>
      %and3A_711 = arith.andi %eq3A_709, %lt3A_710 : vector<16xi1>
      %or3A_712 = arith.ori %gt3A_708, %and3A_711 : vector<16xi1>
      %select_n3A_713 = arith.select %or3A_712, %select_n3A_705, %select_n3A_641 : vector<16xi1>, vector<16xf32>
      %select_n3A_714 = arith.select %or3A_712, %select_n3A_641, %select_n3A_705 : vector<16xi1>, vector<16xf32>
      %select_n3A_715 = arith.select %or3A_712, %select_n3A_707, %select_n3A_643 : vector<16xi1>, vector<16xi32>
      %select_n3A_716 = arith.select %or3A_712, %select_n3A_643, %select_n3A_707 : vector<16xi1>, vector<16xi32>
      %gt3A_717 = arith.cmpf ogt, %select_n3A_714, %select_n3A_650 : vector<16xf32>
      %eq3A_718 = arith.cmpf oeq, %select_n3A_714, %select_n3A_650 : vector<16xf32>
      %lt3A_719 = arith.cmpi slt, %select_n3A_716, %select_n3A_652 : vector<16xi32>
      %and3A_720 = arith.andi %eq3A_718, %lt3A_719 : vector<16xi1>
      %or3A_721 = arith.ori %gt3A_717, %and3A_720 : vector<16xi1>
      %select_n3A_722 = arith.select %or3A_721, %select_n3A_714, %select_n3A_650 : vector<16xi1>, vector<16xf32>
      %select_n3A_723 = arith.select %or3A_721, %select_n3A_650, %select_n3A_714 : vector<16xi1>, vector<16xf32>
      %select_n3A_724 = arith.select %or3A_721, %select_n3A_716, %select_n3A_652 : vector<16xi1>, vector<16xi32>
      %select_n3A_725 = arith.select %or3A_721, %select_n3A_652, %select_n3A_716 : vector<16xi1>, vector<16xi32>
      %gt3A_726 = arith.cmpf ogt, %select_n3A_723, %select_n3A_659 : vector<16xf32>
      %eq3A_727 = arith.cmpf oeq, %select_n3A_723, %select_n3A_659 : vector<16xf32>
      %lt3A_728 = arith.cmpi slt, %select_n3A_725, %select_n3A_661 : vector<16xi32>
      %and3A_729 = arith.andi %eq3A_727, %lt3A_728 : vector<16xi1>
      %or3A_730 = arith.ori %gt3A_726, %and3A_729 : vector<16xi1>
      %select_n3A_731 = arith.select %or3A_730, %select_n3A_723, %select_n3A_659 : vector<16xi1>, vector<16xf32>
      %select_n3A_732 = arith.select %or3A_730, %select_n3A_659, %select_n3A_723 : vector<16xi1>, vector<16xf32>
      %select_n3A_733 = arith.select %or3A_730, %select_n3A_725, %select_n3A_661 : vector<16xi1>, vector<16xi32>
      %select_n3A_734 = arith.select %or3A_730, %select_n3A_661, %select_n3A_725 : vector<16xi1>, vector<16xi32>
      %swap3A = arith.constant 0 : index
      %swap3A_735 = tpu.vector_load %arg6[%swap3A] {strides = array<i32>} : memref<128xf32, #tpu.memory_space<vmem>>, vector<16xf32>,
      %swap3A_736 = vector.shape_cast %swap3A_735 : vector<16xf32> to vector<16xf32>
      %swap3A_737 = vector.shape_cast %select_n3A_668 : vector<16xf32> to vector<16xf32>
      tpu.vector_store %arg6[%swap3A], %swap3A_737 {strides = array<i32>} : memref<128xf32, #tpu.memory_space<vmem>>, vector<16xf32>,
      %swap3A_738 = arith.constant 0 : index
      %swap3A_739 = tpu.vector_load %arg7[%swap3A_738] {strides = array<i32>} : memref<128xi32, #tpu.memory_space<vmem>>, vector<16xi32>,
      %swap3A_740 = vector.shape_cast %swap3A_739 : vector<16xi32> to vector<16xi32>
      %swap3A_741 = vector.shape_cast %select_n3A_670 : vector<16xi32> to vector<16xi32>
      tpu.vector_store %arg7[%swap3A_738], %swap3A_741 {strides = array<i32>} : memref<128xi32, #tpu.memory_space<vmem>>, vector<16xi32>,
      %swap3A_742 = arith.constant 16 : index
      %swap3A_743 = tpu.vector_load %arg6[%swap3A_742] {strides = array<i32>} : memref<128xf32, #tpu.memory_space<vmem>>, vector<16xf32>,
      %swap3A_744 = vector.shape_cast %swap3A_743 : vector<16xf32> to vector<16xf32>
      %swap3A_745 = vector.shape_cast %select_n3A_677 : vector<16xf32> to vector<16xf32>
      tpu.vector_store %arg6[%swap3A_742], %swap3A_745 {strides = array<i32>} : memref<128xf32, #tpu.memory_space<vmem>>, vector<16xf32>,
      %swap3A_746 = arith.constant 16 : index
      %swap3A_747 = tpu.vector_load %arg7[%swap3A_746] {strides = array<i32>} : memref<128xi32, #tpu.memory_space<vmem>>, vector<16xi32>,
      %swap3A_748 = vector.shape_cast %swap3A_747 : vector<16xi32> to vector<16xi32>
      %swap3A_749 = vector.shape_cast %select_n3A_679 : vector<16xi32> to vector<16xi32>
      tpu.vector_store %arg7[%swap3A_746], %swap3A_749 {strides = array<i32>} : memref<128xi32, #tpu.memory_space<vmem>>, vector<16xi32>,
      %swap3A_750 = arith.constant 32 : index
      %swap3A_751 = tpu.vector_load %arg6[%swap3A_750] {strides = array<i32>} : memref<128xf32, #tpu.memory_space<vmem>>, vector<16xf32>,
      %swap3A_752 = vector.shape_cast %swap3A_751 : vector<16xf32> to vector<16xf32>
      %swap3A_753 = vector.shape_cast %select_n3A_686 : vector<16xf32> to vector<16xf32>
      tpu.vector_store %arg6[%swap3A_750], %swap3A_753 {strides = array<i32>} : memref<128xf32, #tpu.memory_space<vmem>>, vector<16xf32>,
      %swap3A_754 = arith.constant 32 : index
      %swap3A_755 = tpu.vector_load %arg7[%swap3A_754] {strides = array<i32>} : memref<128xi32, #tpu.memory_space<vmem>>, vector<16xi32>,
      %swap3A_756 = vector.shape_cast %swap3A_755 : vector<16xi32> to vector<16xi32>
      %swap3A_757 = vector.shape_cast %select_n3A_688 : vector<16xi32> to vector<16xi32>
      tpu.vector_store %arg7[%swap3A_754], %swap3A_757 {strides = array<i32>} : memref<128xi32, #tpu.memory_space<vmem>>, vector<16xi32>,
      %swap3A_758 = arith.constant 48 : index
      %swap3A_759 = tpu.vector_load %arg6[%swap3A_758] {strides = array<i32>} : memref<128xf32, #tpu.memory_space<vmem>>, vector<16xf32>,
      %swap3A_760 = vector.shape_cast %swap3A_759 : vector<16xf32> to vector<16xf32>
      %swap3A_761 = vector.shape_cast %select_n3A_695 : vector<16xf32> to vector<16xf32>
      tpu.vector_store %arg6[%swap3A_758], %swap3A_761 {strides = array<i32>} : memref<128xf32, #tpu.memory_space<vmem>>, vector<16xf32>,
      %swap3A_762 = arith.constant 48 : index
      %swap3A_763 = tpu.vector_load %arg7[%swap3A_762] {strides = array<i32>} : memref<128xi32, #tpu.memory_space<vmem>>, vector<16xi32>,
      %swap3A_764 = vector.shape_cast %swap3A_763 : vector<16xi32> to vector<16xi32>
      %swap3A_765 = vector.shape_cast %select_n3A_697 : vector<16xi32> to vector<16xi32>
      tpu.vector_store %arg7[%swap3A_762], %swap3A_765 {strides = array<i32>} : memref<128xi32, #tpu.memory_space<vmem>>, vector<16xi32>,
      %swap3A_766 = arith.constant 64 : index
      %swap3A_767 = tpu.vector_load %arg6[%swap3A_766] {strides = array<i32>} : memref<128xf32, #tpu.memory_space<vmem>>, vector<16xf32>,
      %swap3A_768 = vector.shape_cast %swap3A_767 : vector<16xf32> to vector<16xf32>
      %swap3A_769 = vector.shape_cast %select_n3A_704 : vector<16xf32> to vector<16xf32>
      tpu.vector_store %arg6[%swap3A_766], %swap3A_769 {strides = array<i32>} : memref<128xf32, #tpu.memory_space<vmem>>, vector<16xf32>,
      %swap3A_770 = arith.constant 64 : index
      %swap3A_771 = tpu.vector_load %arg7[%swap3A_770] {strides = array<i32>} : memref<128xi32, #tpu.memory_space<vmem>>, vector<16xi32>,
      %swap3A_772 = vector.shape_cast %swap3A_771 : vector<16xi32> to vector<16xi32>
      %swap3A_773 = vector.shape_cast %select_n3A_706 : vector<16xi32> to vector<16xi32>
      tpu.vector_store %arg7[%swap3A_770], %swap3A_773 {strides = array<i32>} : memref<128xi32, #tpu.memory_space<vmem>>, vector<16xi32>,
      %swap3A_774 = arith.constant 80 : index
      %swap3A_775 = tpu.vector_load %arg6[%swap3A_774] {strides = array<i32>} : memref<128xf32, #tpu.memory_space<vmem>>, vector<16xf32>,
      %swap3A_776 = vector.shape_cast %swap3A_775 : vector<16xf32> to vector<16xf32>
      %swap3A_777 = vector.shape_cast %select_n3A_713 : vector<16xf32> to vector<16xf32>
      tpu.vector_store %arg6[%swap3A_774], %swap3A_777 {strides = array<i32>} : memref<128xf32, #tpu.memory_space<vmem>>, vector<16xf32>,
      %swap3A_778 = arith.constant 80 : index
      %swap3A_779 = tpu.vector_load %arg7[%swap3A_778] {strides = array<i32>} : memref<128xi32, #tpu.memory_space<vmem>>, vector<16xi32>,
      %swap3A_780 = vector.shape_cast %swap3A_779 : vector<16xi32> to vector<16xi32>
      %swap3A_781 = vector.shape_cast %select_n3A_715 : vector<16xi32> to vector<16xi32>
      tpu.vector_store %arg7[%swap3A_778], %swap3A_781 {strides = array<i32>} : memref<128xi32, #tpu.memory_space<vmem>>, vector<16xi32>,
      %swap3A_782 = arith.constant 96 : index
      %swap3A_783 = tpu.vector_load %arg6[%swap3A_782] {strides = array<i32>} : memref<128xf32, #tpu.memory_space<vmem>>, vector<16xf32>,
      %swap3A_784 = vector.shape_cast %swap3A_783 : vector<16xf32> to vector<16xf32>
      %swap3A_785 = vector.shape_cast %select_n3A_722 : vector<16xf32> to vector<16xf32>
      tpu.vector_store %arg6[%swap3A_782], %swap3A_785 {strides = array<i32>} : memref<128xf32, #tpu.memory_space<vmem>>, vector<16xf32>,
      %swap3A_786 = arith.constant 96 : index
      %swap3A_787 = tpu.vector_load %arg7[%swap3A_786] {strides = array<i32>} : memref<128xi32, #tpu.memory_space<vmem>>, vector<16xi32>,
      %swap3A_788 = vector.shape_cast %swap3A_787 : vector<16xi32> to vector<16xi32>
      %swap3A_789 = vector.shape_cast %select_n3A_724 : vector<16xi32> to vector<16xi32>
      tpu.vector_store %arg7[%swap3A_786], %swap3A_789 {strides = array<i32>} : memref<128xi32, #tpu.memory_space<vmem>>, vector<16xi32>,
      %swap3A_790 = arith.constant 112 : index
      %swap3A_791 = tpu.vector_load %arg6[%swap3A_790] {strides = array<i32>} : memref<128xf32, #tpu.memory_space<vmem>>, vector<16xf32>,
      %swap3A_792 = vector.shape_cast %swap3A_791 : vector<16xf32> to vector<16xf32>
      %swap3A_793 = vector.shape_cast %select_n3A_731 : vector<16xf32> to vector<16xf32>
      tpu.vector_store %arg6[%swap3A_790], %swap3A_793 {strides = array<i32>} : memref<128xf32, #tpu.memory_space<vmem>>, vector<16xf32>,
      %swap3A_794 = arith.constant 112 : index
      %swap3A_795 = tpu.vector_load %arg7[%swap3A_794] {strides = array<i32>} : memref<128xi32, #tpu.memory_space<vmem>>, vector<16xi32>,
      %swap3A_796 = vector.shape_cast %swap3A_795 : vector<16xi32> to vector<16xi32>
      %swap3A_797 = vector.shape_cast %select_n3A_733 : vector<16xi32> to vector<16xi32>
      tpu.vector_store %arg7[%swap3A_794], %swap3A_797 {strides = array<i32>} : memref<128xi32, #tpu.memory_space<vmem>>, vector<16xi32>,
      %mul3A_798 = arith.constant 8 : i32
      %mul3A_799 = arith.muli %add3A, %mul3A_798 : i32
      %mul3A_800 = arith.constant 16 : i32
      %mul3A_801 = arith.muli %mul3A_799, %mul3A_800 : i32
      "tpu.region"() ({
        %run_scoped3A = tpu.sem_alloc : memref<!tpu.dma_semaphore, #tpu.memory_space<semaphore_mem>>
        %dma_start3A_806 = tpu.memref_slice %arg3[%mul3A_801] : memref<3584xf32, #tpu.memory_space<hbm>> -> memref<128xf32, #tpu.memory_space<hbm>>
        %dma_start3A_807 = tpu.memref_slice %arg3[%mul3A_801] : memref<3584xf32, #tpu.memory_space<hbm>> -> memref<128xf32, #tpu.memory_space<hbm>>
        tpu.enqueue_dma source(%arg6 : memref<128xf32, #tpu.memory_space<vmem>>) target(%dma_start3A_807 : memref<128xf32, #tpu.memory_space<hbm>>) target_semaphore(%run_scoped3A : memref<!tpu.dma_semaphore, #tpu.memory_space<semaphore_mem>>)
        %dma_wait3A_808 = tpu.memref_slice %arg3[%mul3A_801] : memref<3584xf32, #tpu.memory_space<hbm>> -> memref<128xf32, #tpu.memory_space<hbm>>
        %dma_wait3A_809 = tpu.memref_slice %arg3[%mul3A_801] : memref<3584xf32, #tpu.memory_space<hbm>> -> memref<128xf32, #tpu.memory_space<hbm>>
        tpu.wait_dma2 semaphore(%run_scoped3A : memref<!tpu.dma_semaphore, #tpu.memory_space<semaphore_mem>>) src(%arg6 : memref<128xf32, #tpu.memory_space<vmem>>) dst(%dma_wait3A_809 : memref<128xf32, #tpu.memory_space<hbm>>)
        tpu.yield
      }) : () -> ()
      %mul3A_802 = arith.constant 8 : i32
      %mul3A_803 = arith.muli %add3A, %mul3A_802 : i32
      %mul3A_804 = arith.constant 16 : i32
      %mul3A_805 = arith.muli %mul3A_803, %mul3A_804 : i32
      "tpu.region"() ({
        %run_scoped3A = tpu.sem_alloc : memref<!tpu.dma_semaphore, #tpu.memory_space<semaphore_mem>>
        %dma_start3A_806 = tpu.memref_slice %arg4[%mul3A_805] : memref<3584xi32, #tpu.memory_space<hbm>> -> memref<128xi32, #tpu.memory_space<hbm>>
        %dma_start3A_807 = tpu.memref_slice %arg4[%mul3A_805] : memref<3584xi32, #tpu.memory_space<hbm>> -> memref<128xi32, #tpu.memory_space<hbm>>
        tpu.enqueue_dma source(%arg7 : memref<128xi32, #tpu.memory_space<vmem>>) target(%dma_start3A_807 : memref<128xi32, #tpu.memory_space<hbm>>) target_semaphore(%run_scoped3A : memref<!tpu.dma_semaphore, #tpu.memory_space<semaphore_mem>>)
        %dma_wait3A_808 = tpu.memref_slice %arg4[%mul3A_805] : memref<3584xi32, #tpu.memory_space<hbm>> -> memref<128xi32, #tpu.memory_space<hbm>>
        %dma_wait3A_809 = tpu.memref_slice %arg4[%mul3A_805] : memref<3584xi32, #tpu.memory_space<hbm>> -> memref<128xi32, #tpu.memory_space<hbm>>
        tpu.wait_dma2 semaphore(%run_scoped3A : memref<!tpu.dma_semaphore, #tpu.memory_space<semaphore_mem>>) src(%arg7 : memref<128xi32, #tpu.memory_space<vmem>>) dst(%dma_wait3A_809 : memref<128xi32, #tpu.memory_space<hbm>>)
        tpu.yield
      }) : () -> ()
    } else {
    }
    return
  }
}

module attributes {stable_mosaic.version = 14 : i64} {
  func.func @_tca_body(%arg0: i32, %arg1: memref<1x256x196xf32, #tpu.memory_space<vmem>>, %arg2: memref<1x256x196xf32, #tpu.memory_space<vmem>>, %arg3: memref<1x256x196xf32, #tpu.memory_space<vmem>>, %arg4: memref<3x256x256xf32, #tpu.memory_space<vmem>>, %arg5: memref<1x256xf32, #tpu.memory_space<vmem>>, %arg6: memref<1x256xf32, #tpu.memory_space<vmem>>, %arg7: memref<1x1x196x256xf32, #tpu.memory_space<vmem>>, %arg8: memref<1x256xf32, #tpu.memory_space<vmem>>, %arg9: memref<1x256xf32, #tpu.memory_space<vmem>>, %arg10: memref<1x196x196xf32, #tpu.memory_space<vmem>>, %arg11: memref<32x196x256xf32, #tpu.memory_space<vmem>>, %arg12: memref<8x256xf32, #tpu.memory_space<vmem>>) attributes {dimension_semantics = [#tpu.dimension_semantics<arbitrary>], iteration_bounds = array<i64: 60>, scalar_prefetch = 0 : i64, scratch_operands = 2 : i64, tpu.core_type = #tpu.core_type<tc>, window_params = [{transform_indices = @transform_0, window_bounds = array<i64: 1, 256, 196>}, {transform_indices = @transform_1, window_bounds = array<i64: 1, 256, 196>}, {transform_indices = @transform_2, window_bounds = array<i64: 1, 256, 196>}, {pipeline_mode = #tpu.pipeline_mode<synchronous>, transform_indices = @transform_3, window_bounds = array<i64: 3, 256, 256>}, {pipeline_mode = #tpu.pipeline_mode<synchronous>, transform_indices = @transform_4, window_bounds = array<i64: 1, 256>}, {pipeline_mode = #tpu.pipeline_mode<synchronous>, transform_indices = @transform_5, window_bounds = array<i64: 1, 256>}, {transform_indices = @transform_6, window_bounds = array<i64: 1, 1, 196, 256>}, {pipeline_mode = #tpu.pipeline_mode<synchronous>, transform_indices = @transform_7, window_bounds = array<i64: 1, 256>}, {pipeline_mode = #tpu.pipeline_mode<synchronous>, transform_indices = @transform_8, window_bounds = array<i64: 1, 256>}, {transform_indices = @transform_9, window_bounds = array<i64: 1, 196, 196>}]} {
    %eq3A = arith.constant 0 : i32
    %eq3A_0 = arith.cmpi eq, %arg0, %eq3A : i32
    %convert_element_type3A = arith.extui %eq3A_0 : i1 to i32
    %cond3A = arith.constant 0 : i32
    %cond3A_1 = arith.cmpi ne, %convert_element_type3A, %cond3A : i32
    scf.if %cond3A_1 {
      %broadcast_in_dim3A = arith.constant 0.000000e+00 : f32
      %broadcast_in_dim3A_15 = vector.broadcast %broadcast_in_dim3A : f32 to vector<8x256xf32>
      %swap3A = arith.constant 0 : index
      %swap3A_16 = arith.constant 0 : index
      %swap3A_17 = vector.load %arg12[%swap3A, %swap3A_16] : memref<8x256xf32, #tpu.memory_space<vmem>>, vector<8x256xf32>
      tpu.vector_store %arg12[%swap3A, %swap3A_16], %broadcast_in_dim3A_15 {strides = array<i32>} : memref<8x256xf32, #tpu.memory_space<vmem>>, vector<8x256xf32>,
    } else {
    }
    %lt3A = arith.constant 32 : i32
    %lt3A_2 = arith.cmpi slt, %arg0, %lt3A : i32
    %convert_element_type3A_3 = arith.extui %lt3A_2 : i1 to i32
    %cond3A_4 = arith.constant 0 : i32
    %cond3A_5 = arith.cmpi ne, %convert_element_type3A_3, %cond3A_4 : i32
    scf.if %cond3A_5 {
      %jit3A = arith.constant 8 : i32
      %eq3A_15 = arith.constant 0 : i32
      %eq3A_16 = arith.cmpi eq, %jit3A, %eq3A_15 : i32
      %jit3A_17 = arith.constant 1 : i32
      %select_n3A = arith.select %eq3A_16, %jit3A_17, %jit3A : i32
      %rem3A = arith.remsi %arg0, %select_n3A : i32
      %ne3A = arith.constant 0 : i32
      %ne3A_18 = arith.cmpi ne, %rem3A, %ne3A : i32
      %lt3A_19 = arith.constant 0 : i32
      %lt3A_20 = arith.cmpi slt, %rem3A, %lt3A_19 : i32
      %lt3A_21 = arith.constant 0 : i32
      %lt3A_22 = arith.cmpi slt, %select_n3A, %lt3A_21 : i32
      %ne3A_23 = arith.xori %lt3A_20, %lt3A_22 : i1
      %and3A = arith.andi %ne3A_23, %ne3A_18 : i1
      %add3A = arith.addi %rem3A, %select_n3A : i32
      %select_n3A_24 = arith.select %and3A, %add3A, %rem3A : i32
      %get3A = arith.constant 0 : index
      %get3A_25 = arith.constant 0 : index
      %get3A_26 = arith.constant 0 : index
      %get3A_27 = vector.load %arg1[%get3A, %get3A_25, %get3A_26] : memref<1x256x196xf32, #tpu.memory_space<vmem>>, vector<1x256x196xf32>
      %get3A_28 = vector.shape_cast %get3A_27 : vector<1x256x196xf32> to vector<256x196xf32>
      %get3A_29 = arith.constant 0 : index
      %get3A_30 = arith.constant 0 : index
      %get3A_31 = arith.constant 0 : index
      %get3A_32 = vector.load %arg2[%get3A_29, %get3A_30, %get3A_31] : memref<1x256x196xf32, #tpu.memory_space<vmem>>, vector<1x256x196xf32>
      %get3A_33 = vector.shape_cast %get3A_32 : vector<1x256x196xf32> to vector<256x196xf32>
      %get3A_34 = arith.constant 0 : index
      %get3A_35 = arith.constant 0 : index
      %get3A_36 = arith.constant 0 : index
      %get3A_37 = vector.load %arg3[%get3A_34, %get3A_35, %get3A_36] : memref<1x256x196xf32, #tpu.memory_space<vmem>>, vector<1x256x196xf32>
      %get3A_38 = vector.shape_cast %get3A_37 : vector<1x256x196xf32> to vector<256x196xf32>
      %get3A_39 = arith.constant 0 : index
      %get3A_40 = arith.constant 0 : index
      %get3A_41 = arith.constant 0 : index
      %get3A_42 = vector.load %arg4[%get3A_39, %get3A_40, %get3A_41] : memref<3x256x256xf32, #tpu.memory_space<vmem>>, vector<3x256x256xf32>
      %slice3A = vector.extract_strided_slice %get3A_42 {offsets = [1, 0, 0], sizes = [1, 256, 256], strides = [1, 1, 1]} : vector<3x256x256xf32> to vector<1x256x256xf32>
      %squeeze3A = vector.shape_cast %slice3A : vector<1x256x256xf32> to vector<256x256xf32>
      %dot_general3A = arith.constant dense<0.000000e+00> : vector<196x256xf32>
      %dot_general3A_43 = tpu.matmul %get3A_33, %squeeze3A, %dot_general3A {dimension_numbers = #tpu.dot_dimension_numbers<[0], [1], [1], [0], [0, 1, 1, 0], [], []>, transpose_lhs_hint = false} : vector<256x196xf32>, vector<256x256xf32>, vector<196x256xf32> -> vector<196x256xf32>
      %slice3A_44 = vector.extract_strided_slice %get3A_42 {offsets = [0, 0, 0], sizes = [1, 256, 256], strides = [1, 1, 1]} : vector<3x256x256xf32> to vector<1x256x256xf32>
      %squeeze3A_45 = vector.shape_cast %slice3A_44 : vector<1x256x256xf32> to vector<256x256xf32>
      %dot_general3A_46 = arith.constant dense<0.000000e+00> : vector<196x256xf32>
      %dot_general3A_47 = tpu.matmul %get3A_28, %squeeze3A_45, %dot_general3A_46 {dimension_numbers = #tpu.dot_dimension_numbers<[0], [1], [1], [0], [0, 1, 1, 0], [], []>, transpose_lhs_hint = false} : vector<256x196xf32>, vector<256x256xf32>, vector<196x256xf32> -> vector<196x256xf32>
      %slice3A_48 = vector.extract_strided_slice %get3A_42 {offsets = [2, 0, 0], sizes = [1, 256, 256], strides = [1, 1, 1]} : vector<3x256x256xf32> to vector<1x256x256xf32>
      %squeeze3A_49 = vector.shape_cast %slice3A_48 : vector<1x256x256xf32> to vector<256x256xf32>
      %dot_general3A_50 = arith.constant dense<0.000000e+00> : vector<196x256xf32>
      %dot_general3A_51 = tpu.matmul %get3A_38, %squeeze3A_49, %dot_general3A_50 {dimension_numbers = #tpu.dot_dimension_numbers<[0], [1], [1], [0], [0, 1, 1, 0], [], []>, transpose_lhs_hint = false} : vector<256x196xf32>, vector<256x256xf32>, vector<196x256xf32> -> vector<196x256xf32>
      %gt3A = arith.constant 0 : i32
      %gt3A_52 = arith.cmpi sgt, %select_n3A_24, %gt3A : i32
      %jit3A_53 = arith.constant 1.000000e+00 : f32
      %jit3A_54 = arith.constant 0.000000e+00 : f32
      %select_n3A_55 = arith.select %gt3A_52, %jit3A_53, %jit3A_54 : f32
      %lt3A_56 = arith.constant 7 : i32
      %lt3A_57 = arith.cmpi slt, %select_n3A_24, %lt3A_56 : i32
      %jit3A_58 = arith.constant 1.000000e+00 : f32
      %jit3A_59 = arith.constant 0.000000e+00 : f32
      %select_n3A_60 = arith.select %lt3A_57, %jit3A_58, %jit3A_59 : f32
      %mul3A = vector.broadcast %select_n3A_55 : f32 to vector<196x256xf32>
      %mul3A_61 = arith.mulf %mul3A, %dot_general3A_47 : vector<196x256xf32>
      %add3A_62 = arith.addf %dot_general3A_43, %mul3A_61 : vector<196x256xf32>
      %mul3A_63 = vector.broadcast %select_n3A_60 : f32 to vector<196x256xf32>
      %mul3A_64 = arith.mulf %mul3A_63, %dot_general3A_51 : vector<196x256xf32>
      %add3A_65 = arith.addf %add3A_62, %mul3A_64 : vector<196x256xf32>
      %swap3A = arith.constant 0 : index
      %swap3A_66 = arith.constant 0 : index
      %swap3A_67 = arith.constant 0 : index
      %swap3A_68 = arith.constant 0 : index
      %swap3A_69 = vector.load %arg7[%swap3A, %swap3A_66, %swap3A_67, %swap3A_68] : memref<1x1x196x256xf32, #tpu.memory_space<vmem>>, vector<1x1x196x256xf32>
      %swap3A_70 = vector.shape_cast %swap3A_69 : vector<1x1x196x256xf32> to vector<196x256xf32>
      %swap3A_71 = vector.shape_cast %add3A_65 : vector<196x256xf32> to vector<1x1x196x256xf32>
      tpu.vector_store %arg7[%swap3A, %swap3A_66, %swap3A_67, %swap3A_68], %swap3A_71 {strides = array<i32>} : memref<1x1x196x256xf32, #tpu.memory_space<vmem>>, vector<1x1x196x256xf32>,
      %broadcast_in_dim3A = vector.shape_cast %add3A_65 : vector<196x256xf32> to vector<1x196x256xf32>
      %swap3A_72 = arith.index_cast %arg0 : i32 to index
      %swap3A_73 = arith.constant 0 : index
      %swap3A_74 = arith.constant 0 : index
      %swap3A_75 = vector.load %arg11[%swap3A_72, %swap3A_73, %swap3A_74] : memref<32x196x256xf32, #tpu.memory_space<vmem>>, vector<1x196x256xf32>
      tpu.vector_store %arg11[%swap3A_72, %swap3A_73, %swap3A_74], %broadcast_in_dim3A {strides = array<i32>} : memref<32x196x256xf32, #tpu.memory_space<vmem>>, vector<1x196x256xf32>,
      %get3A_76 = arith.constant 0 : index
      %get3A_77 = arith.constant 0 : index
      %get3A_78 = vector.load %arg12[%get3A_76, %get3A_77] : memref<8x256xf32, #tpu.memory_space<vmem>>, vector<1x256xf32>
      %reduce_sum3A = arith.constant dense<0.000000e+00> : vector<256xf32>
      %reduce_sum3A_79 = vector.multi_reduction <add>, %add3A_65, %reduce_sum3A [0] : vector<196x256xf32> to vector<256xf32>
      %broadcast_in_dim3A_80 = vector.shape_cast %reduce_sum3A_79 : vector<256xf32> to vector<1x256xf32>
      %add3A_81 = arith.addf %get3A_78, %broadcast_in_dim3A_80 : vector<1x256xf32>
      %swap3A_82 = arith.constant 0 : index
      %swap3A_83 = arith.constant 0 : index
      %swap3A_84 = vector.load %arg12[%swap3A_82, %swap3A_83] : memref<8x256xf32, #tpu.memory_space<vmem>>, vector<1x256xf32>
      tpu.vector_store %arg12[%swap3A_82, %swap3A_83], %add3A_81 {strides = array<i32>} : memref<8x256xf32, #tpu.memory_space<vmem>>, vector<1x256xf32>,
      %get3A_85 = arith.constant 1 : index
      %get3A_86 = arith.constant 0 : index
      %get3A_87 = vector.load %arg12[%get3A_85, %get3A_86] : memref<8x256xf32, #tpu.memory_space<vmem>>, vector<1x256xf32>
      %mul3A_88 = arith.mulf %add3A_65, %add3A_65 : vector<196x256xf32>
      %reduce_sum3A_89 = arith.constant dense<0.000000e+00> : vector<256xf32>
      %reduce_sum3A_90 = vector.multi_reduction <add>, %mul3A_88, %reduce_sum3A_89 [0] : vector<196x256xf32> to vector<256xf32>
      %broadcast_in_dim3A_91 = vector.shape_cast %reduce_sum3A_90 : vector<256xf32> to vector<1x256xf32>
      %add3A_92 = arith.addf %get3A_87, %broadcast_in_dim3A_91 : vector<1x256xf32>
      %swap3A_93 = arith.constant 1 : index
      %swap3A_94 = arith.constant 0 : index
      %swap3A_95 = vector.load %arg12[%swap3A_93, %swap3A_94] : memref<8x256xf32, #tpu.memory_space<vmem>>, vector<1x256xf32>
      tpu.vector_store %arg12[%swap3A_93, %swap3A_94], %add3A_92 {strides = array<i32>} : memref<8x256xf32, #tpu.memory_space<vmem>>, vector<1x256xf32>,
    } else {
    }
    %eq3A_6 = arith.constant 32 : i32
    %eq3A_7 = arith.cmpi eq, %arg0, %eq3A_6 : i32
    %convert_element_type3A_8 = arith.extui %eq3A_7 : i1 to i32
    %cond3A_9 = arith.constant 0 : i32
    %cond3A_10 = arith.cmpi ne, %convert_element_type3A_8, %cond3A_9 : i32
    scf.if %cond3A_10 {
      %get3A = arith.constant 0 : index
      %get3A_15 = arith.constant 0 : index
      %get3A_16 = vector.load %arg12[%get3A, %get3A_15] : memref<8x256xf32, #tpu.memory_space<vmem>>, vector<1x256xf32>
      %div3A = arith.constant 6.272000e+03 : f32
      %div3A_17 = vector.broadcast %div3A : f32 to vector<1x256xf32>
      %div3A_18 = arith.divf %get3A_16, %div3A_17 : vector<1x256xf32>
      %get3A_19 = arith.constant 1 : index
      %get3A_20 = arith.constant 0 : index
      %get3A_21 = vector.load %arg12[%get3A_19, %get3A_20] : memref<8x256xf32, #tpu.memory_space<vmem>>, vector<1x256xf32>
      %div3A_22 = arith.constant 6.272000e+03 : f32
      %div3A_23 = vector.broadcast %div3A_22 : f32 to vector<1x256xf32>
      %div3A_24 = arith.divf %get3A_21, %div3A_23 : vector<1x256xf32>
      %mul3A = arith.mulf %div3A_18, %div3A_18 : vector<1x256xf32>
      %sub3A = arith.subf %div3A_24, %mul3A : vector<1x256xf32>
      %add3A = arith.constant 9.99999974E-6 : f32
      %add3A_25 = vector.broadcast %add3A : f32 to vector<1x256xf32>
      %add3A_26 = arith.addf %sub3A, %add3A_25 : vector<1x256xf32>
      %rsqrt3A = math.rsqrt %add3A_26 : vector<1x256xf32>
      %get3A_27 = arith.constant 0 : index
      %get3A_28 = arith.constant 0 : index
      %get3A_29 = vector.load %arg5[%get3A_27, %get3A_28] : memref<1x256xf32, #tpu.memory_space<vmem>>, vector<1x256xf32>
      %mul3A_30 = arith.mulf %rsqrt3A, %get3A_29 : vector<1x256xf32>
      %get3A_31 = arith.constant 0 : index
      %get3A_32 = arith.constant 0 : index
      %get3A_33 = vector.load %arg6[%get3A_31, %get3A_32] : memref<1x256xf32, #tpu.memory_space<vmem>>, vector<1x256xf32>
      %mul3A_34 = arith.mulf %div3A_18, %mul3A_30 : vector<1x256xf32>
      %sub3A_35 = arith.subf %get3A_33, %mul3A_34 : vector<1x256xf32>
      %swap3A = arith.constant 2 : index
      %swap3A_36 = arith.constant 0 : index
      %swap3A_37 = vector.load %arg12[%swap3A, %swap3A_36] : memref<8x256xf32, #tpu.memory_space<vmem>>, vector<1x256xf32>
      tpu.vector_store %arg12[%swap3A, %swap3A_36], %mul3A_30 {strides = array<i32>} : memref<8x256xf32, #tpu.memory_space<vmem>>, vector<1x256xf32>,
      %swap3A_38 = arith.constant 3 : index
      %swap3A_39 = arith.constant 0 : index
      %swap3A_40 = vector.load %arg12[%swap3A_38, %swap3A_39] : memref<8x256xf32, #tpu.memory_space<vmem>>, vector<1x256xf32>
      tpu.vector_store %arg12[%swap3A_38, %swap3A_39], %sub3A_35 {strides = array<i32>} : memref<8x256xf32, #tpu.memory_space<vmem>>, vector<1x256xf32>,
      %swap3A_41 = arith.constant 0 : index
      %swap3A_42 = arith.constant 0 : index
      %swap3A_43 = vector.load %arg8[%swap3A_41, %swap3A_42] : memref<1x256xf32, #tpu.memory_space<vmem>>, vector<1x256xf32>
      tpu.vector_store %arg8[%swap3A_41, %swap3A_42], %mul3A_30 {strides = array<i32>} : memref<1x256xf32, #tpu.memory_space<vmem>>, vector<1x256xf32>,
      %swap3A_44 = arith.constant 0 : index
      %swap3A_45 = arith.constant 0 : index
      %swap3A_46 = vector.load %arg9[%swap3A_44, %swap3A_45] : memref<1x256xf32, #tpu.memory_space<vmem>>, vector<1x256xf32>
      tpu.vector_store %arg9[%swap3A_44, %swap3A_45], %sub3A_35 {strides = array<i32>} : memref<1x256xf32, #tpu.memory_space<vmem>>, vector<1x256xf32>,
    } else {
    }
    %ge3A = arith.constant 32 : i32
    %ge3A_11 = arith.cmpi sge, %arg0, %ge3A : i32
    %convert_element_type3A_12 = arith.extui %ge3A_11 : i1 to i32
    %cond3A_13 = arith.constant 0 : i32
    %cond3A_14 = arith.cmpi ne, %convert_element_type3A_12, %cond3A_13 : i32
    scf.if %cond3A_14 {
      %sub3A = arith.constant 32 : i32
      %sub3A_15 = arith.subi %arg0, %sub3A : i32
      %jit3A = arith.constant 7 : i32
      %div3A = arith.divsi %sub3A_15, %jit3A : i32
      %sign3A = arith.constant 0 : i32
      %sign3A_16 = arith.cmpi sgt, %sub3A_15, %sign3A : i32
      %sign3A_17 = arith.extui %sign3A_16 : i1 to i32
      %sign3A_18 = arith.constant 0 : i32
      %sign3A_19 = arith.cmpi slt, %sub3A_15, %sign3A_18 : i32
      %sign3A_20 = arith.extui %sign3A_19 : i1 to i32
      %sign3A_21 = arith.subi %sign3A_17, %sign3A_20 : i32
      %sign3A_22 = arith.constant 0 : i32
      %sign3A_23 = arith.cmpi sgt, %jit3A, %sign3A_22 : i32
      %sign3A_24 = arith.extui %sign3A_23 : i1 to i32
      %sign3A_25 = arith.constant 0 : i32
      %sign3A_26 = arith.cmpi slt, %jit3A, %sign3A_25 : i32
      %sign3A_27 = arith.extui %sign3A_26 : i1 to i32
      %sign3A_28 = arith.subi %sign3A_24, %sign3A_27 : i32
      %ne3A = arith.cmpi ne, %sign3A_21, %sign3A_28 : i32
      %rem3A = arith.remsi %sub3A_15, %jit3A : i32
      %ne3A_29 = arith.constant 0 : i32
      %ne3A_30 = arith.cmpi ne, %rem3A, %ne3A_29 : i32
      %and3A = arith.andi %ne3A, %ne3A_30 : i1
      %sub3A_31 = arith.constant 1 : i32
      %sub3A_32 = arith.subi %div3A, %sub3A_31 : i32
      %select_n3A = arith.select %and3A, %sub3A_32, %div3A : i32
      %jit3A_33 = arith.constant 7 : i32
      %eq3A_34 = arith.constant 0 : i32
      %eq3A_35 = arith.cmpi eq, %jit3A_33, %eq3A_34 : i32
      %jit3A_36 = arith.constant 1 : i32
      %select_n3A_37 = arith.select %eq3A_35, %jit3A_36, %jit3A_33 : i32
      %rem3A_38 = arith.remsi %sub3A_15, %select_n3A_37 : i32
      %ne3A_39 = arith.constant 0 : i32
      %ne3A_40 = arith.cmpi ne, %rem3A_38, %ne3A_39 : i32
      %lt3A_41 = arith.constant 0 : i32
      %lt3A_42 = arith.cmpi slt, %rem3A_38, %lt3A_41 : i32
      %lt3A_43 = arith.constant 0 : i32
      %lt3A_44 = arith.cmpi slt, %select_n3A_37, %lt3A_43 : i32
      %ne3A_45 = arith.xori %lt3A_42, %lt3A_44 : i1
      %and3A_46 = arith.andi %ne3A_45, %ne3A_40 : i1
      %add3A = arith.addi %rem3A_38, %select_n3A_37 : i32
      %select_n3A_47 = arith.select %and3A_46, %add3A, %rem3A_38 : i32
      %mul3A = arith.constant 8 : i32
      %mul3A_48 = arith.muli %select_n3A, %mul3A : i32
      %add3A_49 = arith.addi %mul3A_48, %select_n3A_47 : i32
      %get3A = arith.constant 2 : index
      %get3A_50 = arith.constant 0 : index
      %get3A_51 = vector.load %arg12[%get3A, %get3A_50] : memref<8x256xf32, #tpu.memory_space<vmem>>, vector<1x256xf32>
      %get3A_52 = arith.constant 3 : index
      %get3A_53 = arith.constant 0 : index
      %get3A_54 = vector.load %arg12[%get3A_52, %get3A_53] : memref<8x256xf32, #tpu.memory_space<vmem>>, vector<1x256xf32>
      %get3A_55 = arith.index_cast %add3A_49 : i32 to index
      %get3A_56 = arith.constant 0 : index
      %get3A_57 = arith.constant 0 : index
      %get3A_58 = vector.load %arg11[%get3A_55, %get3A_56, %get3A_57] : memref<32x196x256xf32, #tpu.memory_space<vmem>>, vector<1x196x256xf32>
      %squeeze3A = vector.shape_cast %get3A_58 : vector<1x196x256xf32> to vector<196x256xf32>
      %mul3A_59 = vector.broadcast %get3A_51 : vector<1x256xf32> to vector<196x256xf32>
      %mul3A_60 = arith.mulf %squeeze3A, %mul3A_59 : vector<196x256xf32>
      %add3A_61 = vector.broadcast %get3A_54 : vector<1x256xf32> to vector<196x256xf32>
      %add3A_62 = arith.addf %mul3A_60, %add3A_61 : vector<196x256xf32>
      %add3A_63 = arith.constant 1 : i32
      %add3A_64 = arith.addi %add3A_49, %add3A_63 : i32
      %get3A_65 = arith.index_cast %add3A_64 : i32 to index
      %get3A_66 = arith.constant 0 : index
      %get3A_67 = arith.constant 0 : index
      %get3A_68 = vector.load %arg11[%get3A_65, %get3A_66, %get3A_67] : memref<32x196x256xf32, #tpu.memory_space<vmem>>, vector<1x196x256xf32>
      %squeeze3A_69 = vector.shape_cast %get3A_68 : vector<1x196x256xf32> to vector<196x256xf32>
      %mul3A_70 = vector.broadcast %get3A_51 : vector<1x256xf32> to vector<196x256xf32>
      %mul3A_71 = arith.mulf %squeeze3A_69, %mul3A_70 : vector<196x256xf32>
      %add3A_72 = vector.broadcast %get3A_54 : vector<1x256xf32> to vector<196x256xf32>
      %add3A_73 = arith.addf %mul3A_71, %add3A_72 : vector<196x256xf32>
      %mul3A_74 = arith.mulf %add3A_62, %add3A_62 : vector<196x256xf32>
      %reduce_sum3A = arith.constant dense<0.000000e+00> : vector<196xf32>
      %reduce_sum3A_75 = vector.multi_reduction <add>, %mul3A_74, %reduce_sum3A [1] : vector<196x256xf32> to vector<196xf32>
      %broadcast_in_dim3A = vector.shape_cast %reduce_sum3A_75 : vector<196xf32> to vector<196x1xf32>
      %mul3A_76 = arith.mulf %add3A_73, %add3A_73 : vector<196x256xf32>
      %reduce_sum3A_77 = arith.constant dense<0.000000e+00> : vector<196xf32>
      %reduce_sum3A_78 = vector.multi_reduction <add>, %mul3A_76, %reduce_sum3A_77 [1] : vector<196x256xf32> to vector<196xf32>
      %broadcast_in_dim3A_79 = vector.shape_cast %reduce_sum3A_78 : vector<196xf32> to vector<196x1xf32>
      %dot_general3A = arith.constant dense<0.000000e+00> : vector<196x196xf32>
      %dot_general3A_80 = tpu.matmul %add3A_62, %add3A_73, %dot_general3A {dimension_numbers = #tpu.dot_dimension_numbers<[1], [1], [0], [0], [0, 0, 1, 0], [], []>, transpose_lhs_hint = false} : vector<196x256xf32>, vector<196x256xf32>, vector<196x196xf32> -> vector<196x196xf32>
      %transpose3A = tpu.transpose %broadcast_in_dim3A_79, [1, 0] : vector<196x1xf32> -> vector<1x196xf32>
      %add3A_81 = vector.broadcast %broadcast_in_dim3A : vector<196x1xf32> to vector<196x196xf32>
      %add3A_82 = vector.broadcast %transpose3A : vector<1x196xf32> to vector<196x196xf32>
      %add3A_83 = arith.addf %add3A_81, %add3A_82 : vector<196x196xf32>
      %mul3A_84 = arith.constant 2.000000e+00 : f32
      %mul3A_85 = vector.broadcast %mul3A_84 : f32 to vector<196x196xf32>
      %mul3A_86 = arith.mulf %mul3A_85, %dot_general3A_80 : vector<196x196xf32>
      %sub3A_87 = arith.subf %add3A_83, %mul3A_86 : vector<196x196xf32>
      %jit3A_88 = arith.constant 0.000000e+00 : f32
      %max3A = vector.broadcast %jit3A_88 : f32 to vector<196x196xf32>
      %max3A_89 = arith.maximumf %max3A, %sub3A_87 : vector<196x196xf32>
      %sqrt3A = math.sqrt %max3A_89 : vector<196x196xf32>
      %neg3A = arith.constant 0.000000e+00 : f32
      %neg3A_90 = vector.broadcast %neg3A : f32 to vector<196x196xf32>
      %neg3A_91 = arith.subf %neg3A_90, %sqrt3A : vector<196x196xf32>
      %mul3A_92 = arith.mulf %neg3A_91, %neg3A_91 : vector<196x196xf32>
      %reduce_sum3A_93 = vector.shape_cast %mul3A_92 : vector<196x196xf32> to vector<1x196x196xf32>
      %reduce_sum3A_94 = arith.constant dense<0.000000e+00> : vector<1xf32>
      %reduce_sum3A_95 = vector.multi_reduction <add>, %reduce_sum3A_93, %reduce_sum3A_94 [1, 2] : vector<1x196x196xf32> to vector<1xf32>
      %reduce_sum3A_96 = vector.shape_cast %reduce_sum3A_95 : vector<1xf32> to vector<1x1x1xf32>
      %reduce_sum3A_97 = vector.extract %reduce_sum3A_96[0, 0, 0] : f32 from vector<1x1x1xf32>
      %sqrt3A_98 = math.sqrt %reduce_sum3A_97 : f32
      %max3A_99 = arith.constant 9.99999996E-13 : f32
      %max3A_100 = arith.maximumf %sqrt3A_98, %max3A_99 : f32
      %div3A_101 = vector.broadcast %max3A_100 : f32 to vector<196x196xf32>
      %div3A_102 = arith.divf %neg3A_91, %div3A_101 : vector<196x196xf32>
      %swap3A = arith.constant 0 : index
      %swap3A_103 = arith.constant 0 : index
      %swap3A_104 = arith.constant 0 : index
      %swap3A_105 = vector.load %arg10[%swap3A, %swap3A_103, %swap3A_104] : memref<1x196x196xf32, #tpu.memory_space<vmem>>, vector<1x196x196xf32>
      %swap3A_106 = vector.shape_cast %swap3A_105 : vector<1x196x196xf32> to vector<196x196xf32>
      %swap3A_107 = vector.shape_cast %div3A_102 : vector<196x196xf32> to vector<1x196x196xf32>
      tpu.vector_store %arg10[%swap3A, %swap3A_103, %swap3A_104], %swap3A_107 {strides = array<i32>} : memref<1x196x196xf32, #tpu.memory_space<vmem>>, vector<1x196x196xf32>,
    } else {
    }
    return
  }
  func.func @transform_0(%arg0: i32) -> (i32, i32, i32) {
    %lt3A = arith.constant 32 : i32
    %lt3A_0 = arith.cmpi slt, %arg0, %lt3A : i32
    %jit3A = arith.constant 8 : i32
    %div3A = arith.divsi %arg0, %jit3A : i32
    %sign3A = arith.constant 0 : i32
    %sign3A_1 = arith.cmpi sgt, %arg0, %sign3A : i32
    %sign3A_2 = arith.extui %sign3A_1 : i1 to i32
    %sign3A_3 = arith.constant 0 : i32
    %sign3A_4 = arith.cmpi slt, %arg0, %sign3A_3 : i32
    %sign3A_5 = arith.extui %sign3A_4 : i1 to i32
    %sign3A_6 = arith.subi %sign3A_2, %sign3A_5 : i32
    %sign3A_7 = arith.constant 0 : i32
    %sign3A_8 = arith.cmpi sgt, %jit3A, %sign3A_7 : i32
    %sign3A_9 = arith.extui %sign3A_8 : i1 to i32
    %sign3A_10 = arith.constant 0 : i32
    %sign3A_11 = arith.cmpi slt, %jit3A, %sign3A_10 : i32
    %sign3A_12 = arith.extui %sign3A_11 : i1 to i32
    %sign3A_13 = arith.subi %sign3A_9, %sign3A_12 : i32
    %ne3A = arith.cmpi ne, %sign3A_6, %sign3A_13 : i32
    %rem3A = arith.remsi %arg0, %jit3A : i32
    %ne3A_14 = arith.constant 0 : i32
    %ne3A_15 = arith.cmpi ne, %rem3A, %ne3A_14 : i32
    %and3A = arith.andi %ne3A, %ne3A_15 : i1
    %sub3A = arith.constant 1 : i32
    %sub3A_16 = arith.subi %div3A, %sub3A : i32
    %select_n3A = arith.select %and3A, %sub3A_16, %div3A : i32
    %mul3A = arith.constant 8 : i32
    %mul3A_17 = arith.muli %select_n3A, %mul3A : i32
    %jit3A_18 = arith.constant 8 : i32
    %eq3A = arith.constant 0 : i32
    %eq3A_19 = arith.cmpi eq, %jit3A_18, %eq3A : i32
    %jit3A_20 = arith.constant 1 : i32
    %select_n3A_21 = arith.select %eq3A_19, %jit3A_20, %jit3A_18 : i32
    %rem3A_22 = arith.remsi %arg0, %select_n3A_21 : i32
    %ne3A_23 = arith.constant 0 : i32
    %ne3A_24 = arith.cmpi ne, %rem3A_22, %ne3A_23 : i32
    %lt3A_25 = arith.constant 0 : i32
    %lt3A_26 = arith.cmpi slt, %rem3A_22, %lt3A_25 : i32
    %lt3A_27 = arith.constant 0 : i32
    %lt3A_28 = arith.cmpi slt, %select_n3A_21, %lt3A_27 : i32
    %ne3A_29 = arith.xori %lt3A_26, %lt3A_28 : i1
    %and3A_30 = arith.andi %ne3A_29, %ne3A_24 : i1
    %add3A = arith.addi %rem3A_22, %select_n3A_21 : i32
    %select_n3A_31 = arith.select %and3A_30, %add3A, %rem3A_22 : i32
    %sub3A_32 = arith.constant 1 : i32
    %sub3A_33 = arith.subi %select_n3A_31, %sub3A_32 : i32
    %max3A = arith.constant 0 : i32
    %max3A_34 = arith.maxsi %sub3A_33, %max3A : i32
    %add3A_35 = arith.addi %mul3A_17, %max3A_34 : i32
    %jit3A_36 = arith.constant 0 : i32
    %select_n3A_37 = arith.select %lt3A_0, %add3A_35, %jit3A_36 : i32
    %c0_i32 = arith.constant 0 : i32
    %c0_i32_38 = arith.constant 0 : i32
    %c0_i32_39 = arith.constant 0 : i32
    return %select_n3A_37, %c0_i32, %c0_i32_38 : i32, i32, i32
  }
  func.func @transform_1(%arg0: i32) -> (i32, i32, i32) {
    %lt3A = arith.constant 32 : i32
    %lt3A_0 = arith.cmpi slt, %arg0, %lt3A : i32
    %jit3A = arith.constant 0 : i32
    %select_n3A = arith.select %lt3A_0, %arg0, %jit3A : i32
    %c0_i32 = arith.constant 0 : i32
    %c0_i32_1 = arith.constant 0 : i32
    %c0_i32_2 = arith.constant 0 : i32
    return %select_n3A, %c0_i32, %c0_i32_1 : i32, i32, i32
  }
  func.func @transform_2(%arg0: i32) -> (i32, i32, i32) {
    %lt3A = arith.constant 32 : i32
    %lt3A_0 = arith.cmpi slt, %arg0, %lt3A : i32
    %jit3A = arith.constant 8 : i32
    %div3A = arith.divsi %arg0, %jit3A : i32
    %sign3A = arith.constant 0 : i32
    %sign3A_1 = arith.cmpi sgt, %arg0, %sign3A : i32
    %sign3A_2 = arith.extui %sign3A_1 : i1 to i32
    %sign3A_3 = arith.constant 0 : i32
    %sign3A_4 = arith.cmpi slt, %arg0, %sign3A_3 : i32
    %sign3A_5 = arith.extui %sign3A_4 : i1 to i32
    %sign3A_6 = arith.subi %sign3A_2, %sign3A_5 : i32
    %sign3A_7 = arith.constant 0 : i32
    %sign3A_8 = arith.cmpi sgt, %jit3A, %sign3A_7 : i32
    %sign3A_9 = arith.extui %sign3A_8 : i1 to i32
    %sign3A_10 = arith.constant 0 : i32
    %sign3A_11 = arith.cmpi slt, %jit3A, %sign3A_10 : i32
    %sign3A_12 = arith.extui %sign3A_11 : i1 to i32
    %sign3A_13 = arith.subi %sign3A_9, %sign3A_12 : i32
    %ne3A = arith.cmpi ne, %sign3A_6, %sign3A_13 : i32
    %rem3A = arith.remsi %arg0, %jit3A : i32
    %ne3A_14 = arith.constant 0 : i32
    %ne3A_15 = arith.cmpi ne, %rem3A, %ne3A_14 : i32
    %and3A = arith.andi %ne3A, %ne3A_15 : i1
    %sub3A = arith.constant 1 : i32
    %sub3A_16 = arith.subi %div3A, %sub3A : i32
    %select_n3A = arith.select %and3A, %sub3A_16, %div3A : i32
    %mul3A = arith.constant 8 : i32
    %mul3A_17 = arith.muli %select_n3A, %mul3A : i32
    %jit3A_18 = arith.constant 8 : i32
    %eq3A = arith.constant 0 : i32
    %eq3A_19 = arith.cmpi eq, %jit3A_18, %eq3A : i32
    %jit3A_20 = arith.constant 1 : i32
    %select_n3A_21 = arith.select %eq3A_19, %jit3A_20, %jit3A_18 : i32
    %rem3A_22 = arith.remsi %arg0, %select_n3A_21 : i32
    %ne3A_23 = arith.constant 0 : i32
    %ne3A_24 = arith.cmpi ne, %rem3A_22, %ne3A_23 : i32
    %lt3A_25 = arith.constant 0 : i32
    %lt3A_26 = arith.cmpi slt, %rem3A_22, %lt3A_25 : i32
    %lt3A_27 = arith.constant 0 : i32
    %lt3A_28 = arith.cmpi slt, %select_n3A_21, %lt3A_27 : i32
    %ne3A_29 = arith.xori %lt3A_26, %lt3A_28 : i1
    %and3A_30 = arith.andi %ne3A_29, %ne3A_24 : i1
    %add3A = arith.addi %rem3A_22, %select_n3A_21 : i32
    %select_n3A_31 = arith.select %and3A_30, %add3A, %rem3A_22 : i32
    %add3A_32 = arith.constant 1 : i32
    %add3A_33 = arith.addi %select_n3A_31, %add3A_32 : i32
    %min3A = arith.constant 7 : i32
    %min3A_34 = arith.minsi %add3A_33, %min3A : i32
    %add3A_35 = arith.addi %mul3A_17, %min3A_34 : i32
    %jit3A_36 = arith.constant 0 : i32
    %select_n3A_37 = arith.select %lt3A_0, %add3A_35, %jit3A_36 : i32
    %c0_i32 = arith.constant 0 : i32
    %c0_i32_38 = arith.constant 0 : i32
    %c0_i32_39 = arith.constant 0 : i32
    return %select_n3A_37, %c0_i32, %c0_i32_38 : i32, i32, i32
  }
  func.func @transform_3(%arg0: i32) -> (i32, i32, i32) {
    %c0_i32 = arith.constant 0 : i32
    %c0_i32_0 = arith.constant 0 : i32
    %c0_i32_1 = arith.constant 0 : i32
    %c0_i32_2 = arith.constant 0 : i32
    return %c0_i32, %c0_i32_0, %c0_i32_1 : i32, i32, i32
  }
  func.func @transform_4(%arg0: i32) -> (i32, i32) {
    %c0_i32 = arith.constant 0 : i32
    %c0_i32_0 = arith.constant 0 : i32
    %c0_i32_1 = arith.constant 0 : i32
    return %c0_i32, %c0_i32_0 : i32, i32
  }
  func.func @transform_5(%arg0: i32) -> (i32, i32) {
    %c0_i32 = arith.constant 0 : i32
    %c0_i32_0 = arith.constant 0 : i32
    %c0_i32_1 = arith.constant 0 : i32
    return %c0_i32, %c0_i32_0 : i32, i32
  }
  func.func @transform_6(%arg0: i32) -> (i32, i32, i32, i32) {
    %lt3A = arith.constant 32 : i32
    %lt3A_0 = arith.cmpi slt, %arg0, %lt3A : i32
    %jit3A = arith.constant 8 : i32
    %div3A = arith.divsi %arg0, %jit3A : i32
    %sign3A = arith.constant 0 : i32
    %sign3A_1 = arith.cmpi sgt, %arg0, %sign3A : i32
    %sign3A_2 = arith.extui %sign3A_1 : i1 to i32
    %sign3A_3 = arith.constant 0 : i32
    %sign3A_4 = arith.cmpi slt, %arg0, %sign3A_3 : i32
    %sign3A_5 = arith.extui %sign3A_4 : i1 to i32
    %sign3A_6 = arith.subi %sign3A_2, %sign3A_5 : i32
    %sign3A_7 = arith.constant 0 : i32
    %sign3A_8 = arith.cmpi sgt, %jit3A, %sign3A_7 : i32
    %sign3A_9 = arith.extui %sign3A_8 : i1 to i32
    %sign3A_10 = arith.constant 0 : i32
    %sign3A_11 = arith.cmpi slt, %jit3A, %sign3A_10 : i32
    %sign3A_12 = arith.extui %sign3A_11 : i1 to i32
    %sign3A_13 = arith.subi %sign3A_9, %sign3A_12 : i32
    %ne3A = arith.cmpi ne, %sign3A_6, %sign3A_13 : i32
    %rem3A = arith.remsi %arg0, %jit3A : i32
    %ne3A_14 = arith.constant 0 : i32
    %ne3A_15 = arith.cmpi ne, %rem3A, %ne3A_14 : i32
    %and3A = arith.andi %ne3A, %ne3A_15 : i1
    %sub3A = arith.constant 1 : i32
    %sub3A_16 = arith.subi %div3A, %sub3A : i32
    %select_n3A = arith.select %and3A, %sub3A_16, %div3A : i32
    %jit3A_17 = arith.constant 3 : i32
    %select_n3A_18 = arith.select %lt3A_0, %select_n3A, %jit3A_17 : i32
    %lt3A_19 = arith.constant 32 : i32
    %lt3A_20 = arith.cmpi slt, %arg0, %lt3A_19 : i32
    %jit3A_21 = arith.constant 8 : i32
    %eq3A = arith.constant 0 : i32
    %eq3A_22 = arith.cmpi eq, %jit3A_21, %eq3A : i32
    %jit3A_23 = arith.constant 1 : i32
    %select_n3A_24 = arith.select %eq3A_22, %jit3A_23, %jit3A_21 : i32
    %rem3A_25 = arith.remsi %arg0, %select_n3A_24 : i32
    %ne3A_26 = arith.constant 0 : i32
    %ne3A_27 = arith.cmpi ne, %rem3A_25, %ne3A_26 : i32
    %lt3A_28 = arith.constant 0 : i32
    %lt3A_29 = arith.cmpi slt, %rem3A_25, %lt3A_28 : i32
    %lt3A_30 = arith.constant 0 : i32
    %lt3A_31 = arith.cmpi slt, %select_n3A_24, %lt3A_30 : i32
    %ne3A_32 = arith.xori %lt3A_29, %lt3A_31 : i1
    %and3A_33 = arith.andi %ne3A_32, %ne3A_27 : i1
    %add3A = arith.addi %rem3A_25, %select_n3A_24 : i32
    %select_n3A_34 = arith.select %and3A_33, %add3A, %rem3A_25 : i32
    %jit3A_35 = arith.constant 7 : i32
    %select_n3A_36 = arith.select %lt3A_20, %select_n3A_34, %jit3A_35 : i32
    %c0_i32 = arith.constant 0 : i32
    %c0_i32_37 = arith.constant 0 : i32
    %c0_i32_38 = arith.constant 0 : i32
    return %select_n3A_18, %select_n3A_36, %c0_i32, %c0_i32_37 : i32, i32, i32, i32
  }
  func.func @transform_7(%arg0: i32) -> (i32, i32) {
    %c0_i32 = arith.constant 0 : i32
    %c0_i32_0 = arith.constant 0 : i32
    %c0_i32_1 = arith.constant 0 : i32
    return %c0_i32, %c0_i32_0 : i32, i32
  }
  func.func @transform_8(%arg0: i32) -> (i32, i32) {
    %c0_i32 = arith.constant 0 : i32
    %c0_i32_0 = arith.constant 0 : i32
    %c0_i32_1 = arith.constant 0 : i32
    return %c0_i32, %c0_i32_0 : i32, i32
  }
  func.func @transform_9(%arg0: i32) -> (i32, i32, i32) {
    %lt3A = arith.constant 32 : i32
    %lt3A_0 = arith.cmpi slt, %arg0, %lt3A : i32
    %sub3A = arith.constant 32 : i32
    %sub3A_1 = arith.subi %arg0, %sub3A : i32
    %jit3A = arith.constant 0 : i32
    %select_n3A = arith.select %lt3A_0, %jit3A, %sub3A_1 : i32
    %c0_i32 = arith.constant 0 : i32
    %c0_i32_2 = arith.constant 0 : i32
    %c0_i32_3 = arith.constant 0 : i32
    return %select_n3A, %c0_i32, %c0_i32_2 : i32, i32, i32
  }
}

module attributes {stable_mosaic.version = 14 : i64} {
  func.func @_tcb_body(%arg0: i32, %arg1: memref<1x1568x256xf32, #tpu.memory_space<vmem>>, %arg2: memref<1x7x128xf32, #tpu.memory_space<vmem>>, %arg3: memref<1x7x128xi32, #tpu.memory_space<vmem>>, %arg4: memref<1x1xi32, #tpu.memory_space<smem>>, %arg5: memref<1x256xf32, #tpu.memory_space<vmem>>, %arg6: memref<1x256xf32, #tpu.memory_space<vmem>>, %arg7: memref<256x256xf32, #tpu.memory_space<vmem>>, %arg8: memref<1x256xf32, #tpu.memory_space<vmem>>, %arg9: memref<3x256x256xf32, #tpu.memory_space<vmem>>, %arg10: memref<256x1xf32, #tpu.memory_space<vmem>>, %arg11: memref<256x1xf32, #tpu.memory_space<vmem>>, %arg12: memref<1x256x196xf32, #tpu.memory_space<vmem>>, %arg13: memref<32x256x196xf32, #tpu.memory_space<vmem>>, %arg14: memref<256x8xf32, #tpu.memory_space<vmem>>) attributes {dimension_semantics = [#tpu.dimension_semantics<arbitrary>], iteration_bounds = array<i64: 36>, scalar_prefetch = 0 : i64, scratch_operands = 2 : i64, tpu.core_type = #tpu.core_type<tc>, window_params = [{transform_indices = @transform_0, window_bounds = array<i64: 1, 1568, 256>}, {transform_indices = @transform_1, window_bounds = array<i64: 1, 7, 128>}, {transform_indices = @transform_2, window_bounds = array<i64: 1, 7, 128>}, {transform_indices = @transform_3, window_bounds = array<i64: 1, 1>}, {pipeline_mode = #tpu.pipeline_mode<synchronous>, transform_indices = @transform_4, window_bounds = array<i64: 1, 256>}, {pipeline_mode = #tpu.pipeline_mode<synchronous>, transform_indices = @transform_5, window_bounds = array<i64: 1, 256>}, {pipeline_mode = #tpu.pipeline_mode<synchronous>, transform_indices = @transform_6, window_bounds = array<i64: 256, 256>}, {pipeline_mode = #tpu.pipeline_mode<synchronous>, transform_indices = @transform_7, window_bounds = array<i64: 1, 256>}, {pipeline_mode = #tpu.pipeline_mode<synchronous>, transform_indices = @transform_8, window_bounds = array<i64: 3, 256, 256>}, {pipeline_mode = #tpu.pipeline_mode<synchronous>, transform_indices = @transform_9, window_bounds = array<i64: 256, 1>}, {pipeline_mode = #tpu.pipeline_mode<synchronous>, transform_indices = @transform_10, window_bounds = array<i64: 256, 1>}, {transform_indices = @transform_11, window_bounds = array<i64: 1, 256, 196>}]} {
    %eq3A = arith.constant 0 : i32
    %eq3A_0 = arith.cmpi eq, %arg0, %eq3A : i32
    %convert_element_type3A = arith.extui %eq3A_0 : i1 to i32
    %cond3A = arith.constant 0 : i32
    %cond3A_1 = arith.cmpi ne, %convert_element_type3A, %cond3A : i32
    scf.if %cond3A_1 {
      %broadcast_in_dim3A = arith.constant 0.000000e+00 : f32
      %broadcast_in_dim3A_15 = vector.broadcast %broadcast_in_dim3A : f32 to vector<256x8xf32>
      %swap3A = arith.constant 0 : index
      %swap3A_16 = arith.constant 0 : index
      %swap3A_17 = vector.load %arg14[%swap3A, %swap3A_16] : memref<256x8xf32, #tpu.memory_space<vmem>>, vector<256x8xf32>
      tpu.vector_store %arg14[%swap3A, %swap3A_16], %broadcast_in_dim3A_15 {strides = array<i32>} : memref<256x8xf32, #tpu.memory_space<vmem>>, vector<256x8xf32>,
    } else {
    }
    %lt3A = arith.constant 4 : i32
    %lt3A_2 = arith.cmpi slt, %arg0, %lt3A : i32
    %convert_element_type3A_3 = arith.extui %lt3A_2 : i1 to i32
    %cond3A_4 = arith.constant 0 : i32
    %cond3A_5 = arith.cmpi ne, %convert_element_type3A_3, %cond3A_4 : i32
    scf.if %cond3A_5 {
      %get3A = arith.constant 0 : index
      %get3A_15 = arith.constant 0 : index
      %get3A_16 = memref.load %arg4[%get3A, %get3A_15] : memref<1x1xi32, #tpu.memory_space<smem>>
      %neg3A = arith.constant 0.000000e+00 : f32
      %neg3A_17 = arith.constant 0x7F800000 : f32
      %neg3A_18 = arith.subf %neg3A, %neg3A_17 : f32
      %get3A_19 = arith.constant 0 : index
      %get3A_20 = arith.constant 0 : index
      %get3A_21 = arith.constant 0 : index
      %get3A_22 = vector.load %arg2[%get3A_19, %get3A_20, %get3A_21] : memref<1x7x128xf32, #tpu.memory_space<vmem>>, vector<1x7x128xf32>
      %get3A_23 = vector.shape_cast %get3A_22 : vector<1x7x128xf32> to vector<7x128xf32>
      %get3A_24 = arith.constant 0 : index
      %get3A_25 = arith.constant 0 : index
      %get3A_26 = arith.constant 0 : index
      %get3A_27 = vector.load %arg3[%get3A_24, %get3A_25, %get3A_26] : memref<1x7x128xi32, #tpu.memory_space<vmem>>, vector<1x7x128xi32>
      %get3A_28 = vector.shape_cast %get3A_27 : vector<1x7x128xi32> to vector<7x128xi32>
      %iota3A = tpu.iota {dimensions = array<i32: 1>} : vector<7x8xi32>
      %broadcast_in_dim3A = arith.constant 0 : i32
      %broadcast_in_dim3A_29 = vector.broadcast %broadcast_in_dim3A : i32 to vector<7x8xi32>
      %reduce_max3A = arith.constant dense<0xFF800000> : vector<7xf32>
      %reduce_max3A_30 = vector.multi_reduction <maximumf>, %get3A_23, %reduce_max3A [1] : vector<7x128xf32> to vector<7xf32>
      %broadcast_in_dim3A_31 = vector.shape_cast %reduce_max3A_30 : vector<7xf32> to vector<7x1xf32>
      %eq3A_32 = vector.broadcast %broadcast_in_dim3A_31 : vector<7x1xf32> to vector<7x128xf32>
      %eq3A_33 = arith.cmpf oeq, %get3A_23, %eq3A_32 : vector<7x128xf32>
      %jit3A = arith.constant 1073741824 : i32
      %broadcast_in_dim3A_34 = vector.broadcast %jit3A : i32 to vector<7x128xi32>
      %select_n3A = arith.select %eq3A_33, %get3A_28, %broadcast_in_dim3A_34 : vector<7x128xi1>, vector<7x128xi32>
      %reduce_min3A = arith.constant dense<2147483647> : vector<7xi32>
      %reduce_min3A_35 = vector.multi_reduction <minsi>, %select_n3A, %reduce_min3A [1] : vector<7x128xi32> to vector<7xi32>
      %broadcast_in_dim3A_36 = vector.shape_cast %reduce_min3A_35 : vector<7xi32> to vector<7x1xi32>
      %eq3A_37 = vector.broadcast %broadcast_in_dim3A_36 : vector<7x1xi32> to vector<7x128xi32>
      %eq3A_38 = arith.cmpi eq, %get3A_28, %eq3A_37 : vector<7x128xi32>
      %and3A = arith.andi %eq3A_33, %eq3A_38 : vector<7x128xi1>
      %broadcast_in_dim3A_39 = vector.broadcast %neg3A_18 : f32 to vector<7x128xf32>
      %select_n3A_40 = arith.select %and3A, %broadcast_in_dim3A_39, %get3A_23 : vector<7x128xi1>, vector<7x128xf32>
      %eq3A_41 = arith.constant 0 : i32
      %eq3A_42 = vector.broadcast %eq3A_41 : i32 to vector<7x8xi32>
      %eq3A_43 = arith.cmpi eq, %iota3A, %eq3A_42 : vector<7x8xi32>
      %broadcast_in_dim3A_44 = vector.shape_cast %broadcast_in_dim3A_36 : vector<7x1xi32> to vector<7x1xi32>
      %broadcast_in_dim3A_45 = vector.broadcast %broadcast_in_dim3A_44 : vector<7x1xi32> to vector<7x8xi32>
      %select_n3A_46 = arith.select %eq3A_43, %broadcast_in_dim3A_45, %broadcast_in_dim3A_29 : vector<7x8xi1>, vector<7x8xi32>
      %reduce_max3A_47 = arith.constant dense<0xFF800000> : vector<7xf32>
      %reduce_max3A_48 = vector.multi_reduction <maximumf>, %select_n3A_40, %reduce_max3A_47 [1] : vector<7x128xf32> to vector<7xf32>
      %broadcast_in_dim3A_49 = vector.shape_cast %reduce_max3A_48 : vector<7xf32> to vector<7x1xf32>
      %eq3A_50 = vector.broadcast %broadcast_in_dim3A_49 : vector<7x1xf32> to vector<7x128xf32>
      %eq3A_51 = arith.cmpf oeq, %select_n3A_40, %eq3A_50 : vector<7x128xf32>
      %jit3A_52 = arith.constant 1073741824 : i32
      %broadcast_in_dim3A_53 = vector.broadcast %jit3A_52 : i32 to vector<7x128xi32>
      %select_n3A_54 = arith.select %eq3A_51, %get3A_28, %broadcast_in_dim3A_53 : vector<7x128xi1>, vector<7x128xi32>
      %reduce_min3A_55 = arith.constant dense<2147483647> : vector<7xi32>
      %reduce_min3A_56 = vector.multi_reduction <minsi>, %select_n3A_54, %reduce_min3A_55 [1] : vector<7x128xi32> to vector<7xi32>
      %broadcast_in_dim3A_57 = vector.shape_cast %reduce_min3A_56 : vector<7xi32> to vector<7x1xi32>
      %eq3A_58 = vector.broadcast %broadcast_in_dim3A_57 : vector<7x1xi32> to vector<7x128xi32>
      %eq3A_59 = arith.cmpi eq, %get3A_28, %eq3A_58 : vector<7x128xi32>
      %and3A_60 = arith.andi %eq3A_51, %eq3A_59 : vector<7x128xi1>
      %broadcast_in_dim3A_61 = vector.broadcast %neg3A_18 : f32 to vector<7x128xf32>
      %select_n3A_62 = arith.select %and3A_60, %broadcast_in_dim3A_61, %select_n3A_40 : vector<7x128xi1>, vector<7x128xf32>
      %eq3A_63 = arith.constant 1 : i32
      %eq3A_64 = vector.broadcast %eq3A_63 : i32 to vector<7x8xi32>
      %eq3A_65 = arith.cmpi eq, %iota3A, %eq3A_64 : vector<7x8xi32>
      %broadcast_in_dim3A_66 = vector.shape_cast %broadcast_in_dim3A_57 : vector<7x1xi32> to vector<7x1xi32>
      %broadcast_in_dim3A_67 = vector.broadcast %broadcast_in_dim3A_66 : vector<7x1xi32> to vector<7x8xi32>
      %select_n3A_68 = arith.select %eq3A_65, %broadcast_in_dim3A_67, %select_n3A_46 : vector<7x8xi1>, vector<7x8xi32>
      %reduce_max3A_69 = arith.constant dense<0xFF800000> : vector<7xf32>
      %reduce_max3A_70 = vector.multi_reduction <maximumf>, %select_n3A_62, %reduce_max3A_69 [1] : vector<7x128xf32> to vector<7xf32>
      %broadcast_in_dim3A_71 = vector.shape_cast %reduce_max3A_70 : vector<7xf32> to vector<7x1xf32>
      %eq3A_72 = vector.broadcast %broadcast_in_dim3A_71 : vector<7x1xf32> to vector<7x128xf32>
      %eq3A_73 = arith.cmpf oeq, %select_n3A_62, %eq3A_72 : vector<7x128xf32>
      %jit3A_74 = arith.constant 1073741824 : i32
      %broadcast_in_dim3A_75 = vector.broadcast %jit3A_74 : i32 to vector<7x128xi32>
      %select_n3A_76 = arith.select %eq3A_73, %get3A_28, %broadcast_in_dim3A_75 : vector<7x128xi1>, vector<7x128xi32>
      %reduce_min3A_77 = arith.constant dense<2147483647> : vector<7xi32>
      %reduce_min3A_78 = vector.multi_reduction <minsi>, %select_n3A_76, %reduce_min3A_77 [1] : vector<7x128xi32> to vector<7xi32>
      %broadcast_in_dim3A_79 = vector.shape_cast %reduce_min3A_78 : vector<7xi32> to vector<7x1xi32>
      %eq3A_80 = vector.broadcast %broadcast_in_dim3A_79 : vector<7x1xi32> to vector<7x128xi32>
      %eq3A_81 = arith.cmpi eq, %get3A_28, %eq3A_80 : vector<7x128xi32>
      %and3A_82 = arith.andi %eq3A_73, %eq3A_81 : vector<7x128xi1>
      %broadcast_in_dim3A_83 = vector.broadcast %neg3A_18 : f32 to vector<7x128xf32>
      %select_n3A_84 = arith.select %and3A_82, %broadcast_in_dim3A_83, %select_n3A_62 : vector<7x128xi1>, vector<7x128xf32>
      %eq3A_85 = arith.constant 2 : i32
      %eq3A_86 = vector.broadcast %eq3A_85 : i32 to vector<7x8xi32>
      %eq3A_87 = arith.cmpi eq, %iota3A, %eq3A_86 : vector<7x8xi32>
      %broadcast_in_dim3A_88 = vector.shape_cast %broadcast_in_dim3A_79 : vector<7x1xi32> to vector<7x1xi32>
      %broadcast_in_dim3A_89 = vector.broadcast %broadcast_in_dim3A_88 : vector<7x1xi32> to vector<7x8xi32>
      %select_n3A_90 = arith.select %eq3A_87, %broadcast_in_dim3A_89, %select_n3A_68 : vector<7x8xi1>, vector<7x8xi32>
      %reduce_max3A_91 = arith.constant dense<0xFF800000> : vector<7xf32>
      %reduce_max3A_92 = vector.multi_reduction <maximumf>, %select_n3A_84, %reduce_max3A_91 [1] : vector<7x128xf32> to vector<7xf32>
      %broadcast_in_dim3A_93 = vector.shape_cast %reduce_max3A_92 : vector<7xf32> to vector<7x1xf32>
      %eq3A_94 = vector.broadcast %broadcast_in_dim3A_93 : vector<7x1xf32> to vector<7x128xf32>
      %eq3A_95 = arith.cmpf oeq, %select_n3A_84, %eq3A_94 : vector<7x128xf32>
      %jit3A_96 = arith.constant 1073741824 : i32
      %broadcast_in_dim3A_97 = vector.broadcast %jit3A_96 : i32 to vector<7x128xi32>
      %select_n3A_98 = arith.select %eq3A_95, %get3A_28, %broadcast_in_dim3A_97 : vector<7x128xi1>, vector<7x128xi32>
      %reduce_min3A_99 = arith.constant dense<2147483647> : vector<7xi32>
      %reduce_min3A_100 = vector.multi_reduction <minsi>, %select_n3A_98, %reduce_min3A_99 [1] : vector<7x128xi32> to vector<7xi32>
      %broadcast_in_dim3A_101 = vector.shape_cast %reduce_min3A_100 : vector<7xi32> to vector<7x1xi32>
      %eq3A_102 = vector.broadcast %broadcast_in_dim3A_101 : vector<7x1xi32> to vector<7x128xi32>
      %eq3A_103 = arith.cmpi eq, %get3A_28, %eq3A_102 : vector<7x128xi32>
      %and3A_104 = arith.andi %eq3A_95, %eq3A_103 : vector<7x128xi1>
      %broadcast_in_dim3A_105 = vector.broadcast %neg3A_18 : f32 to vector<7x128xf32>
      %select_n3A_106 = arith.select %and3A_104, %broadcast_in_dim3A_105, %select_n3A_84 : vector<7x128xi1>, vector<7x128xf32>
      %eq3A_107 = arith.constant 3 : i32
      %eq3A_108 = vector.broadcast %eq3A_107 : i32 to vector<7x8xi32>
      %eq3A_109 = arith.cmpi eq, %iota3A, %eq3A_108 : vector<7x8xi32>
      %broadcast_in_dim3A_110 = vector.shape_cast %broadcast_in_dim3A_101 : vector<7x1xi32> to vector<7x1xi32>
      %broadcast_in_dim3A_111 = vector.broadcast %broadcast_in_dim3A_110 : vector<7x1xi32> to vector<7x8xi32>
      %select_n3A_112 = arith.select %eq3A_109, %broadcast_in_dim3A_111, %select_n3A_90 : vector<7x8xi1>, vector<7x8xi32>
      %reduce_max3A_113 = arith.constant dense<0xFF800000> : vector<7xf32>
      %reduce_max3A_114 = vector.multi_reduction <maximumf>, %select_n3A_106, %reduce_max3A_113 [1] : vector<7x128xf32> to vector<7xf32>
      %broadcast_in_dim3A_115 = vector.shape_cast %reduce_max3A_114 : vector<7xf32> to vector<7x1xf32>
      %eq3A_116 = vector.broadcast %broadcast_in_dim3A_115 : vector<7x1xf32> to vector<7x128xf32>
      %eq3A_117 = arith.cmpf oeq, %select_n3A_106, %eq3A_116 : vector<7x128xf32>
      %jit3A_118 = arith.constant 1073741824 : i32
      %broadcast_in_dim3A_119 = vector.broadcast %jit3A_118 : i32 to vector<7x128xi32>
      %select_n3A_120 = arith.select %eq3A_117, %get3A_28, %broadcast_in_dim3A_119 : vector<7x128xi1>, vector<7x128xi32>
      %reduce_min3A_121 = arith.constant dense<2147483647> : vector<7xi32>
      %reduce_min3A_122 = vector.multi_reduction <minsi>, %select_n3A_120, %reduce_min3A_121 [1] : vector<7x128xi32> to vector<7xi32>
      %broadcast_in_dim3A_123 = vector.shape_cast %reduce_min3A_122 : vector<7xi32> to vector<7x1xi32>
      %eq3A_124 = vector.broadcast %broadcast_in_dim3A_123 : vector<7x1xi32> to vector<7x128xi32>
      %eq3A_125 = arith.cmpi eq, %get3A_28, %eq3A_124 : vector<7x128xi32>
      %and3A_126 = arith.andi %eq3A_117, %eq3A_125 : vector<7x128xi1>
      %broadcast_in_dim3A_127 = vector.broadcast %neg3A_18 : f32 to vector<7x128xf32>
      %select_n3A_128 = arith.select %and3A_126, %broadcast_in_dim3A_127, %select_n3A_106 : vector<7x128xi1>, vector<7x128xf32>
      %eq3A_129 = arith.constant 4 : i32
      %eq3A_130 = vector.broadcast %eq3A_129 : i32 to vector<7x8xi32>
      %eq3A_131 = arith.cmpi eq, %iota3A, %eq3A_130 : vector<7x8xi32>
      %broadcast_in_dim3A_132 = vector.shape_cast %broadcast_in_dim3A_123 : vector<7x1xi32> to vector<7x1xi32>
      %broadcast_in_dim3A_133 = vector.broadcast %broadcast_in_dim3A_132 : vector<7x1xi32> to vector<7x8xi32>
      %select_n3A_134 = arith.select %eq3A_131, %broadcast_in_dim3A_133, %select_n3A_112 : vector<7x8xi1>, vector<7x8xi32>
      %reduce_max3A_135 = arith.constant dense<0xFF800000> : vector<7xf32>
      %reduce_max3A_136 = vector.multi_reduction <maximumf>, %select_n3A_128, %reduce_max3A_135 [1] : vector<7x128xf32> to vector<7xf32>
      %broadcast_in_dim3A_137 = vector.shape_cast %reduce_max3A_136 : vector<7xf32> to vector<7x1xf32>
      %eq3A_138 = vector.broadcast %broadcast_in_dim3A_137 : vector<7x1xf32> to vector<7x128xf32>
      %eq3A_139 = arith.cmpf oeq, %select_n3A_128, %eq3A_138 : vector<7x128xf32>
      %jit3A_140 = arith.constant 1073741824 : i32
      %broadcast_in_dim3A_141 = vector.broadcast %jit3A_140 : i32 to vector<7x128xi32>
      %select_n3A_142 = arith.select %eq3A_139, %get3A_28, %broadcast_in_dim3A_141 : vector<7x128xi1>, vector<7x128xi32>
      %reduce_min3A_143 = arith.constant dense<2147483647> : vector<7xi32>
      %reduce_min3A_144 = vector.multi_reduction <minsi>, %select_n3A_142, %reduce_min3A_143 [1] : vector<7x128xi32> to vector<7xi32>
      %broadcast_in_dim3A_145 = vector.shape_cast %reduce_min3A_144 : vector<7xi32> to vector<7x1xi32>
      %eq3A_146 = vector.broadcast %broadcast_in_dim3A_145 : vector<7x1xi32> to vector<7x128xi32>
      %eq3A_147 = arith.cmpi eq, %get3A_28, %eq3A_146 : vector<7x128xi32>
      %and3A_148 = arith.andi %eq3A_139, %eq3A_147 : vector<7x128xi1>
      %broadcast_in_dim3A_149 = vector.broadcast %neg3A_18 : f32 to vector<7x128xf32>
      %select_n3A_150 = arith.select %and3A_148, %broadcast_in_dim3A_149, %select_n3A_128 : vector<7x128xi1>, vector<7x128xf32>
      %eq3A_151 = arith.constant 5 : i32
      %eq3A_152 = vector.broadcast %eq3A_151 : i32 to vector<7x8xi32>
      %eq3A_153 = arith.cmpi eq, %iota3A, %eq3A_152 : vector<7x8xi32>
      %broadcast_in_dim3A_154 = vector.shape_cast %broadcast_in_dim3A_145 : vector<7x1xi32> to vector<7x1xi32>
      %broadcast_in_dim3A_155 = vector.broadcast %broadcast_in_dim3A_154 : vector<7x1xi32> to vector<7x8xi32>
      %select_n3A_156 = arith.select %eq3A_153, %broadcast_in_dim3A_155, %select_n3A_134 : vector<7x8xi1>, vector<7x8xi32>
      %reduce_max3A_157 = arith.constant dense<0xFF800000> : vector<7xf32>
      %reduce_max3A_158 = vector.multi_reduction <maximumf>, %select_n3A_150, %reduce_max3A_157 [1] : vector<7x128xf32> to vector<7xf32>
      %broadcast_in_dim3A_159 = vector.shape_cast %reduce_max3A_158 : vector<7xf32> to vector<7x1xf32>
      %eq3A_160 = vector.broadcast %broadcast_in_dim3A_159 : vector<7x1xf32> to vector<7x128xf32>
      %eq3A_161 = arith.cmpf oeq, %select_n3A_150, %eq3A_160 : vector<7x128xf32>
      %jit3A_162 = arith.constant 1073741824 : i32
      %broadcast_in_dim3A_163 = vector.broadcast %jit3A_162 : i32 to vector<7x128xi32>
      %select_n3A_164 = arith.select %eq3A_161, %get3A_28, %broadcast_in_dim3A_163 : vector<7x128xi1>, vector<7x128xi32>
      %reduce_min3A_165 = arith.constant dense<2147483647> : vector<7xi32>
      %reduce_min3A_166 = vector.multi_reduction <minsi>, %select_n3A_164, %reduce_min3A_165 [1] : vector<7x128xi32> to vector<7xi32>
      %broadcast_in_dim3A_167 = vector.shape_cast %reduce_min3A_166 : vector<7xi32> to vector<7x1xi32>
      %eq3A_168 = vector.broadcast %broadcast_in_dim3A_167 : vector<7x1xi32> to vector<7x128xi32>
      %eq3A_169 = arith.cmpi eq, %get3A_28, %eq3A_168 : vector<7x128xi32>
      %and3A_170 = arith.andi %eq3A_161, %eq3A_169 : vector<7x128xi1>
      %broadcast_in_dim3A_171 = vector.broadcast %neg3A_18 : f32 to vector<7x128xf32>
      %select_n3A_172 = arith.select %and3A_170, %broadcast_in_dim3A_171, %select_n3A_150 : vector<7x128xi1>, vector<7x128xf32>
      %eq3A_173 = arith.constant 6 : i32
      %eq3A_174 = vector.broadcast %eq3A_173 : i32 to vector<7x8xi32>
      %eq3A_175 = arith.cmpi eq, %iota3A, %eq3A_174 : vector<7x8xi32>
      %broadcast_in_dim3A_176 = vector.shape_cast %broadcast_in_dim3A_167 : vector<7x1xi32> to vector<7x1xi32>
      %broadcast_in_dim3A_177 = vector.broadcast %broadcast_in_dim3A_176 : vector<7x1xi32> to vector<7x8xi32>
      %select_n3A_178 = arith.select %eq3A_175, %broadcast_in_dim3A_177, %select_n3A_156 : vector<7x8xi1>, vector<7x8xi32>
      %reduce_max3A_179 = arith.constant dense<0xFF800000> : vector<7xf32>
      %reduce_max3A_180 = vector.multi_reduction <maximumf>, %select_n3A_172, %reduce_max3A_179 [1] : vector<7x128xf32> to vector<7xf32>
      %broadcast_in_dim3A_181 = vector.shape_cast %reduce_max3A_180 : vector<7xf32> to vector<7x1xf32>
      %eq3A_182 = vector.broadcast %broadcast_in_dim3A_181 : vector<7x1xf32> to vector<7x128xf32>
      %eq3A_183 = arith.cmpf oeq, %select_n3A_172, %eq3A_182 : vector<7x128xf32>
      %jit3A_184 = arith.constant 1073741824 : i32
      %broadcast_in_dim3A_185 = vector.broadcast %jit3A_184 : i32 to vector<7x128xi32>
      %select_n3A_186 = arith.select %eq3A_183, %get3A_28, %broadcast_in_dim3A_185 : vector<7x128xi1>, vector<7x128xi32>
      %reduce_min3A_187 = arith.constant dense<2147483647> : vector<7xi32>
      %reduce_min3A_188 = vector.multi_reduction <minsi>, %select_n3A_186, %reduce_min3A_187 [1] : vector<7x128xi32> to vector<7xi32>
      %broadcast_in_dim3A_189 = vector.shape_cast %reduce_min3A_188 : vector<7xi32> to vector<7x1xi32>
      %eq3A_190 = arith.constant 7 : i32
      %eq3A_191 = vector.broadcast %eq3A_190 : i32 to vector<7x8xi32>
      %eq3A_192 = arith.cmpi eq, %iota3A, %eq3A_191 : vector<7x8xi32>
      %broadcast_in_dim3A_193 = vector.shape_cast %broadcast_in_dim3A_189 : vector<7x1xi32> to vector<7x1xi32>
      %broadcast_in_dim3A_194 = vector.broadcast %broadcast_in_dim3A_193 : vector<7x1xi32> to vector<7x8xi32>
      %select_n3A_195 = arith.select %eq3A_192, %broadcast_in_dim3A_194, %select_n3A_178 : vector<7x8xi1>, vector<7x8xi32>
      %jit3A_196 = arith.constant 196 : i32
      %div3A = vector.broadcast %jit3A_196 : i32 to vector<7x8xi32>
      %div3A_197 = arith.divsi %select_n3A_195, %div3A : vector<7x8xi32>
      %sign3A = arith.constant 0 : i32
      %sign3A_198 = vector.broadcast %sign3A : i32 to vector<7x8xi32>
      %sign3A_199 = arith.cmpi sgt, %select_n3A_195, %sign3A_198 : vector<7x8xi32>
      %sign3A_200 = arith.extui %sign3A_199 : vector<7x8xi1> to vector<7x8xi32>
      %sign3A_201 = arith.constant 0 : i32
      %sign3A_202 = vector.broadcast %sign3A_201 : i32 to vector<7x8xi32>
      %sign3A_203 = arith.cmpi slt, %select_n3A_195, %sign3A_202 : vector<7x8xi32>
      %sign3A_204 = arith.extui %sign3A_203 : vector<7x8xi1> to vector<7x8xi32>
      %sign3A_205 = arith.subi %sign3A_200, %sign3A_204 : vector<7x8xi32>
      %sign3A_206 = arith.constant 0 : i32
      %sign3A_207 = arith.cmpi sgt, %jit3A_196, %sign3A_206 : i32
      %sign3A_208 = arith.extui %sign3A_207 : i1 to i32
      %sign3A_209 = arith.constant 0 : i32
      %sign3A_210 = arith.cmpi slt, %jit3A_196, %sign3A_209 : i32
      %sign3A_211 = arith.extui %sign3A_210 : i1 to i32
      %sign3A_212 = arith.subi %sign3A_208, %sign3A_211 : i32
      %ne3A = vector.broadcast %sign3A_212 : i32 to vector<7x8xi32>
      %ne3A_213 = arith.cmpi ne, %sign3A_205, %ne3A : vector<7x8xi32>
      %rem3A = vector.broadcast %jit3A_196 : i32 to vector<7x8xi32>
      %rem3A_214 = arith.remsi %select_n3A_195, %rem3A : vector<7x8xi32>
      %ne3A_215 = arith.constant 0 : i32
      %ne3A_216 = vector.broadcast %ne3A_215 : i32 to vector<7x8xi32>
      %ne3A_217 = arith.cmpi ne, %rem3A_214, %ne3A_216 : vector<7x8xi32>
      %and3A_218 = arith.andi %ne3A_213, %ne3A_217 : vector<7x8xi1>
      %sub3A = arith.constant 1 : i32
      %sub3A_219 = vector.broadcast %sub3A : i32 to vector<7x8xi32>
      %sub3A_220 = arith.subi %div3A_197, %sub3A_219 : vector<7x8xi32>
      %select_n3A_221 = arith.select %and3A_218, %sub3A_220, %div3A_197 : vector<7x8xi1>, vector<7x8xi32>
      %mul3A = arith.constant 196 : i32
      %mul3A_222 = vector.broadcast %mul3A : i32 to vector<7x8xi32>
      %mul3A_223 = arith.muli %select_n3A_221, %mul3A_222 : vector<7x8xi32>
      %sub3A_224 = arith.subi %select_n3A_195, %mul3A_223 : vector<7x8xi32>
      %iota3A_225 = tpu.iota {dimensions = array<i32: 0>} : vector<7x8xi32>
      %mul3A_226 = arith.constant 196 : i32
      %mul3A_227 = vector.broadcast %mul3A_226 : i32 to vector<7x8xi32>
      %mul3A_228 = arith.muli %iota3A_225, %mul3A_227 : vector<7x8xi32>
      %add3A = arith.addi %select_n3A_221, %mul3A_228 : vector<7x8xi32>
      %add3A_229 = vector.broadcast %get3A_16 : i32 to vector<7x8xi32>
      %add3A_230 = arith.addi %iota3A_225, %add3A_229 : vector<7x8xi32>
      %mul3A_231 = arith.constant 196 : i32
      %mul3A_232 = vector.broadcast %mul3A_231 : i32 to vector<7x8xi32>
      %mul3A_233 = arith.muli %add3A_230, %mul3A_232 : vector<7x8xi32>
      %add3A_234 = arith.addi %sub3A_224, %mul3A_233 : vector<7x8xi32>
      %iota3A_235 = tpu.iota {dimensions = array<i32: 2>} : vector<7x8x1568xi32>
      %broadcast_in_dim3A_236 = vector.shape_cast %add3A : vector<7x8xi32> to vector<7x8x1xi32>
      %eq3A_237 = vector.broadcast %broadcast_in_dim3A_236 : vector<7x8x1xi32> to vector<7x8x1568xi32>
      %eq3A_238 = arith.cmpi eq, %iota3A_235, %eq3A_237 : vector<7x8x1568xi32>
      %jit3A_239 = arith.constant 1.000000e+00 : f32
      %jit3A_240 = arith.constant 0.000000e+00 : f32
      %broadcast_in_dim3A_241 = vector.broadcast %jit3A_239 : f32 to vector<7x8x1568xf32>
      %broadcast_in_dim3A_242 = vector.broadcast %jit3A_240 : f32 to vector<7x8x1568xf32>
      %select_n3A_243 = arith.select %eq3A_238, %broadcast_in_dim3A_241, %broadcast_in_dim3A_242 : vector<7x8x1568xi1>, vector<7x8x1568xf32>
      %reshape3A = vector.shape_cast %select_n3A_243 : vector<7x8x1568xf32> to vector<56x1568xf32>
      %broadcast_in_dim3A_244 = vector.shape_cast %add3A_234 : vector<7x8xi32> to vector<7x8x1xi32>
      %eq3A_245 = vector.broadcast %broadcast_in_dim3A_244 : vector<7x8x1xi32> to vector<7x8x1568xi32>
      %eq3A_246 = arith.cmpi eq, %iota3A_235, %eq3A_245 : vector<7x8x1568xi32>
      %jit3A_247 = arith.constant 1.000000e+00 : f32
      %jit3A_248 = arith.constant 0.000000e+00 : f32
      %broadcast_in_dim3A_249 = vector.broadcast %jit3A_247 : f32 to vector<7x8x1568xf32>
      %broadcast_in_dim3A_250 = vector.broadcast %jit3A_248 : f32 to vector<7x8x1568xf32>
      %select_n3A_251 = arith.select %eq3A_246, %broadcast_in_dim3A_249, %broadcast_in_dim3A_250 : vector<7x8x1568xi1>, vector<7x8x1568xf32>
      %reshape3A_252 = vector.shape_cast %select_n3A_251 : vector<7x8x1568xf32> to vector<56x1568xf32>
      %concatenate3A = tpu.concatenate %reshape3A, %reshape3A_252 in 0 : vector<56x1568xf32>, vector<56x1568xf32> -> vector<112x1568xf32>
      %concatenate3A_253 = tpu.concatenate %reshape3A_252, %reshape3A in 0 : vector<56x1568xf32>, vector<56x1568xf32> -> vector<112x1568xf32>
      %get3A_254 = arith.constant 0 : index
      %get3A_255 = arith.constant 0 : index
      %get3A_256 = arith.constant 0 : index
      %get3A_257 = vector.load %arg1[%get3A_254, %get3A_255, %get3A_256] : memref<1x1568x256xf32, #tpu.memory_space<vmem>>, vector<1x1568x256xf32>
      %get3A_258 = vector.shape_cast %get3A_257 : vector<1x1568x256xf32> to vector<1568x256xf32>
      %get3A_259 = arith.constant 0 : index
      %get3A_260 = arith.constant 0 : index
      %get3A_261 = vector.load %arg5[%get3A_259, %get3A_260] : memref<1x256xf32, #tpu.memory_space<vmem>>, vector<1x256xf32>
      %mul3A_262 = vector.broadcast %get3A_261 : vector<1x256xf32> to vector<1568x256xf32>
      %mul3A_263 = arith.mulf %get3A_258, %mul3A_262 : vector<1568x256xf32>
      %get3A_264 = arith.constant 0 : index
      %get3A_265 = arith.constant 0 : index
      %get3A_266 = vector.load %arg6[%get3A_264, %get3A_265] : memref<1x256xf32, #tpu.memory_space<vmem>>, vector<1x256xf32>
      %add3A_267 = vector.broadcast %get3A_266 : vector<1x256xf32> to vector<1568x256xf32>
      %add3A_268 = arith.addf %mul3A_263, %add3A_267 : vector<1568x256xf32>
      %get3A_269 = arith.constant 0 : index
      %get3A_270 = arith.constant 0 : index
      %get3A_271 = vector.load %arg7[%get3A_269, %get3A_270] : memref<256x256xf32, #tpu.memory_space<vmem>>, vector<256x256xf32>
      %dot_general3A = arith.constant dense<0.000000e+00> : vector<1568x256xf32>
      %dot_general3A_272 = tpu.matmul %add3A_268, %get3A_271, %dot_general3A {dimension_numbers = #tpu.dot_dimension_numbers<[1], [1], [0], [0], [0, 0, 1, 0], [], []>, transpose_lhs_hint = false} : vector<1568x256xf32>, vector<256x256xf32>, vector<1568x256xf32> -> vector<1568x256xf32>
      %broadcast_in_dim3A_273 = arith.constant 1.000000e+00 : f32
      %broadcast_in_dim3A_274 = vector.broadcast %broadcast_in_dim3A_273 : f32 to vector<112x1xf32>
      %dot_general3A_275 = arith.constant dense<0.000000e+00> : vector<1568x1xf32>
      %dot_general3A_276 = tpu.matmul %concatenate3A_253, %broadcast_in_dim3A_274, %dot_general3A_275 {dimension_numbers = #tpu.dot_dimension_numbers<[0], [0], [1], [1], [0, 1, 1, 1], [], []>, transpose_lhs_hint = false} : vector<112x1568xf32>, vector<112x1xf32>, vector<1568x1xf32> -> vector<1568x1xf32>
      %add3A_277 = arith.constant 1.000000e+00 : f32
      %add3A_278 = vector.broadcast %add3A_277 : f32 to vector<1568x1xf32>
      %add3A_279 = arith.addf %add3A_278, %dot_general3A_276 : vector<1568x1xf32>
      %rsqrt3A = math.rsqrt %add3A_279 : vector<1568x1xf32>
      %dot_general3A_280 = arith.constant dense<0.000000e+00> : vector<112x256xf32>
      %dot_general3A_281 = tpu.matmul %concatenate3A, %dot_general3A_272, %dot_general3A_280 {dimension_numbers = #tpu.dot_dimension_numbers<[1], [0], [0], [1], [0, 0, 1, 1], [], []>, transpose_lhs_hint = false} : vector<112x1568xf32>, vector<1568x256xf32>, vector<112x256xf32> -> vector<112x256xf32>
      %dot_general3A_282 = arith.constant dense<0.000000e+00> : vector<112x1xf32>
      %dot_general3A_283 = tpu.matmul %concatenate3A, %rsqrt3A, %dot_general3A_282 {dimension_numbers = #tpu.dot_dimension_numbers<[1], [0], [0], [1], [0, 0, 1, 1], [], []>, transpose_lhs_hint = false} : vector<112x1568xf32>, vector<1568x1xf32>, vector<112x1xf32> -> vector<112x1xf32>
      %dot_general3A_284 = arith.constant dense<0.000000e+00> : vector<112x1xf32>
      %dot_general3A_285 = tpu.matmul %concatenate3A_253, %rsqrt3A, %dot_general3A_284 {dimension_numbers = #tpu.dot_dimension_numbers<[1], [0], [0], [1], [0, 0, 1, 1], [], []>, transpose_lhs_hint = false} : vector<112x1568xf32>, vector<1568x1xf32>, vector<112x1xf32> -> vector<112x1xf32>
      %mul3A_286 = arith.mulf %dot_general3A_283, %dot_general3A_285 : vector<112x1xf32>
      %mul3A_287 = vector.broadcast %mul3A_286 : vector<112x1xf32> to vector<112x256xf32>
      %mul3A_288 = arith.mulf %dot_general3A_281, %mul3A_287 : vector<112x256xf32>
      %dot_general3A_289 = arith.constant dense<0.000000e+00> : vector<1568x256xf32>
      %dot_general3A_290 = tpu.matmul %concatenate3A_253, %mul3A_288, %dot_general3A_289 {dimension_numbers = #tpu.dot_dimension_numbers<[0], [0], [1], [1], [0, 1, 1, 1], [], []>, transpose_lhs_hint = false} : vector<112x1568xf32>, vector<112x256xf32>, vector<1568x256xf32> -> vector<1568x256xf32>
      %mul3A_291 = arith.mulf %rsqrt3A, %rsqrt3A : vector<1568x1xf32>
      %mul3A_292 = vector.broadcast %mul3A_291 : vector<1568x1xf32> to vector<1568x256xf32>
      %mul3A_293 = arith.mulf %dot_general3A_272, %mul3A_292 : vector<1568x256xf32>
      %add3A_294 = arith.addf %mul3A_293, %dot_general3A_290 : vector<1568x256xf32>
      %get3A_295 = arith.constant 0 : index
      %get3A_296 = arith.constant 0 : index
      %get3A_297 = vector.load %arg8[%get3A_295, %get3A_296] : memref<1x256xf32, #tpu.memory_space<vmem>>, vector<1x256xf32>
      %add3A_298 = vector.broadcast %get3A_297 : vector<1x256xf32> to vector<1568x256xf32>
      %add3A_299 = arith.addf %add3A_294, %add3A_298 : vector<1568x256xf32>
      %get3A_300 = arith.constant 0 : index
      %get3A_301 = arith.constant 0 : index
      %get3A_302 = arith.constant 0 : index
      %get3A_303 = vector.load %arg9[%get3A_300, %get3A_301, %get3A_302] : memref<3x256x256xf32, #tpu.memory_space<vmem>>, vector<3x256x256xf32>
      %slice3A = vector.extract_strided_slice %get3A_303 {offsets = [1, 0, 0], sizes = [1, 256, 256], strides = [1, 1, 1]} : vector<3x256x256xf32> to vector<1x256x256xf32>
      %squeeze3A = vector.shape_cast %slice3A : vector<1x256x256xf32> to vector<256x256xf32>
      %slice3A_304 = vector.extract_strided_slice %add3A_299 {offsets = [0, 0], sizes = [196, 256], strides = [1, 1]} : vector<1568x256xf32> to vector<196x256xf32>
      %dot_general3A_305 = arith.constant dense<0.000000e+00> : vector<256x196xf32>
      %dot_general3A_306 = tpu.matmul %squeeze3A, %slice3A_304, %dot_general3A_305 {dimension_numbers = #tpu.dot_dimension_numbers<[1], [1], [0], [0], [0, 0, 1, 0], [], []>, transpose_lhs_hint = false} : vector<256x256xf32>, vector<196x256xf32>, vector<256x196xf32> -> vector<256x196xf32>
      %slice3A_307 = vector.extract_strided_slice %get3A_303 {offsets = [2, 0, 0], sizes = [1, 256, 256], strides = [1, 1, 1]} : vector<3x256x256xf32> to vector<1x256x256xf32>
      %squeeze3A_308 = vector.shape_cast %slice3A_307 : vector<1x256x256xf32> to vector<256x256xf32>
      %slice3A_309 = vector.extract_strided_slice %add3A_299 {offsets = [196, 0], sizes = [196, 256], strides = [1, 1]} : vector<1568x256xf32> to vector<196x256xf32>
      %dot_general3A_310 = arith.constant dense<0.000000e+00> : vector<256x196xf32>
      %dot_general3A_311 = tpu.matmul %squeeze3A_308, %slice3A_309, %dot_general3A_310 {dimension_numbers = #tpu.dot_dimension_numbers<[1], [1], [0], [0], [0, 0, 1, 0], [], []>, transpose_lhs_hint = false} : vector<256x256xf32>, vector<196x256xf32>, vector<256x196xf32> -> vector<256x196xf32>
      %add3A_312 = arith.addf %dot_general3A_306, %dot_general3A_311 : vector<256x196xf32>
      %broadcast_in_dim3A_313 = vector.shape_cast %add3A_312 : vector<256x196xf32> to vector<1x256x196xf32>
      %mul3A_314 = arith.constant 8 : i32
      %mul3A_315 = arith.muli %arg0, %mul3A_314 : i32
      %add3A_316 = arith.constant 0 : i32
      %add3A_317 = arith.addi %mul3A_315, %add3A_316 : i32
      %swap3A = arith.index_cast %add3A_317 : i32 to index
      %swap3A_318 = arith.constant 0 : index
      %swap3A_319 = arith.constant 0 : index
      %swap3A_320 = vector.load %arg13[%swap3A, %swap3A_318, %swap3A_319] : memref<32x256x196xf32, #tpu.memory_space<vmem>>, vector<1x256x196xf32>
      tpu.vector_store %arg13[%swap3A, %swap3A_318, %swap3A_319], %broadcast_in_dim3A_313 {strides = array<i32>} : memref<32x256x196xf32, #tpu.memory_space<vmem>>, vector<1x256x196xf32>,
      %get3A_321 = arith.constant 0 : index
      %get3A_322 = arith.constant 0 : index
      %get3A_323 = vector.load %arg14[%get3A_321, %get3A_322] : memref<256x8xf32, #tpu.memory_space<vmem>>, vector<256x1xf32>
      %reduce_sum3A = arith.constant dense<0.000000e+00> : vector<256xf32>
      %reduce_sum3A_324 = vector.multi_reduction <add>, %add3A_312, %reduce_sum3A [1] : vector<256x196xf32> to vector<256xf32>
      %broadcast_in_dim3A_325 = vector.shape_cast %reduce_sum3A_324 : vector<256xf32> to vector<256x1xf32>
      %add3A_326 = arith.addf %get3A_323, %broadcast_in_dim3A_325 : vector<256x1xf32>
      %swap3A_327 = arith.constant 0 : index
      %swap3A_328 = arith.constant 0 : index
      %swap3A_329 = vector.load %arg14[%swap3A_327, %swap3A_328] : memref<256x8xf32, #tpu.memory_space<vmem>>, vector<256x1xf32>
      tpu.vector_store %arg14[%swap3A_327, %swap3A_328], %add3A_326 {strides = array<i32>} : memref<256x8xf32, #tpu.memory_space<vmem>>, vector<256x1xf32>,
      %get3A_330 = arith.constant 0 : index
      %get3A_331 = arith.constant 1 : index
      %get3A_332 = vector.load %arg14[%get3A_330, %get3A_331] : memref<256x8xf32, #tpu.memory_space<vmem>>, vector<256x1xf32>
      %mul3A_333 = arith.mulf %add3A_312, %add3A_312 : vector<256x196xf32>
      %reduce_sum3A_334 = arith.constant dense<0.000000e+00> : vector<256xf32>
      %reduce_sum3A_335 = vector.multi_reduction <add>, %mul3A_333, %reduce_sum3A_334 [1] : vector<256x196xf32> to vector<256xf32>
      %broadcast_in_dim3A_336 = vector.shape_cast %reduce_sum3A_335 : vector<256xf32> to vector<256x1xf32>
      %add3A_337 = arith.addf %get3A_332, %broadcast_in_dim3A_336 : vector<256x1xf32>
      %swap3A_338 = arith.constant 0 : index
      %swap3A_339 = arith.constant 1 : index
      %swap3A_340 = vector.load %arg14[%swap3A_338, %swap3A_339] : memref<256x8xf32, #tpu.memory_space<vmem>>, vector<256x1xf32>
      tpu.vector_store %arg14[%swap3A_338, %swap3A_339], %add3A_337 {strides = array<i32>} : memref<256x8xf32, #tpu.memory_space<vmem>>, vector<256x1xf32>,
      %slice3A_341 = vector.extract_strided_slice %get3A_303 {offsets = [1, 0, 0], sizes = [1, 256, 256], strides = [1, 1, 1]} : vector<3x256x256xf32> to vector<1x256x256xf32>
      %squeeze3A_342 = vector.shape_cast %slice3A_341 : vector<1x256x256xf32> to vector<256x256xf32>
      %slice3A_343 = vector.extract_strided_slice %add3A_299 {offsets = [196, 0], sizes = [196, 256], strides = [1, 1]} : vector<1568x256xf32> to vector<196x256xf32>
      %dot_general3A_344 = arith.constant dense<0.000000e+00> : vector<256x196xf32>
      %dot_general3A_345 = tpu.matmul %squeeze3A_342, %slice3A_343, %dot_general3A_344 {dimension_numbers = #tpu.dot_dimension_numbers<[1], [1], [0], [0], [0, 0, 1, 0], [], []>, transpose_lhs_hint = false} : vector<256x256xf32>, vector<196x256xf32>, vector<256x196xf32> -> vector<256x196xf32>
      %slice3A_346 = vector.extract_strided_slice %get3A_303 {offsets = [0, 0, 0], sizes = [1, 256, 256], strides = [1, 1, 1]} : vector<3x256x256xf32> to vector<1x256x256xf32>
      %squeeze3A_347 = vector.shape_cast %slice3A_346 : vector<1x256x256xf32> to vector<256x256xf32>
      %slice3A_348 = vector.extract_strided_slice %add3A_299 {offsets = [0, 0], sizes = [196, 256], strides = [1, 1]} : vector<1568x256xf32> to vector<196x256xf32>
      %dot_general3A_349 = arith.constant dense<0.000000e+00> : vector<256x196xf32>
      %dot_general3A_350 = tpu.matmul %squeeze3A_347, %slice3A_348, %dot_general3A_349 {dimension_numbers = #tpu.dot_dimension_numbers<[1], [1], [0], [0], [0, 0, 1, 0], [], []>, transpose_lhs_hint = false} : vector<256x256xf32>, vector<196x256xf32>, vector<256x196xf32> -> vector<256x196xf32>
      %add3A_351 = arith.addf %dot_general3A_345, %dot_general3A_350 : vector<256x196xf32>
      %slice3A_352 = vector.extract_strided_slice %get3A_303 {offsets = [2, 0, 0], sizes = [1, 256, 256], strides = [1, 1, 1]} : vector<3x256x256xf32> to vector<1x256x256xf32>
      %squeeze3A_353 = vector.shape_cast %slice3A_352 : vector<1x256x256xf32> to vector<256x256xf32>
      %slice3A_354 = vector.extract_strided_slice %add3A_299 {offsets = [392, 0], sizes = [196, 256], strides = [1, 1]} : vector<1568x256xf32> to vector<196x256xf32>
      %dot_general3A_355 = arith.constant dense<0.000000e+00> : vector<256x196xf32>
      %dot_general3A_356 = tpu.matmul %squeeze3A_353, %slice3A_354, %dot_general3A_355 {dimension_numbers = #tpu.dot_dimension_numbers<[1], [1], [0], [0], [0, 0, 1, 0], [], []>, transpose_lhs_hint = false} : vector<256x256xf32>, vector<196x256xf32>, vector<256x196xf32> -> vector<256x196xf32>
      %add3A_357 = arith.addf %add3A_351, %dot_general3A_356 : vector<256x196xf32>
      %broadcast_in_dim3A_358 = vector.shape_cast %add3A_357 : vector<256x196xf32> to vector<1x256x196xf32>
      %mul3A_359 = arith.constant 8 : i32
      %mul3A_360 = arith.muli %arg0, %mul3A_359 : i32
      %add3A_361 = arith.constant 1 : i32
      %add3A_362 = arith.addi %mul3A_360, %add3A_361 : i32
      %swap3A_363 = arith.index_cast %add3A_362 : i32 to index
      %swap3A_364 = arith.constant 0 : index
      %swap3A_365 = arith.constant 0 : index
      %swap3A_366 = vector.load %arg13[%swap3A_363, %swap3A_364, %swap3A_365] : memref<32x256x196xf32, #tpu.memory_space<vmem>>, vector<1x256x196xf32>
      tpu.vector_store %arg13[%swap3A_363, %swap3A_364, %swap3A_365], %broadcast_in_dim3A_358 {strides = array<i32>} : memref<32x256x196xf32, #tpu.memory_space<vmem>>, vector<1x256x196xf32>,
      %get3A_367 = arith.constant 0 : index
      %get3A_368 = arith.constant 0 : index
      %get3A_369 = vector.load %arg14[%get3A_367, %get3A_368] : memref<256x8xf32, #tpu.memory_space<vmem>>, vector<256x1xf32>
      %reduce_sum3A_370 = arith.constant dense<0.000000e+00> : vector<256xf32>
      %reduce_sum3A_371 = vector.multi_reduction <add>, %add3A_357, %reduce_sum3A_370 [1] : vector<256x196xf32> to vector<256xf32>
      %broadcast_in_dim3A_372 = vector.shape_cast %reduce_sum3A_371 : vector<256xf32> to vector<256x1xf32>
      %add3A_373 = arith.addf %get3A_369, %broadcast_in_dim3A_372 : vector<256x1xf32>
      %swap3A_374 = arith.constant 0 : index
      %swap3A_375 = arith.constant 0 : index
      %swap3A_376 = vector.load %arg14[%swap3A_374, %swap3A_375] : memref<256x8xf32, #tpu.memory_space<vmem>>, vector<256x1xf32>
      tpu.vector_store %arg14[%swap3A_374, %swap3A_375], %add3A_373 {strides = array<i32>} : memref<256x8xf32, #tpu.memory_space<vmem>>, vector<256x1xf32>,
      %get3A_377 = arith.constant 0 : index
      %get3A_378 = arith.constant 1 : index
      %get3A_379 = vector.load %arg14[%get3A_377, %get3A_378] : memref<256x8xf32, #tpu.memory_space<vmem>>, vector<256x1xf32>
      %mul3A_380 = arith.mulf %add3A_357, %add3A_357 : vector<256x196xf32>
      %reduce_sum3A_381 = arith.constant dense<0.000000e+00> : vector<256xf32>
      %reduce_sum3A_382 = vector.multi_reduction <add>, %mul3A_380, %reduce_sum3A_381 [1] : vector<256x196xf32> to vector<256xf32>
      %broadcast_in_dim3A_383 = vector.shape_cast %reduce_sum3A_382 : vector<256xf32> to vector<256x1xf32>
      %add3A_384 = arith.addf %get3A_379, %broadcast_in_dim3A_383 : vector<256x1xf32>
      %swap3A_385 = arith.constant 0 : index
      %swap3A_386 = arith.constant 1 : index
      %swap3A_387 = vector.load %arg14[%swap3A_385, %swap3A_386] : memref<256x8xf32, #tpu.memory_space<vmem>>, vector<256x1xf32>
      tpu.vector_store %arg14[%swap3A_385, %swap3A_386], %add3A_384 {strides = array<i32>} : memref<256x8xf32, #tpu.memory_space<vmem>>, vector<256x1xf32>,
      %slice3A_388 = vector.extract_strided_slice %get3A_303 {offsets = [1, 0, 0], sizes = [1, 256, 256], strides = [1, 1, 1]} : vector<3x256x256xf32> to vector<1x256x256xf32>
      %squeeze3A_389 = vector.shape_cast %slice3A_388 : vector<1x256x256xf32> to vector<256x256xf32>
      %slice3A_390 = vector.extract_strided_slice %add3A_299 {offsets = [392, 0], sizes = [196, 256], strides = [1, 1]} : vector<1568x256xf32> to vector<196x256xf32>
      %dot_general3A_391 = arith.constant dense<0.000000e+00> : vector<256x196xf32>
      %dot_general3A_392 = tpu.matmul %squeeze3A_389, %slice3A_390, %dot_general3A_391 {dimension_numbers = #tpu.dot_dimension_numbers<[1], [1], [0], [0], [0, 0, 1, 0], [], []>, transpose_lhs_hint = false} : vector<256x256xf32>, vector<196x256xf32>, vector<256x196xf32> -> vector<256x196xf32>
      %slice3A_393 = vector.extract_strided_slice %get3A_303 {offsets = [0, 0, 0], sizes = [1, 256, 256], strides = [1, 1, 1]} : vector<3x256x256xf32> to vector<1x256x256xf32>
      %squeeze3A_394 = vector.shape_cast %slice3A_393 : vector<1x256x256xf32> to vector<256x256xf32>
      %slice3A_395 = vector.extract_strided_slice %add3A_299 {offsets = [196, 0], sizes = [196, 256], strides = [1, 1]} : vector<1568x256xf32> to vector<196x256xf32>
      %dot_general3A_396 = arith.constant dense<0.000000e+00> : vector<256x196xf32>
      %dot_general3A_397 = tpu.matmul %squeeze3A_394, %slice3A_395, %dot_general3A_396 {dimension_numbers = #tpu.dot_dimension_numbers<[1], [1], [0], [0], [0, 0, 1, 0], [], []>, transpose_lhs_hint = false} : vector<256x256xf32>, vector<196x256xf32>, vector<256x196xf32> -> vector<256x196xf32>
      %add3A_398 = arith.addf %dot_general3A_392, %dot_general3A_397 : vector<256x196xf32>
      %slice3A_399 = vector.extract_strided_slice %get3A_303 {offsets = [2, 0, 0], sizes = [1, 256, 256], strides = [1, 1, 1]} : vector<3x256x256xf32> to vector<1x256x256xf32>
      %squeeze3A_400 = vector.shape_cast %slice3A_399 : vector<1x256x256xf32> to vector<256x256xf32>
      %slice3A_401 = vector.extract_strided_slice %add3A_299 {offsets = [588, 0], sizes = [196, 256], strides = [1, 1]} : vector<1568x256xf32> to vector<196x256xf32>
      %dot_general3A_402 = arith.constant dense<0.000000e+00> : vector<256x196xf32>
      %dot_general3A_403 = tpu.matmul %squeeze3A_400, %slice3A_401, %dot_general3A_402 {dimension_numbers = #tpu.dot_dimension_numbers<[1], [1], [0], [0], [0, 0, 1, 0], [], []>, transpose_lhs_hint = false} : vector<256x256xf32>, vector<196x256xf32>, vector<256x196xf32> -> vector<256x196xf32>
      %add3A_404 = arith.addf %add3A_398, %dot_general3A_403 : vector<256x196xf32>
      %broadcast_in_dim3A_405 = vector.shape_cast %add3A_404 : vector<256x196xf32> to vector<1x256x196xf32>
      %mul3A_406 = arith.constant 8 : i32
      %mul3A_407 = arith.muli %arg0, %mul3A_406 : i32
      %add3A_408 = arith.constant 2 : i32
      %add3A_409 = arith.addi %mul3A_407, %add3A_408 : i32
      %swap3A_410 = arith.index_cast %add3A_409 : i32 to index
      %swap3A_411 = arith.constant 0 : index
      %swap3A_412 = arith.constant 0 : index
      %swap3A_413 = vector.load %arg13[%swap3A_410, %swap3A_411, %swap3A_412] : memref<32x256x196xf32, #tpu.memory_space<vmem>>, vector<1x256x196xf32>
      tpu.vector_store %arg13[%swap3A_410, %swap3A_411, %swap3A_412], %broadcast_in_dim3A_405 {strides = array<i32>} : memref<32x256x196xf32, #tpu.memory_space<vmem>>, vector<1x256x196xf32>,
      %get3A_414 = arith.constant 0 : index
      %get3A_415 = arith.constant 0 : index
      %get3A_416 = vector.load %arg14[%get3A_414, %get3A_415] : memref<256x8xf32, #tpu.memory_space<vmem>>, vector<256x1xf32>
      %reduce_sum3A_417 = arith.constant dense<0.000000e+00> : vector<256xf32>
      %reduce_sum3A_418 = vector.multi_reduction <add>, %add3A_404, %reduce_sum3A_417 [1] : vector<256x196xf32> to vector<256xf32>
      %broadcast_in_dim3A_419 = vector.shape_cast %reduce_sum3A_418 : vector<256xf32> to vector<256x1xf32>
      %add3A_420 = arith.addf %get3A_416, %broadcast_in_dim3A_419 : vector<256x1xf32>
      %swap3A_421 = arith.constant 0 : index
      %swap3A_422 = arith.constant 0 : index
      %swap3A_423 = vector.load %arg14[%swap3A_421, %swap3A_422] : memref<256x8xf32, #tpu.memory_space<vmem>>, vector<256x1xf32>
      tpu.vector_store %arg14[%swap3A_421, %swap3A_422], %add3A_420 {strides = array<i32>} : memref<256x8xf32, #tpu.memory_space<vmem>>, vector<256x1xf32>,
      %get3A_424 = arith.constant 0 : index
      %get3A_425 = arith.constant 1 : index
      %get3A_426 = vector.load %arg14[%get3A_424, %get3A_425] : memref<256x8xf32, #tpu.memory_space<vmem>>, vector<256x1xf32>
      %mul3A_427 = arith.mulf %add3A_404, %add3A_404 : vector<256x196xf32>
      %reduce_sum3A_428 = arith.constant dense<0.000000e+00> : vector<256xf32>
      %reduce_sum3A_429 = vector.multi_reduction <add>, %mul3A_427, %reduce_sum3A_428 [1] : vector<256x196xf32> to vector<256xf32>
      %broadcast_in_dim3A_430 = vector.shape_cast %reduce_sum3A_429 : vector<256xf32> to vector<256x1xf32>
      %add3A_431 = arith.addf %get3A_426, %broadcast_in_dim3A_430 : vector<256x1xf32>
      %swap3A_432 = arith.constant 0 : index
      %swap3A_433 = arith.constant 1 : index
      %swap3A_434 = vector.load %arg14[%swap3A_432, %swap3A_433] : memref<256x8xf32, #tpu.memory_space<vmem>>, vector<256x1xf32>
      tpu.vector_store %arg14[%swap3A_432, %swap3A_433], %add3A_431 {strides = array<i32>} : memref<256x8xf32, #tpu.memory_space<vmem>>, vector<256x1xf32>,
      %slice3A_435 = vector.extract_strided_slice %get3A_303 {offsets = [1, 0, 0], sizes = [1, 256, 256], strides = [1, 1, 1]} : vector<3x256x256xf32> to vector<1x256x256xf32>
      %squeeze3A_436 = vector.shape_cast %slice3A_435 : vector<1x256x256xf32> to vector<256x256xf32>
      %slice3A_437 = vector.extract_strided_slice %add3A_299 {offsets = [588, 0], sizes = [196, 256], strides = [1, 1]} : vector<1568x256xf32> to vector<196x256xf32>
      %dot_general3A_438 = arith.constant dense<0.000000e+00> : vector<256x196xf32>
      %dot_general3A_439 = tpu.matmul %squeeze3A_436, %slice3A_437, %dot_general3A_438 {dimension_numbers = #tpu.dot_dimension_numbers<[1], [1], [0], [0], [0, 0, 1, 0], [], []>, transpose_lhs_hint = false} : vector<256x256xf32>, vector<196x256xf32>, vector<256x196xf32> -> vector<256x196xf32>
      %slice3A_440 = vector.extract_strided_slice %get3A_303 {offsets = [0, 0, 0], sizes = [1, 256, 256], strides = [1, 1, 1]} : vector<3x256x256xf32> to vector<1x256x256xf32>
      %squeeze3A_441 = vector.shape_cast %slice3A_440 : vector<1x256x256xf32> to vector<256x256xf32>
      %slice3A_442 = vector.extract_strided_slice %add3A_299 {offsets = [392, 0], sizes = [196, 256], strides = [1, 1]} : vector<1568x256xf32> to vector<196x256xf32>
      %dot_general3A_443 = arith.constant dense<0.000000e+00> : vector<256x196xf32>
      %dot_general3A_444 = tpu.matmul %squeeze3A_441, %slice3A_442, %dot_general3A_443 {dimension_numbers = #tpu.dot_dimension_numbers<[1], [1], [0], [0], [0, 0, 1, 0], [], []>, transpose_lhs_hint = false} : vector<256x256xf32>, vector<196x256xf32>, vector<256x196xf32> -> vector<256x196xf32>
      %add3A_445 = arith.addf %dot_general3A_439, %dot_general3A_444 : vector<256x196xf32>
      %slice3A_446 = vector.extract_strided_slice %get3A_303 {offsets = [2, 0, 0], sizes = [1, 256, 256], strides = [1, 1, 1]} : vector<3x256x256xf32> to vector<1x256x256xf32>
      %squeeze3A_447 = vector.shape_cast %slice3A_446 : vector<1x256x256xf32> to vector<256x256xf32>
      %slice3A_448 = vector.extract_strided_slice %add3A_299 {offsets = [784, 0], sizes = [196, 256], strides = [1, 1]} : vector<1568x256xf32> to vector<196x256xf32>
      %dot_general3A_449 = arith.constant dense<0.000000e+00> : vector<256x196xf32>
      %dot_general3A_450 = tpu.matmul %squeeze3A_447, %slice3A_448, %dot_general3A_449 {dimension_numbers = #tpu.dot_dimension_numbers<[1], [1], [0], [0], [0, 0, 1, 0], [], []>, transpose_lhs_hint = false} : vector<256x256xf32>, vector<196x256xf32>, vector<256x196xf32> -> vector<256x196xf32>
      %add3A_451 = arith.addf %add3A_445, %dot_general3A_450 : vector<256x196xf32>
      %broadcast_in_dim3A_452 = vector.shape_cast %add3A_451 : vector<256x196xf32> to vector<1x256x196xf32>
      %mul3A_453 = arith.constant 8 : i32
      %mul3A_454 = arith.muli %arg0, %mul3A_453 : i32
      %add3A_455 = arith.constant 3 : i32
      %add3A_456 = arith.addi %mul3A_454, %add3A_455 : i32
      %swap3A_457 = arith.index_cast %add3A_456 : i32 to index
      %swap3A_458 = arith.constant 0 : index
      %swap3A_459 = arith.constant 0 : index
      %swap3A_460 = vector.load %arg13[%swap3A_457, %swap3A_458, %swap3A_459] : memref<32x256x196xf32, #tpu.memory_space<vmem>>, vector<1x256x196xf32>
      tpu.vector_store %arg13[%swap3A_457, %swap3A_458, %swap3A_459], %broadcast_in_dim3A_452 {strides = array<i32>} : memref<32x256x196xf32, #tpu.memory_space<vmem>>, vector<1x256x196xf32>,
      %get3A_461 = arith.constant 0 : index
      %get3A_462 = arith.constant 0 : index
      %get3A_463 = vector.load %arg14[%get3A_461, %get3A_462] : memref<256x8xf32, #tpu.memory_space<vmem>>, vector<256x1xf32>
      %reduce_sum3A_464 = arith.constant dense<0.000000e+00> : vector<256xf32>
      %reduce_sum3A_465 = vector.multi_reduction <add>, %add3A_451, %reduce_sum3A_464 [1] : vector<256x196xf32> to vector<256xf32>
      %broadcast_in_dim3A_466 = vector.shape_cast %reduce_sum3A_465 : vector<256xf32> to vector<256x1xf32>
      %add3A_467 = arith.addf %get3A_463, %broadcast_in_dim3A_466 : vector<256x1xf32>
      %swap3A_468 = arith.constant 0 : index
      %swap3A_469 = arith.constant 0 : index
      %swap3A_470 = vector.load %arg14[%swap3A_468, %swap3A_469] : memref<256x8xf32, #tpu.memory_space<vmem>>, vector<256x1xf32>
      tpu.vector_store %arg14[%swap3A_468, %swap3A_469], %add3A_467 {strides = array<i32>} : memref<256x8xf32, #tpu.memory_space<vmem>>, vector<256x1xf32>,
      %get3A_471 = arith.constant 0 : index
      %get3A_472 = arith.constant 1 : index
      %get3A_473 = vector.load %arg14[%get3A_471, %get3A_472] : memref<256x8xf32, #tpu.memory_space<vmem>>, vector<256x1xf32>
      %mul3A_474 = arith.mulf %add3A_451, %add3A_451 : vector<256x196xf32>
      %reduce_sum3A_475 = arith.constant dense<0.000000e+00> : vector<256xf32>
      %reduce_sum3A_476 = vector.multi_reduction <add>, %mul3A_474, %reduce_sum3A_475 [1] : vector<256x196xf32> to vector<256xf32>
      %broadcast_in_dim3A_477 = vector.shape_cast %reduce_sum3A_476 : vector<256xf32> to vector<256x1xf32>
      %add3A_478 = arith.addf %get3A_473, %broadcast_in_dim3A_477 : vector<256x1xf32>
      %swap3A_479 = arith.constant 0 : index
      %swap3A_480 = arith.constant 1 : index
      %swap3A_481 = vector.load %arg14[%swap3A_479, %swap3A_480] : memref<256x8xf32, #tpu.memory_space<vmem>>, vector<256x1xf32>
      tpu.vector_store %arg14[%swap3A_479, %swap3A_480], %add3A_478 {strides = array<i32>} : memref<256x8xf32, #tpu.memory_space<vmem>>, vector<256x1xf32>,
      %slice3A_482 = vector.extract_strided_slice %get3A_303 {offsets = [1, 0, 0], sizes = [1, 256, 256], strides = [1, 1, 1]} : vector<3x256x256xf32> to vector<1x256x256xf32>
      %squeeze3A_483 = vector.shape_cast %slice3A_482 : vector<1x256x256xf32> to vector<256x256xf32>
      %slice3A_484 = vector.extract_strided_slice %add3A_299 {offsets = [784, 0], sizes = [196, 256], strides = [1, 1]} : vector<1568x256xf32> to vector<196x256xf32>
      %dot_general3A_485 = arith.constant dense<0.000000e+00> : vector<256x196xf32>
      %dot_general3A_486 = tpu.matmul %squeeze3A_483, %slice3A_484, %dot_general3A_485 {dimension_numbers = #tpu.dot_dimension_numbers<[1], [1], [0], [0], [0, 0, 1, 0], [], []>, transpose_lhs_hint = false} : vector<256x256xf32>, vector<196x256xf32>, vector<256x196xf32> -> vector<256x196xf32>
      %slice3A_487 = vector.extract_strided_slice %get3A_303 {offsets = [0, 0, 0], sizes = [1, 256, 256], strides = [1, 1, 1]} : vector<3x256x256xf32> to vector<1x256x256xf32>
      %squeeze3A_488 = vector.shape_cast %slice3A_487 : vector<1x256x256xf32> to vector<256x256xf32>
      %slice3A_489 = vector.extract_strided_slice %add3A_299 {offsets = [588, 0], sizes = [196, 256], strides = [1, 1]} : vector<1568x256xf32> to vector<196x256xf32>
      %dot_general3A_490 = arith.constant dense<0.000000e+00> : vector<256x196xf32>
      %dot_general3A_491 = tpu.matmul %squeeze3A_488, %slice3A_489, %dot_general3A_490 {dimension_numbers = #tpu.dot_dimension_numbers<[1], [1], [0], [0], [0, 0, 1, 0], [], []>, transpose_lhs_hint = false} : vector<256x256xf32>, vector<196x256xf32>, vector<256x196xf32> -> vector<256x196xf32>
      %add3A_492 = arith.addf %dot_general3A_486, %dot_general3A_491 : vector<256x196xf32>
      %slice3A_493 = vector.extract_strided_slice %get3A_303 {offsets = [2, 0, 0], sizes = [1, 256, 256], strides = [1, 1, 1]} : vector<3x256x256xf32> to vector<1x256x256xf32>
      %squeeze3A_494 = vector.shape_cast %slice3A_493 : vector<1x256x256xf32> to vector<256x256xf32>
      %slice3A_495 = vector.extract_strided_slice %add3A_299 {offsets = [980, 0], sizes = [196, 256], strides = [1, 1]} : vector<1568x256xf32> to vector<196x256xf32>
      %dot_general3A_496 = arith.constant dense<0.000000e+00> : vector<256x196xf32>
      %dot_general3A_497 = tpu.matmul %squeeze3A_494, %slice3A_495, %dot_general3A_496 {dimension_numbers = #tpu.dot_dimension_numbers<[1], [1], [0], [0], [0, 0, 1, 0], [], []>, transpose_lhs_hint = false} : vector<256x256xf32>, vector<196x256xf32>, vector<256x196xf32> -> vector<256x196xf32>
      %add3A_498 = arith.addf %add3A_492, %dot_general3A_497 : vector<256x196xf32>
      %broadcast_in_dim3A_499 = vector.shape_cast %add3A_498 : vector<256x196xf32> to vector<1x256x196xf32>
      %mul3A_500 = arith.constant 8 : i32
      %mul3A_501 = arith.muli %arg0, %mul3A_500 : i32
      %add3A_502 = arith.constant 4 : i32
      %add3A_503 = arith.addi %mul3A_501, %add3A_502 : i32
      %swap3A_504 = arith.index_cast %add3A_503 : i32 to index
      %swap3A_505 = arith.constant 0 : index
      %swap3A_506 = arith.constant 0 : index
      %swap3A_507 = vector.load %arg13[%swap3A_504, %swap3A_505, %swap3A_506] : memref<32x256x196xf32, #tpu.memory_space<vmem>>, vector<1x256x196xf32>
      tpu.vector_store %arg13[%swap3A_504, %swap3A_505, %swap3A_506], %broadcast_in_dim3A_499 {strides = array<i32>} : memref<32x256x196xf32, #tpu.memory_space<vmem>>, vector<1x256x196xf32>,
      %get3A_508 = arith.constant 0 : index
      %get3A_509 = arith.constant 0 : index
      %get3A_510 = vector.load %arg14[%get3A_508, %get3A_509] : memref<256x8xf32, #tpu.memory_space<vmem>>, vector<256x1xf32>
      %reduce_sum3A_511 = arith.constant dense<0.000000e+00> : vector<256xf32>
      %reduce_sum3A_512 = vector.multi_reduction <add>, %add3A_498, %reduce_sum3A_511 [1] : vector<256x196xf32> to vector<256xf32>
      %broadcast_in_dim3A_513 = vector.shape_cast %reduce_sum3A_512 : vector<256xf32> to vector<256x1xf32>
      %add3A_514 = arith.addf %get3A_510, %broadcast_in_dim3A_513 : vector<256x1xf32>
      %swap3A_515 = arith.constant 0 : index
      %swap3A_516 = arith.constant 0 : index
      %swap3A_517 = vector.load %arg14[%swap3A_515, %swap3A_516] : memref<256x8xf32, #tpu.memory_space<vmem>>, vector<256x1xf32>
      tpu.vector_store %arg14[%swap3A_515, %swap3A_516], %add3A_514 {strides = array<i32>} : memref<256x8xf32, #tpu.memory_space<vmem>>, vector<256x1xf32>,
      %get3A_518 = arith.constant 0 : index
      %get3A_519 = arith.constant 1 : index
      %get3A_520 = vector.load %arg14[%get3A_518, %get3A_519] : memref<256x8xf32, #tpu.memory_space<vmem>>, vector<256x1xf32>
      %mul3A_521 = arith.mulf %add3A_498, %add3A_498 : vector<256x196xf32>
      %reduce_sum3A_522 = arith.constant dense<0.000000e+00> : vector<256xf32>
      %reduce_sum3A_523 = vector.multi_reduction <add>, %mul3A_521, %reduce_sum3A_522 [1] : vector<256x196xf32> to vector<256xf32>
      %broadcast_in_dim3A_524 = vector.shape_cast %reduce_sum3A_523 : vector<256xf32> to vector<256x1xf32>
      %add3A_525 = arith.addf %get3A_520, %broadcast_in_dim3A_524 : vector<256x1xf32>
      %swap3A_526 = arith.constant 0 : index
      %swap3A_527 = arith.constant 1 : index
      %swap3A_528 = vector.load %arg14[%swap3A_526, %swap3A_527] : memref<256x8xf32, #tpu.memory_space<vmem>>, vector<256x1xf32>
      tpu.vector_store %arg14[%swap3A_526, %swap3A_527], %add3A_525 {strides = array<i32>} : memref<256x8xf32, #tpu.memory_space<vmem>>, vector<256x1xf32>,
      %slice3A_529 = vector.extract_strided_slice %get3A_303 {offsets = [1, 0, 0], sizes = [1, 256, 256], strides = [1, 1, 1]} : vector<3x256x256xf32> to vector<1x256x256xf32>
      %squeeze3A_530 = vector.shape_cast %slice3A_529 : vector<1x256x256xf32> to vector<256x256xf32>
      %slice3A_531 = vector.extract_strided_slice %add3A_299 {offsets = [980, 0], sizes = [196, 256], strides = [1, 1]} : vector<1568x256xf32> to vector<196x256xf32>
      %dot_general3A_532 = arith.constant dense<0.000000e+00> : vector<256x196xf32>
      %dot_general3A_533 = tpu.matmul %squeeze3A_530, %slice3A_531, %dot_general3A_532 {dimension_numbers = #tpu.dot_dimension_numbers<[1], [1], [0], [0], [0, 0, 1, 0], [], []>, transpose_lhs_hint = false} : vector<256x256xf32>, vector<196x256xf32>, vector<256x196xf32> -> vector<256x196xf32>
      %slice3A_534 = vector.extract_strided_slice %get3A_303 {offsets = [0, 0, 0], sizes = [1, 256, 256], strides = [1, 1, 1]} : vector<3x256x256xf32> to vector<1x256x256xf32>
      %squeeze3A_535 = vector.shape_cast %slice3A_534 : vector<1x256x256xf32> to vector<256x256xf32>
      %slice3A_536 = vector.extract_strided_slice %add3A_299 {offsets = [784, 0], sizes = [196, 256], strides = [1, 1]} : vector<1568x256xf32> to vector<196x256xf32>
      %dot_general3A_537 = arith.constant dense<0.000000e+00> : vector<256x196xf32>
      %dot_general3A_538 = tpu.matmul %squeeze3A_535, %slice3A_536, %dot_general3A_537 {dimension_numbers = #tpu.dot_dimension_numbers<[1], [1], [0], [0], [0, 0, 1, 0], [], []>, transpose_lhs_hint = false} : vector<256x256xf32>, vector<196x256xf32>, vector<256x196xf32> -> vector<256x196xf32>
      %add3A_539 = arith.addf %dot_general3A_533, %dot_general3A_538 : vector<256x196xf32>
      %slice3A_540 = vector.extract_strided_slice %get3A_303 {offsets = [2, 0, 0], sizes = [1, 256, 256], strides = [1, 1, 1]} : vector<3x256x256xf32> to vector<1x256x256xf32>
      %squeeze3A_541 = vector.shape_cast %slice3A_540 : vector<1x256x256xf32> to vector<256x256xf32>
      %slice3A_542 = vector.extract_strided_slice %add3A_299 {offsets = [1176, 0], sizes = [196, 256], strides = [1, 1]} : vector<1568x256xf32> to vector<196x256xf32>
      %dot_general3A_543 = arith.constant dense<0.000000e+00> : vector<256x196xf32>
      %dot_general3A_544 = tpu.matmul %squeeze3A_541, %slice3A_542, %dot_general3A_543 {dimension_numbers = #tpu.dot_dimension_numbers<[1], [1], [0], [0], [0, 0, 1, 0], [], []>, transpose_lhs_hint = false} : vector<256x256xf32>, vector<196x256xf32>, vector<256x196xf32> -> vector<256x196xf32>
      %add3A_545 = arith.addf %add3A_539, %dot_general3A_544 : vector<256x196xf32>
      %broadcast_in_dim3A_546 = vector.shape_cast %add3A_545 : vector<256x196xf32> to vector<1x256x196xf32>
      %mul3A_547 = arith.constant 8 : i32
      %mul3A_548 = arith.muli %arg0, %mul3A_547 : i32
      %add3A_549 = arith.constant 5 : i32
      %add3A_550 = arith.addi %mul3A_548, %add3A_549 : i32
      %swap3A_551 = arith.index_cast %add3A_550 : i32 to index
      %swap3A_552 = arith.constant 0 : index
      %swap3A_553 = arith.constant 0 : index
      %swap3A_554 = vector.load %arg13[%swap3A_551, %swap3A_552, %swap3A_553] : memref<32x256x196xf32, #tpu.memory_space<vmem>>, vector<1x256x196xf32>
      tpu.vector_store %arg13[%swap3A_551, %swap3A_552, %swap3A_553], %broadcast_in_dim3A_546 {strides = array<i32>} : memref<32x256x196xf32, #tpu.memory_space<vmem>>, vector<1x256x196xf32>,
      %get3A_555 = arith.constant 0 : index
      %get3A_556 = arith.constant 0 : index
      %get3A_557 = vector.load %arg14[%get3A_555, %get3A_556] : memref<256x8xf32, #tpu.memory_space<vmem>>, vector<256x1xf32>
      %reduce_sum3A_558 = arith.constant dense<0.000000e+00> : vector<256xf32>
      %reduce_sum3A_559 = vector.multi_reduction <add>, %add3A_545, %reduce_sum3A_558 [1] : vector<256x196xf32> to vector<256xf32>
      %broadcast_in_dim3A_560 = vector.shape_cast %reduce_sum3A_559 : vector<256xf32> to vector<256x1xf32>
      %add3A_561 = arith.addf %get3A_557, %broadcast_in_dim3A_560 : vector<256x1xf32>
      %swap3A_562 = arith.constant 0 : index
      %swap3A_563 = arith.constant 0 : index
      %swap3A_564 = vector.load %arg14[%swap3A_562, %swap3A_563] : memref<256x8xf32, #tpu.memory_space<vmem>>, vector<256x1xf32>
      tpu.vector_store %arg14[%swap3A_562, %swap3A_563], %add3A_561 {strides = array<i32>} : memref<256x8xf32, #tpu.memory_space<vmem>>, vector<256x1xf32>,
      %get3A_565 = arith.constant 0 : index
      %get3A_566 = arith.constant 1 : index
      %get3A_567 = vector.load %arg14[%get3A_565, %get3A_566] : memref<256x8xf32, #tpu.memory_space<vmem>>, vector<256x1xf32>
      %mul3A_568 = arith.mulf %add3A_545, %add3A_545 : vector<256x196xf32>
      %reduce_sum3A_569 = arith.constant dense<0.000000e+00> : vector<256xf32>
      %reduce_sum3A_570 = vector.multi_reduction <add>, %mul3A_568, %reduce_sum3A_569 [1] : vector<256x196xf32> to vector<256xf32>
      %broadcast_in_dim3A_571 = vector.shape_cast %reduce_sum3A_570 : vector<256xf32> to vector<256x1xf32>
      %add3A_572 = arith.addf %get3A_567, %broadcast_in_dim3A_571 : vector<256x1xf32>
      %swap3A_573 = arith.constant 0 : index
      %swap3A_574 = arith.constant 1 : index
      %swap3A_575 = vector.load %arg14[%swap3A_573, %swap3A_574] : memref<256x8xf32, #tpu.memory_space<vmem>>, vector<256x1xf32>
      tpu.vector_store %arg14[%swap3A_573, %swap3A_574], %add3A_572 {strides = array<i32>} : memref<256x8xf32, #tpu.memory_space<vmem>>, vector<256x1xf32>,
      %slice3A_576 = vector.extract_strided_slice %get3A_303 {offsets = [1, 0, 0], sizes = [1, 256, 256], strides = [1, 1, 1]} : vector<3x256x256xf32> to vector<1x256x256xf32>
      %squeeze3A_577 = vector.shape_cast %slice3A_576 : vector<1x256x256xf32> to vector<256x256xf32>
      %slice3A_578 = vector.extract_strided_slice %add3A_299 {offsets = [1176, 0], sizes = [196, 256], strides = [1, 1]} : vector<1568x256xf32> to vector<196x256xf32>
      %dot_general3A_579 = arith.constant dense<0.000000e+00> : vector<256x196xf32>
      %dot_general3A_580 = tpu.matmul %squeeze3A_577, %slice3A_578, %dot_general3A_579 {dimension_numbers = #tpu.dot_dimension_numbers<[1], [1], [0], [0], [0, 0, 1, 0], [], []>, transpose_lhs_hint = false} : vector<256x256xf32>, vector<196x256xf32>, vector<256x196xf32> -> vector<256x196xf32>
      %slice3A_581 = vector.extract_strided_slice %get3A_303 {offsets = [0, 0, 0], sizes = [1, 256, 256], strides = [1, 1, 1]} : vector<3x256x256xf32> to vector<1x256x256xf32>
      %squeeze3A_582 = vector.shape_cast %slice3A_581 : vector<1x256x256xf32> to vector<256x256xf32>
      %slice3A_583 = vector.extract_strided_slice %add3A_299 {offsets = [980, 0], sizes = [196, 256], strides = [1, 1]} : vector<1568x256xf32> to vector<196x256xf32>
      %dot_general3A_584 = arith.constant dense<0.000000e+00> : vector<256x196xf32>
      %dot_general3A_585 = tpu.matmul %squeeze3A_582, %slice3A_583, %dot_general3A_584 {dimension_numbers = #tpu.dot_dimension_numbers<[1], [1], [0], [0], [0, 0, 1, 0], [], []>, transpose_lhs_hint = false} : vector<256x256xf32>, vector<196x256xf32>, vector<256x196xf32> -> vector<256x196xf32>
      %add3A_586 = arith.addf %dot_general3A_580, %dot_general3A_585 : vector<256x196xf32>
      %slice3A_587 = vector.extract_strided_slice %get3A_303 {offsets = [2, 0, 0], sizes = [1, 256, 256], strides = [1, 1, 1]} : vector<3x256x256xf32> to vector<1x256x256xf32>
      %squeeze3A_588 = vector.shape_cast %slice3A_587 : vector<1x256x256xf32> to vector<256x256xf32>
      %slice3A_589 = vector.extract_strided_slice %add3A_299 {offsets = [1372, 0], sizes = [196, 256], strides = [1, 1]} : vector<1568x256xf32> to vector<196x256xf32>
      %dot_general3A_590 = arith.constant dense<0.000000e+00> : vector<256x196xf32>
      %dot_general3A_591 = tpu.matmul %squeeze3A_588, %slice3A_589, %dot_general3A_590 {dimension_numbers = #tpu.dot_dimension_numbers<[1], [1], [0], [0], [0, 0, 1, 0], [], []>, transpose_lhs_hint = false} : vector<256x256xf32>, vector<196x256xf32>, vector<256x196xf32> -> vector<256x196xf32>
      %add3A_592 = arith.addf %add3A_586, %dot_general3A_591 : vector<256x196xf32>
      %broadcast_in_dim3A_593 = vector.shape_cast %add3A_592 : vector<256x196xf32> to vector<1x256x196xf32>
      %mul3A_594 = arith.constant 8 : i32
      %mul3A_595 = arith.muli %arg0, %mul3A_594 : i32
      %add3A_596 = arith.constant 6 : i32
      %add3A_597 = arith.addi %mul3A_595, %add3A_596 : i32
      %swap3A_598 = arith.index_cast %add3A_597 : i32 to index
      %swap3A_599 = arith.constant 0 : index
      %swap3A_600 = arith.constant 0 : index
      %swap3A_601 = vector.load %arg13[%swap3A_598, %swap3A_599, %swap3A_600] : memref<32x256x196xf32, #tpu.memory_space<vmem>>, vector<1x256x196xf32>
      tpu.vector_store %arg13[%swap3A_598, %swap3A_599, %swap3A_600], %broadcast_in_dim3A_593 {strides = array<i32>} : memref<32x256x196xf32, #tpu.memory_space<vmem>>, vector<1x256x196xf32>,
      %get3A_602 = arith.constant 0 : index
      %get3A_603 = arith.constant 0 : index
      %get3A_604 = vector.load %arg14[%get3A_602, %get3A_603] : memref<256x8xf32, #tpu.memory_space<vmem>>, vector<256x1xf32>
      %reduce_sum3A_605 = arith.constant dense<0.000000e+00> : vector<256xf32>
      %reduce_sum3A_606 = vector.multi_reduction <add>, %add3A_592, %reduce_sum3A_605 [1] : vector<256x196xf32> to vector<256xf32>
      %broadcast_in_dim3A_607 = vector.shape_cast %reduce_sum3A_606 : vector<256xf32> to vector<256x1xf32>
      %add3A_608 = arith.addf %get3A_604, %broadcast_in_dim3A_607 : vector<256x1xf32>
      %swap3A_609 = arith.constant 0 : index
      %swap3A_610 = arith.constant 0 : index
      %swap3A_611 = vector.load %arg14[%swap3A_609, %swap3A_610] : memref<256x8xf32, #tpu.memory_space<vmem>>, vector<256x1xf32>
      tpu.vector_store %arg14[%swap3A_609, %swap3A_610], %add3A_608 {strides = array<i32>} : memref<256x8xf32, #tpu.memory_space<vmem>>, vector<256x1xf32>,
      %get3A_612 = arith.constant 0 : index
      %get3A_613 = arith.constant 1 : index
      %get3A_614 = vector.load %arg14[%get3A_612, %get3A_613] : memref<256x8xf32, #tpu.memory_space<vmem>>, vector<256x1xf32>
      %mul3A_615 = arith.mulf %add3A_592, %add3A_592 : vector<256x196xf32>
      %reduce_sum3A_616 = arith.constant dense<0.000000e+00> : vector<256xf32>
      %reduce_sum3A_617 = vector.multi_reduction <add>, %mul3A_615, %reduce_sum3A_616 [1] : vector<256x196xf32> to vector<256xf32>
      %broadcast_in_dim3A_618 = vector.shape_cast %reduce_sum3A_617 : vector<256xf32> to vector<256x1xf32>
      %add3A_619 = arith.addf %get3A_614, %broadcast_in_dim3A_618 : vector<256x1xf32>
      %swap3A_620 = arith.constant 0 : index
      %swap3A_621 = arith.constant 1 : index
      %swap3A_622 = vector.load %arg14[%swap3A_620, %swap3A_621] : memref<256x8xf32, #tpu.memory_space<vmem>>, vector<256x1xf32>
      tpu.vector_store %arg14[%swap3A_620, %swap3A_621], %add3A_619 {strides = array<i32>} : memref<256x8xf32, #tpu.memory_space<vmem>>, vector<256x1xf32>,
      %slice3A_623 = vector.extract_strided_slice %get3A_303 {offsets = [1, 0, 0], sizes = [1, 256, 256], strides = [1, 1, 1]} : vector<3x256x256xf32> to vector<1x256x256xf32>
      %squeeze3A_624 = vector.shape_cast %slice3A_623 : vector<1x256x256xf32> to vector<256x256xf32>
      %slice3A_625 = vector.extract_strided_slice %add3A_299 {offsets = [1372, 0], sizes = [196, 256], strides = [1, 1]} : vector<1568x256xf32> to vector<196x256xf32>
      %dot_general3A_626 = arith.constant dense<0.000000e+00> : vector<256x196xf32>
      %dot_general3A_627 = tpu.matmul %squeeze3A_624, %slice3A_625, %dot_general3A_626 {dimension_numbers = #tpu.dot_dimension_numbers<[1], [1], [0], [0], [0, 0, 1, 0], [], []>, transpose_lhs_hint = false} : vector<256x256xf32>, vector<196x256xf32>, vector<256x196xf32> -> vector<256x196xf32>
      %slice3A_628 = vector.extract_strided_slice %get3A_303 {offsets = [0, 0, 0], sizes = [1, 256, 256], strides = [1, 1, 1]} : vector<3x256x256xf32> to vector<1x256x256xf32>
      %squeeze3A_629 = vector.shape_cast %slice3A_628 : vector<1x256x256xf32> to vector<256x256xf32>
      %slice3A_630 = vector.extract_strided_slice %add3A_299 {offsets = [1176, 0], sizes = [196, 256], strides = [1, 1]} : vector<1568x256xf32> to vector<196x256xf32>
      %dot_general3A_631 = arith.constant dense<0.000000e+00> : vector<256x196xf32>
      %dot_general3A_632 = tpu.matmul %squeeze3A_629, %slice3A_630, %dot_general3A_631 {dimension_numbers = #tpu.dot_dimension_numbers<[1], [1], [0], [0], [0, 0, 1, 0], [], []>, transpose_lhs_hint = false} : vector<256x256xf32>, vector<196x256xf32>, vector<256x196xf32> -> vector<256x196xf32>
      %add3A_633 = arith.addf %dot_general3A_627, %dot_general3A_632 : vector<256x196xf32>
      %broadcast_in_dim3A_634 = vector.shape_cast %add3A_633 : vector<256x196xf32> to vector<1x256x196xf32>
      %mul3A_635 = arith.constant 8 : i32
      %mul3A_636 = arith.muli %arg0, %mul3A_635 : i32
      %add3A_637 = arith.constant 7 : i32
      %add3A_638 = arith.addi %mul3A_636, %add3A_637 : i32
      %swap3A_639 = arith.index_cast %add3A_638 : i32 to index
      %swap3A_640 = arith.constant 0 : index
      %swap3A_641 = arith.constant 0 : index
      %swap3A_642 = vector.load %arg13[%swap3A_639, %swap3A_640, %swap3A_641] : memref<32x256x196xf32, #tpu.memory_space<vmem>>, vector<1x256x196xf32>
      tpu.vector_store %arg13[%swap3A_639, %swap3A_640, %swap3A_641], %broadcast_in_dim3A_634 {strides = array<i32>} : memref<32x256x196xf32, #tpu.memory_space<vmem>>, vector<1x256x196xf32>,
      %get3A_643 = arith.constant 0 : index
      %get3A_644 = arith.constant 0 : index
      %get3A_645 = vector.load %arg14[%get3A_643, %get3A_644] : memref<256x8xf32, #tpu.memory_space<vmem>>, vector<256x1xf32>
      %reduce_sum3A_646 = arith.constant dense<0.000000e+00> : vector<256xf32>
      %reduce_sum3A_647 = vector.multi_reduction <add>, %add3A_633, %reduce_sum3A_646 [1] : vector<256x196xf32> to vector<256xf32>
      %broadcast_in_dim3A_648 = vector.shape_cast %reduce_sum3A_647 : vector<256xf32> to vector<256x1xf32>
      %add3A_649 = arith.addf %get3A_645, %broadcast_in_dim3A_648 : vector<256x1xf32>
      %swap3A_650 = arith.constant 0 : index
      %swap3A_651 = arith.constant 0 : index
      %swap3A_652 = vector.load %arg14[%swap3A_650, %swap3A_651] : memref<256x8xf32, #tpu.memory_space<vmem>>, vector<256x1xf32>
      tpu.vector_store %arg14[%swap3A_650, %swap3A_651], %add3A_649 {strides = array<i32>} : memref<256x8xf32, #tpu.memory_space<vmem>>, vector<256x1xf32>,
      %get3A_653 = arith.constant 0 : index
      %get3A_654 = arith.constant 1 : index
      %get3A_655 = vector.load %arg14[%get3A_653, %get3A_654] : memref<256x8xf32, #tpu.memory_space<vmem>>, vector<256x1xf32>
      %mul3A_656 = arith.mulf %add3A_633, %add3A_633 : vector<256x196xf32>
      %reduce_sum3A_657 = arith.constant dense<0.000000e+00> : vector<256xf32>
      %reduce_sum3A_658 = vector.multi_reduction <add>, %mul3A_656, %reduce_sum3A_657 [1] : vector<256x196xf32> to vector<256xf32>
      %broadcast_in_dim3A_659 = vector.shape_cast %reduce_sum3A_658 : vector<256xf32> to vector<256x1xf32>
      %add3A_660 = arith.addf %get3A_655, %broadcast_in_dim3A_659 : vector<256x1xf32>
      %swap3A_661 = arith.constant 0 : index
      %swap3A_662 = arith.constant 1 : index
      %swap3A_663 = vector.load %arg14[%swap3A_661, %swap3A_662] : memref<256x8xf32, #tpu.memory_space<vmem>>, vector<256x1xf32>
      tpu.vector_store %arg14[%swap3A_661, %swap3A_662], %add3A_660 {strides = array<i32>} : memref<256x8xf32, #tpu.memory_space<vmem>>, vector<256x1xf32>,
    } else {
    }
    %eq3A_6 = arith.constant 4 : i32
    %eq3A_7 = arith.cmpi eq, %arg0, %eq3A_6 : i32
    %convert_element_type3A_8 = arith.extui %eq3A_7 : i1 to i32
    %cond3A_9 = arith.constant 0 : i32
    %cond3A_10 = arith.cmpi ne, %convert_element_type3A_8, %cond3A_9 : i32
    scf.if %cond3A_10 {
      %get3A = arith.constant 0 : index
      %get3A_15 = arith.constant 0 : index
      %get3A_16 = vector.load %arg14[%get3A, %get3A_15] : memref<256x8xf32, #tpu.memory_space<vmem>>, vector<256x1xf32>
      %div3A = arith.constant 6.272000e+03 : f32
      %div3A_17 = vector.broadcast %div3A : f32 to vector<256x1xf32>
      %div3A_18 = arith.divf %get3A_16, %div3A_17 : vector<256x1xf32>
      %get3A_19 = arith.constant 0 : index
      %get3A_20 = arith.constant 1 : index
      %get3A_21 = vector.load %arg14[%get3A_19, %get3A_20] : memref<256x8xf32, #tpu.memory_space<vmem>>, vector<256x1xf32>
      %div3A_22 = arith.constant 6.272000e+03 : f32
      %div3A_23 = vector.broadcast %div3A_22 : f32 to vector<256x1xf32>
      %div3A_24 = arith.divf %get3A_21, %div3A_23 : vector<256x1xf32>
      %mul3A = arith.mulf %div3A_18, %div3A_18 : vector<256x1xf32>
      %sub3A = arith.subf %div3A_24, %mul3A : vector<256x1xf32>
      %add3A = arith.constant 9.99999974E-6 : f32
      %add3A_25 = vector.broadcast %add3A : f32 to vector<256x1xf32>
      %add3A_26 = arith.addf %sub3A, %add3A_25 : vector<256x1xf32>
      %rsqrt3A = math.rsqrt %add3A_26 : vector<256x1xf32>
      %get3A_27 = arith.constant 0 : index
      %get3A_28 = arith.constant 0 : index
      %get3A_29 = vector.load %arg10[%get3A_27, %get3A_28] : memref<256x1xf32, #tpu.memory_space<vmem>>, vector<256x1xf32>
      %mul3A_30 = arith.mulf %rsqrt3A, %get3A_29 : vector<256x1xf32>
      %swap3A = arith.constant 0 : index
      %swap3A_31 = arith.constant 2 : index
      %swap3A_32 = vector.load %arg14[%swap3A, %swap3A_31] : memref<256x8xf32, #tpu.memory_space<vmem>>, vector<256x1xf32>
      tpu.vector_store %arg14[%swap3A, %swap3A_31], %mul3A_30 {strides = array<i32>} : memref<256x8xf32, #tpu.memory_space<vmem>>, vector<256x1xf32>,
      %get3A_33 = arith.constant 0 : index
      %get3A_34 = arith.constant 0 : index
      %get3A_35 = vector.load %arg11[%get3A_33, %get3A_34] : memref<256x1xf32, #tpu.memory_space<vmem>>, vector<256x1xf32>
      %mul3A_36 = arith.mulf %div3A_18, %mul3A_30 : vector<256x1xf32>
      %sub3A_37 = arith.subf %get3A_35, %mul3A_36 : vector<256x1xf32>
      %swap3A_38 = arith.constant 0 : index
      %swap3A_39 = arith.constant 3 : index
      %swap3A_40 = vector.load %arg14[%swap3A_38, %swap3A_39] : memref<256x8xf32, #tpu.memory_space<vmem>>, vector<256x1xf32>
      tpu.vector_store %arg14[%swap3A_38, %swap3A_39], %sub3A_37 {strides = array<i32>} : memref<256x8xf32, #tpu.memory_space<vmem>>, vector<256x1xf32>,
    } else {
    }
    %ge3A = arith.constant 4 : i32
    %ge3A_11 = arith.cmpi sge, %arg0, %ge3A : i32
    %convert_element_type3A_12 = arith.extui %ge3A_11 : i1 to i32
    %cond3A_13 = arith.constant 0 : i32
    %cond3A_14 = arith.cmpi ne, %convert_element_type3A_12, %cond3A_13 : i32
    scf.if %cond3A_14 {
      %sub3A = arith.constant 4 : i32
      %sub3A_15 = arith.subi %arg0, %sub3A : i32
      %get3A = arith.index_cast %sub3A_15 : i32 to index
      %get3A_16 = arith.constant 0 : index
      %get3A_17 = arith.constant 0 : index
      %get3A_18 = vector.load %arg13[%get3A, %get3A_16, %get3A_17] : memref<32x256x196xf32, #tpu.memory_space<vmem>>, vector<1x256x196xf32>
      %squeeze3A = vector.shape_cast %get3A_18 : vector<1x256x196xf32> to vector<256x196xf32>
      %get3A_19 = arith.constant 0 : index
      %get3A_20 = arith.constant 2 : index
      %get3A_21 = vector.load %arg14[%get3A_19, %get3A_20] : memref<256x8xf32, #tpu.memory_space<vmem>>, vector<256x1xf32>
      %mul3A = vector.broadcast %get3A_21 : vector<256x1xf32> to vector<256x196xf32>
      %mul3A_22 = arith.mulf %squeeze3A, %mul3A : vector<256x196xf32>
      %get3A_23 = arith.constant 0 : index
      %get3A_24 = arith.constant 3 : index
      %get3A_25 = vector.load %arg14[%get3A_23, %get3A_24] : memref<256x8xf32, #tpu.memory_space<vmem>>, vector<256x1xf32>
      %add3A = vector.broadcast %get3A_25 : vector<256x1xf32> to vector<256x196xf32>
      %add3A_26 = arith.addf %mul3A_22, %add3A : vector<256x196xf32>
      %swap3A = arith.constant 0 : index
      %swap3A_27 = arith.constant 0 : index
      %swap3A_28 = arith.constant 0 : index
      %swap3A_29 = vector.load %arg12[%swap3A, %swap3A_27, %swap3A_28] : memref<1x256x196xf32, #tpu.memory_space<vmem>>, vector<1x256x196xf32>
      %swap3A_30 = vector.shape_cast %swap3A_29 : vector<1x256x196xf32> to vector<256x196xf32>
      %swap3A_31 = vector.shape_cast %add3A_26 : vector<256x196xf32> to vector<1x256x196xf32>
      tpu.vector_store %arg12[%swap3A, %swap3A_27, %swap3A_28], %swap3A_31 {strides = array<i32>} : memref<1x256x196xf32, #tpu.memory_space<vmem>>, vector<1x256x196xf32>,
    } else {
    }
    return
  }
  func.func @transform_0(%arg0: i32) -> (i32, i32, i32) {
    %min3A = arith.constant 3 : i32
    %min3A_0 = arith.minsi %arg0, %min3A : i32
    %c0_i32 = arith.constant 0 : i32
    %c0_i32_1 = arith.constant 0 : i32
    %c0_i32_2 = arith.constant 0 : i32
    return %min3A_0, %c0_i32, %c0_i32_1 : i32, i32, i32
  }
  func.func @transform_1(%arg0: i32) -> (i32, i32, i32) {
    %min3A = arith.constant 3 : i32
    %min3A_0 = arith.minsi %arg0, %min3A : i32
    %c0_i32 = arith.constant 0 : i32
    %c0_i32_1 = arith.constant 0 : i32
    %c0_i32_2 = arith.constant 0 : i32
    return %min3A_0, %c0_i32, %c0_i32_1 : i32, i32, i32
  }
  func.func @transform_2(%arg0: i32) -> (i32, i32, i32) {
    %min3A = arith.constant 3 : i32
    %min3A_0 = arith.minsi %arg0, %min3A : i32
    %c0_i32 = arith.constant 0 : i32
    %c0_i32_1 = arith.constant 0 : i32
    %c0_i32_2 = arith.constant 0 : i32
    return %min3A_0, %c0_i32, %c0_i32_1 : i32, i32, i32
  }
  func.func @transform_3(%arg0: i32) -> (i32, i32) {
    %c0_i32 = arith.constant 0 : i32
    %c0_i32_0 = arith.constant 0 : i32
    %c0_i32_1 = arith.constant 0 : i32
    return %c0_i32, %c0_i32_0 : i32, i32
  }
  func.func @transform_4(%arg0: i32) -> (i32, i32) {
    %c0_i32 = arith.constant 0 : i32
    %c0_i32_0 = arith.constant 0 : i32
    %c0_i32_1 = arith.constant 0 : i32
    return %c0_i32, %c0_i32_0 : i32, i32
  }
  func.func @transform_5(%arg0: i32) -> (i32, i32) {
    %c0_i32 = arith.constant 0 : i32
    %c0_i32_0 = arith.constant 0 : i32
    %c0_i32_1 = arith.constant 0 : i32
    return %c0_i32, %c0_i32_0 : i32, i32
  }
  func.func @transform_6(%arg0: i32) -> (i32, i32) {
    %c0_i32 = arith.constant 0 : i32
    %c0_i32_0 = arith.constant 0 : i32
    %c0_i32_1 = arith.constant 0 : i32
    return %c0_i32, %c0_i32_0 : i32, i32
  }
  func.func @transform_7(%arg0: i32) -> (i32, i32) {
    %c0_i32 = arith.constant 0 : i32
    %c0_i32_0 = arith.constant 0 : i32
    %c0_i32_1 = arith.constant 0 : i32
    return %c0_i32, %c0_i32_0 : i32, i32
  }
  func.func @transform_8(%arg0: i32) -> (i32, i32, i32) {
    %c0_i32 = arith.constant 0 : i32
    %c0_i32_0 = arith.constant 0 : i32
    %c0_i32_1 = arith.constant 0 : i32
    %c0_i32_2 = arith.constant 0 : i32
    return %c0_i32, %c0_i32_0, %c0_i32_1 : i32, i32, i32
  }
  func.func @transform_9(%arg0: i32) -> (i32, i32) {
    %c0_i32 = arith.constant 0 : i32
    %c0_i32_0 = arith.constant 0 : i32
    %c0_i32_1 = arith.constant 0 : i32
    return %c0_i32, %c0_i32_0 : i32, i32
  }
  func.func @transform_10(%arg0: i32) -> (i32, i32) {
    %c0_i32 = arith.constant 0 : i32
    %c0_i32_0 = arith.constant 0 : i32
    %c0_i32_1 = arith.constant 0 : i32
    return %c0_i32, %c0_i32_0 : i32, i32
  }
  func.func @transform_11(%arg0: i32) -> (i32, i32, i32) {
    %lt3A = arith.constant 4 : i32
    %lt3A_0 = arith.cmpi slt, %arg0, %lt3A : i32
    %sub3A = arith.constant 4 : i32
    %sub3A_1 = arith.subi %arg0, %sub3A : i32
    %jit3A = arith.constant 0 : i32
    %select_n3A = arith.select %lt3A_0, %jit3A, %sub3A_1 : i32
    %c0_i32 = arith.constant 0 : i32
    %c0_i32_2 = arith.constant 0 : i32
    %c0_i32_3 = arith.constant 0 : i32
    return %select_n3A, %c0_i32, %c0_i32_2 : i32, i32, i32
  }
}

</mosaic_0001>

<sc_bundles>
// kernel: kernel.5.cloned.1.call-start
scs
__scs_entry_jumppad:
0x0: {  	(pc) =	sbr.rel $0x88, $3  }
0x1: {  	(tag) =	ssettag $0x0;
	lr =	simm.s32 $0x1  }
0x2: {  	[smem:$0x3F96] =	sst lr;
	_ =	strace $0xD0000000  }
0x3: {  	_ = 	snop  }
0x4: {  	_ = 	snop  }
0x5: {  	_ = 	snop  }
0x6: {  	_ = 	snop  }
0x7: {  	_ = 	snop  }
__scs_overlays_trampoline_lowered:
0x8: {  	[smem:$0x3FA5] =	sst s0  }
0x9: {  	[smem:$0x3FA6] =	sst s1  }
0xa: {  	[smem:$0x3FA7] =	sst s2  }
0xb: {  	[smem:$0x3FA8] =	sst s3  }
0xc: {  	[smem:$0x3FA9] =	sst s4  }
0xd: {  	[smem:$0x3FAA] =	sst s5  }
0xe: {  	[smem:$0x3FAB] =	sst s6  }
0xf: {  	[smem:$0x3FAC] =	sst s7  }
0x10: {  	[smem:$0x3FAD] =	sst s8  }
0x11: {  	[smem:$0x3FAE] =	sst s9;
	s0 =	simm.s32 @!p0 $0x0  }
0x12: {  	s1 =	sld [smem:$0x3F94];
	s0 =	simm.s32 @p0 $0x1  }
0x13: {  	[smem:$0x3FAF] =	sst s0;
	s0 =	simm.s32 @!p1 $0x0  }
0x14: {  	s2 =	sld [smem:$0x3F93];
	s0 =	simm.s32 @p1 $0x1  }
0x15: {  	[smem:$0x3FB0] =	sst s0;
	s0 =	simm.s32 @!p2 $0x0  }
0x16: {  	s3 =	sld [smem:$0x3FDB];
	s0 =	simm.s32 @p2 $0x1  }
0x17: {  	s4 =	simm.s32 $0x1BF5;
	[smem:$0x3FB2] =	sst s0  }
0x18: {  	s0 =	sld [smem:$0x3F95];
	_ =	swait.ge [sflag:s4], $0x0  }
0x19: {  	s7 =	sld [smem:$0x3F96]  }
0x1a: {  	s8 =	sadd.s32 $0xFFFFE003, lr  }
0x1b: {  	s9 =	sadd.s32 $0xFFFFFEF7, lr;
	s5 =	simm.s32 $0xFFFFFFFF;
	p2 =	slt.u32 s8, $0xFFFFF086  }
0x1c: {  	p1 =	slt.u32 s9, $0xF7A;
	s5 =	simm.s32 @!p2 $0x0  }
0x1d: {  	s5 =	simm.s32 @p1 $0x1;
	p0 =	seq.s32 s7, s2  }
0x1e: {  	s7 =	smul.u32 @!p0 $0xF7A, s2;
	p2 =	seq.s32 @!p0 s5, $0x0  }
0x1f: {  	s9 =	smul.u32 $0xF7A, s1;
	s8 =	simm.s32 @!p0 $0x1BF5;
	p2 =	por !p2, p0  }
0x20: {  	[sflag:s8] =	ssyncset.s32 @!p0 $0xFFFFF086;
	s6 =	sadd.s32 @!p0 s3, s7;
	s7 =	simm.s32 @!p0 $0x108  }
0x21: {  	s3 =	sadd.s32 s3, s9;
	s6 =	sadd.s32 @!p0 $0x88, s6;
	s7 =	simm.s32 @p2 $0x1082  }
0x22: {  	[simem:s7], [sflag:s8] =	dma.local @!p0 [hbm:s6], $0xF7A  }
0x23: {  	s9 =	sor.u32 $0xD0000000, s2;
	s6 =	simm.s32 $0x108;
	_ =	swait.ge @!p0 [sflag:s8], $0x0  }
0x24: {  	s3 =	sadd.s32 $0x88, s3;
	s6 =	simm.s32 @!p1 $0x1082;
	[sflag:s4] =	ssyncset.s32 $0xFFFFF086  }
0x25: {  	[simem:s6], [sflag:s4] =	dma.local [hbm:s3], $0xF7A  }
0x26: {  	[smem:$0x3F96] =	sst s1;
	(tag) =	ssettag s2;
	_ =	strace s9  }
0x27: {  	s1 =	sld [smem:$0x3FA6]  }
0x28: {  	s2 =	sld [smem:$0x3FA7]  }
0x29: {  	s4 =	sld [smem:$0x3FA9]  }
0x2a: {  	p0 =	seq.s32 s5, $0x0;
	s5 =	sld [smem:$0x3FAA]  }
0x2b: {  	s6 =	sld [smem:$0x3FAB]  }
0x2c: {  	s7 =	sld [smem:$0x3FAC]  }
0x2d: {  	s3 =	simm.s32 $0x108;
	s8 =	sld [smem:$0x3FAD]  }
0x2e: {  	s3 =	simm.s32 @!p0 $0x1082;
	s9 =	sld [smem:$0x3FAE]  }
0x2f: {  	lr =	sadd.s32 s0, s3;
	s0 =	sld [smem:$0x3FA5]  }
0x30: {  	s3 =	sld [smem:$0x3FA8]  }
0x31: {  	[smem:$0x3FB1] =	sst s10  }
0x32: {  	s10 =	sld [smem:$0x3FAF];
	_ =	sdelay $0x3  }
0x33: {  	p0 =	seq.s32 s10, $0x1;
	s10 =	sld [smem:$0x3FB1];
	_ =	sdelay $0x3  }
0x34: {  	[smem:$0x3FB1] =	sst s10  }
0x35: {  	s10 =	sld [smem:$0x3FB0];
	_ =	sdelay $0x3  }
0x36: {  	p1 =	seq.s32 s10, $0x1;
	s10 =	sld [smem:$0x3FB1];
	_ =	sdelay $0x3  }
0x37: {  	[smem:$0x3FB1] =	sst s10  }
0x38: {  	s10 =	sld [smem:$0x3FB2]  }
0x39: {  	_ = 	snop;
	(pc) =	sbr.ind lr, $3  }
0x3a: {  	_ = 	snop  }
0x3b: {  	_ = 	snop  }
0x3c: {  	p2 =	seq.s32 s10, $0x1;
	s10 =	sld [smem:$0x3FB1]  }
0x3d: {  	_ =	shalt  }
0x3e: {  	_ =	shalt  }
0x3f: {  	_ =	shalt  }
0x40: {  	_ =	shalt  }
0x41: {  	_ =	shalt  }
0x42: {  	_ =	shalt  }
0x43: {  	_ =	shalt  }
0x44: {  	_ =	shalt  }
0x45: {  	_ =	shalt  }
0x46: {  	_ =	shalt  }
0x47: {  	_ =	shalt  }
0x48: {  	_ =	shalt  }
0x49: {  	_ =	shalt  }
0x4a: {  	_ =	shalt  }
0x4b: {  	_ =	shalt  }
0x4c: {  	_ =	shalt  }
0x4d: {  	_ =	shalt  }
0x4e: {  	_ =	shalt  }
0x4f: {  	_ =	shalt  }
0x50: {  	_ =	shalt  }
0x51: {  	_ =	shalt  }
0x52: {  	_ =	shalt  }
0x53: {  	_ =	shalt  }
0x54: {  	_ =	shalt  }
0x55: {  	_ =	shalt  }
0x56: {  	_ =	shalt  }
0x57: {  	_ =	shalt  }
0x58: {  	_ =	shalt  }
0x59: {  	_ =	shalt  }
0x5a: {  	_ =	shalt  }
0x5b: {  	_ =	shalt  }
0x5c: {  	_ =	shalt  }
0x5d: {  	_ =	shalt  }
0x5e: {  	_ =	shalt  }
0x5f: {  	_ =	shalt  }
0x60: {  	_ =	shalt  }
0x61: {  	_ =	shalt  }
0x62: {  	_ =	shalt  }
0x63: {  	_ =	shalt  }
0x64: {  	_ =	shalt  }
0x65: {  	_ =	shalt  }
0x66: {  	_ =	shalt  }
0x67: {  	_ =	shalt  }
0x68: {  	_ =	shalt  }
0x69: {  	_ =	shalt  }
0x6a: {  	_ =	shalt  }
0x6b: {  	_ =	shalt  }
0x6c: {  	_ =	shalt  }
0x6d: {  	_ =	shalt  }
0x6e: {  	_ =	shalt  }
0x6f: {  	_ =	shalt  }
0x70: {  	_ =	shalt  }
0x71: {  	_ =	shalt  }
0x72: {  	_ =	shalt  }
0x73: {  	_ =	shalt  }
0x74: {  	_ =	shalt  }
0x75: {  	_ =	shalt  }
0x76: {  	_ =	shalt  }
0x77: {  	_ =	shalt  }
0x78: {  	_ =	shalt  }
0x79: {  	_ =	shalt  }
0x7a: {  	_ =	shalt  }
0x7b: {  	_ =	shalt  }
0x7c: {  	_ =	shalt  }
0x7d: {  	_ =	shalt  }
0x7e: {  	_ =	shalt  }
0x7f: {  	_ =	shalt  }
0x80: {  	_ =	shalt  }
0x81: {  	_ =	shalt  }
0x82: {  	_ =	shalt  }
0x83: {  	_ =	shalt  }
0x84: {  	_ =	shalt  }
0x85: {  	_ =	shalt  }
0x86: {  	_ =	shalt  }
0x87: {  	_ =	shalt  }
.Lfunc_end0:
.L_simem_size_0:
called_computation_lowered:
.L_overlay_start_0:
0x88: {  	s2 =	sld [smem:$0x3FD9]  }
0x89: {  	s3 =	sld [smem:$0x3FFE];
	_ =	sdelay $0x1  }
0x8a: {  	s1 =	srdreg.scid  }
0x8b: {  	s0 =	sand.u32 $0x1, s1  }
0x8c: {  	s17 =	sshll.u32 s0, $0xA;
	s2 =	sadd.s32 s3, s2  }
0x8d: {  	s2 =	sadd.s32 s2, s17  }
0x8e: {  	[smem:$0x3FBD] =	sst s2  }
0x8f: {  	_ = 	snop  }
0x90: {  	s2 =	sld [smem:$0x3FD0];
	(tm) =	ssettm $0x1  }
0x91: {  	s18 =	sld [smem:$0x3FFB];
	_ =	sdelay $0x3  }
0x92: {  	_ =	strace s18  }
0x93: {  	s3 =	sld [smem:$0x3FFC];
	_ =	sdelay $0x3  }
0x94: {  	_ =	strace s3  }
0x95: {  	s3 =	sld [smem:$0x3FFD];
	_ =	sdelay $0x3  }
0x96: {  	_ =	strace s3  }
0x97: {  	_ =	strace $0x8FFFFFFF  }
0x98: {  	s19 =	sld [smem:$0x3FDB];
	_ =	sdelay $0x1  }
0x99: {  	s4 =	simm.s32 $_scs_section_size  }
0x9a: {  	s5 =	simm.s32 $_size__tile_overlayer_lowered;
	s6 =	simm.s32 $_tile_overlayer_lowered  }
0x9b: {  	s22 =	simm.s32 $0x1BFF;
	s21 =	sshll.u32 s6, $0x1;
	s3 =	sadd.s32 s4, s19  }
0x9c: {  	s7 =	simm.s32 $0x0;
	s20 =	sshll.u32 s5, $0x1;
	s5 =	sadd.s32 s21, s3  }
0x9d: {  	[timem:s7], [sflag:s22] =	dma.local [hbm:s5], s20  }
0x9e: {  	_ =	swait.ge [sflag:s22], s20  }
0x9f: {  	s4 =	ssub.s32 $0x0, s20;
	[sflag:s22] =	ssyncset.done $0x0  }
0xa0: {  	[sflag:s22] =	ssyncadd.s32 s4;
	_ =	sdelay $0x1  }
0xa1: {  	s23 =	simm.s32 $0x1B8B  }
0xa2: {  	_ =	swait.ge [sflag:s23], $0x1  }
0xa3: {  	[sflag:s23] =	ssyncset.done $0x0  }
0xa4: {  	s25 =	simm.s32 $0x1B8E;
	s24 =	sld [smem:$0x3FFE];
	[sflag:s23] =	ssyncadd.s32 $0xFFFFFFFF  }
0xa5: {  	s26 =	simm.s32 $execute0_lowered;
	[smem:$0x3FD2] =	sst s25  }
0xa6: {  	s5 =	sshll.u32 s26, $0x1;
	_ =	strace $0x80000046;
	[dreg:$0x1] =	wrdreg $0xFFFFFFFF  }
0xa7: {  	s28 =	simm.s32 $_size_execute0_lowered;
	s3 =	sadd.s32 s3, s5;
	[dreg:$0x0] =	wrdreg $0x0  }
0xa8: {  	s5 =	sshll.u32 s28, $0x1;
	[dreg:$0x2] =	wrdreg s3  }
0xa9: {  	[dreg:$0x3] =	wrdreg s5  }
0xaa: {  	[dreg:$0x4] =	wrdreg $0xC0  }
0xab: {  	_ =	task [dreg:s7], $0x5FFFF  }
0xac: {  	[dreg:$0x1] =	wrdreg $0xFFFFFFFF  }
0xad: {  	[dreg:$0x0] =	wrdreg $0x60  }
0xae: {  	[dreg:$0x2] =	wrdreg s2  }
0xaf: {  	[dreg:$0x3] =	wrdreg s24  }
0xb0: {  	[dreg:$0x4] =	wrdreg $0x9  }
0xb1: {  	_ =	task.clear_ibuf [dreg:s7], $0x5FFFF;
	_ =	strace $0x90000046  }
0xb2: {  	s29 =	simm.s32 $0x9;
	_ =	strace $0x80000048  }
0xb3: {  	_ =	swait.ge [sflag:s29], $0x1  }
0xb4: {  	[sflag:s29] =	ssyncadd.s32 $0xFFFFFFFF  }
0xb5: {  	_ =	strace $0x90000048  }
0xb6: {  	_ =	sfence  }
0xb7: {  	s30 =	sld [smem:$0x0];
	_ =	sdelay $0x2  }
0xb8: {  	s31 =	sshll.u32 s1, $0xD;
	s1 =	sshrl.u32 s1, $0x2  }
0xb9: {  	s3 =	sand.u32 $0x4000, s31;
	s1 =	sadd.s32 s1, s30  }
0xba: {  	s0 =	sor.u32 s3, s0;
	s1 =	sshll.u32 s1, $0x11  }
0xbb: {  	s0 =	sor.u32 s1, s0  }
0xbc: {  	s0 =	sadd.s32 $0x8F2B, s0  }
0xbd: {  	[sflag:s0] =	ssyncadd.remote.s32 $0x1  }
0xbe: {  	_ =	sfence.sel $0xFFFF  }
0xbf: {  	[dreg:$0x0] =	wrdreg $0xFFFFFFFF;
	(pc) =	sbr.abs _section_cstart, $3  }
0xc0: {  	[dreg:$0x1] =	wrdreg $0xFFFFFFFF  }
0xc1: {  	_ =	task.clear_ibuf [dreg:s7], $0x2FFFF;
	_ =	strace $0x9FFFFFFF  }
0xc2: {  	(tm) =	ssettm $0x7FFFFFFF  }
0xc3: {  	_ =	shalt  }
tec
execute0_lowered:
.L_overlay_start_1:
0x0: {  	(tag) =	ssettag $0x1  }
0x1: {  	s1 =	stileid.u32  }
0x2: {  	p0 =	sgt.u32 s1, $0xD  }
.Ltmp0:
0x3: {  	_ = 	snop;
	(pc) =	sbr.rel @p0 .LBB2_11-.Ltmp0, $4  }
0x4: {  	s5 =	rddreg [dreg:$0x0]  }
0x5: {  	s3 =	rddreg [dreg:$0x1];
	s2 =	simm.s32 $0x0  }
0x6: {  	[smem:$0x7FF] =	sst s2  }
0x7: {  	s0 =	rddreg [dreg:$0x2];
	_ =	strace $0x80000047  }
0x8: {  	s4 =	srdreg.scid;
	s6 =	sshll.u32 s1, $0x1  }
0x9: {  	s10 =	simm.s32 $0x2580;
	s11 =	simm.s32 $0x4B00;
	s12 =	simm.s32 $0x7080  }
0xa: {  	s13 =	simm.s32 $0x1;
	s14 =	simm.s32 $0x2;
	s15 =	simm.s32 $0x3  }
0xb: {  	s16 =	simm.s32 $0x4;
	s17 =	simm.s32 $0x9680;
	s4 =	sand.u32 $0x1, s4  }
0xc: {  	s18 =	simm.s32 $0x5;
	s19 =	simm.s32 $0x9700;
	s6 =	sor.u32 s4, s6  }
0xd: {  	s8 =	ssub.s32 $0x2, s4;
	s7 =	sshll.u32 s6, $0x4;
	s6 =	smul.u32 $0x9610, s6  }
0xe: {  	s20 =	simm.s32 $0x0;
	s9 =	sshrl.u32 s8, $0x1;
	s7 =	sadd.s32 s7, s3  }
0xf: {  	s9 =	ssub.s32 s8, s9;
	s3 =	sadd.s32 $0x1C00, s7;
	s6 =	sshrl.u32 s6, $0x3  }
0x10: {  	s4 =	sadd.s32 $0x1A00, s7;
	s9 =	smax.u32 s9, $0x1;
	s5 =	sadd.s32 s5, s6  }
0x11: {  	v0 =	vlaneseq.u32;
	s6 =	sadd.s32 $0xE10, s5;
	s7 =	sadd.s32 $0x960, s5;
	s8 =	sadd.s32 $0x4B0, s5  }
.LBB2_2:
0x12: {  	[tilespmem:s2], [sflag:$0x1] =	stream.linear.gather [hbm4b:s5+s2], $0x2580, $0x38;
	[tilespmem:$0x9780] =	vst v63  }
0x13: {  	_ = 	snop  }
0x14: {  	[tilespmem:s10], [sflag:$0x2] =	stream.linear.gather [hbm4b:s8+s2], $0x2580, $0x38;
	[tilespmem:$0x9780] =	vst v63  }
0x15: {  	_ = 	snop  }
0x16: {  	[tilespmem:s11], [sflag:$0x3] =	stream.linear.gather [hbm4b:s7+s2], $0x2580, $0x38;
	[tilespmem:$0x9780] =	vst v63  }
0x17: {  	_ = 	snop  }
0x18: {  	[tilespmem:s12], [sflag:$0x4] =	stream.linear.gather [hbm4b:s6+s2], $0x2590, $0x38;
	[tilespmem:$0x9780] =	vst v63  }
0x19: {  	_ =	swait.ge [sflag:s13], $0x2580  }
0x1a: {  	[sflag:s13] =	ssyncset.done $0x0  }
0x1b: {  	s21 =	simm.s32 $0x10;
	[sflag:s13] =	ssyncadd.s32 $0xFFFFDA80  }
0x1c: {  	v2 =	vld [tilespmem:s21+$0x0]  }
0x1d: {  	v3 =	vld [tilespmem:s21+$0xFFFFFFF0]  }
0x1e: {  	v15 =	vimm.f32 $-Inf;
	v16 =	vimm.s32 $0x40000000;
	v35 =	vimm.f32 $-Inf  }
0x1f: {  	v31 =	vimm.f32 $-Inf;
	v32 =	vimm.f32 $-Inf;
	v29 =	vimm.f32 $-Inf  }
0x20: {  	s22 =	simm.s32 $0x0;
	v30 =	vimm.s32 $0x40000000;
	v34 =	vimm.f32 $-Inf;
	v33 =	vimm.s32 $0x40000000  }
0x21: {  	v4 =	vor.u32 s22, v0;
	v5 =	vor.u32 s21, v0;
	vm6 =	vgt.f32 v2, v15  }
0x22: {  	vm1 =	vgt.f32 v3, v15;
	v1 =	vsel vm6, v2, v15;
	v6 =	vsel vm6, v15, v2  }
0x23: {  	v13 =	vsel vm1, v4, v16;
	v2 =	vsel vm6, v16, v5;
	v18 =	vsel vm1, v3, v15  }
0x24: {  	v3 =	vsel vm1, v15, v3;
	v8 =	vsel vm1, v16, v4;
	vm5 =	vgt.f32 v6, v15  }
0x25: {  	v21 =	vsel vm6, v5, v16;
	vm7 =	vgt.f32 v3, v15;
	v7 =	vsel vm5, v15, v6  }
0x26: {  	v19 =	vsel vm5, v16, v2;
	v11 =	vsel vm5, v2, v16;
	v25 =	vsel vm7, v15, v3  }
0x27: {  	v20 =	vsel vm7, v3, v15;
	v3 =	vsel vm7, v16, v8;
	v22 =	vsel vm7, v8, v16  }
0x28: {  	v6 =	vsel vm5, v6, v15;
	vm0 =	vgt.f32 v7, v15;
	vm1 =	vgt.f32 v25, v15  }
0x29: {  	v23 =	vsel vm0, v15, v7;
	v2 =	vsel vm0, v16, v19;
	v10 =	vsel vm0, v7, v15  }
0x2a: {  	v36 =	vsel vm1, v15, v25;
	v4 =	vsel vm1, v16, v3;
	vm2 =	vgt.f32 v23, v15  }
0x2b: {  	v24 =	vsel vm1, v3, v16;
	vm3 =	vgt.f32 v36, v15;
	v37 =	vsel vm2, v15, v23  }
0x2c: {  	v38 =	vsel vm2, v16, v2;
	v7 =	vsel vm3, v15, v36;
	v2 =	vsel vm2, v2, v16  }
0x2d: {  	v27 =	vsel vm3, v16, v4;
	v4 =	vsel vm3, v4, v16;
	vm4 =	vgt.f32 v37, v15  }
0x2e: {  	vm6 =	vgt.f32 v7, v15;
	v14 =	vsel vm4, v15, v37;
	v26 =	vsel vm4, v16, v38  }
0x2f: {  	v41 =	vsel vm6, v15, v7;
	v12 =	vsel vm6, v7, v15;
	vm8 =	vgt.f32 v14, v15  }
0x30: {  	v42 =	vsel vm6, v16, v27;
	vm5 =	vgt.f32 v41, v15;
	v9 =	vsel vm8, v15, v14  }
0x31: {  	v17 =	vsel vm8, v16, v26;
	v39 =	vsel vm5, v15, v41;
	v40 =	vsel vm5, v16, v42  }
0x32: {  	v8 =	vsel vm8, v26, v16;
	v26 =	vimm.s32 $0x40000000;
	vm9 =	vgt.f32 v9, v15  }
0x33: {  	v5 =	vsel vm9, v15, v9;
	v28 =	vsel vm9, v16, v17;
	v9 =	vsel vm9, v9, v15  }
0x34: {  	v7 =	vsel vm9, v17, v16;
	v17 =	vsel vm8, v14, v15;
	v14 =	vsel vm6, v27, v16  }
0x35: {  	vm6 =	vgt.f32 v39, v15;
	v27 =	vimm.f32 $-Inf;
	vm7 =	vgt.f32 v5, v15  }
0x36: {  	s22 =	simm.s32 $0x30;
	s21 =	simm.s32 $0x30;
	v5 =	vsel vm7, v5, v15;
	v3 =	vsel vm7, v28, v16;
	v28 =	vimm.s32 $0x40000000  }
.LBB2_3:
0x37: {  	v43 =	vld [tilespmem:s22+$0x0];
	p0 =	sne.s32 s21, $0x2570;
	v44 =	vsel vm6, v15, v39;
	v35 =	vsel vm4, v37, v35;
	v16 =	vsel vm4, v38, v16;
	v37 =	vmovc v13;
	s23 =	smov.u32 s21;
	s21 =	sadd.s32 $0x20, s21  }
0x38: {  	v31 =	vsel vm5, v41, v31;
	v41 =	vsel vm6, v26, v40;
	v32 =	vsel vm2, v23, v32;
	v23 =	vmovc v18;
	v38 =	vld [tilespmem:s22+$0xFFFFFFF0]  }
0x39: {  	v29 =	vsel vm3, v36, v29;
	v30 =	vsel vm5, v42, v30;
	vm2 =	vgt.f32 v44, v27  }
0x3a: {  	v34 =	vsel vm1, v25, v34;
	v27 =	vsel vm2, v44, v27;
	v33 =	vsel vm2, v41, v33  }
0x3b: {  	v15 =	vsel vm6, v39, v15;
	v26 =	vsel vm6, v40, v26;
	v28 =	vsel vm0, v19, v28;
	s24 =	sadd.s32 $0xFFFFFFF0, s23  }
0x3c: {  	v39 =	vor.u32 s23, v0;
	v25 =	vor.u32 s24, v0;
	vm6 =	vgt.f32 v43, v1  }
0x3d: {  	vm1 =	vgt.f32 v38, v18;
	v40 =	vsel vm6, v1, v43;
	v1 =	vsel vm6, v43, v1  }
0x3e: {  	v36 =	vsel vm6, v21, v39;
	v13 =	vsel vm1, v25, v13;
	vm5 =	vgt.f32 v40, v6  }
0x3f: {  	v18 =	vsel vm1, v38, v18;
	v41 =	vsel vm5, v6, v40;
	v19 =	vsel vm5, v11, v36  }
0x40: {  	v38 =	vsel vm1, v23, v38;
	v11 =	vsel vm5, v36, v11;
	vm0 =	vgt.f32 v41, v10  }
0x41: {  	vm7 =	vgt.f32 v38, v20;
	v23 =	vsel vm0, v10, v41;
	v42 =	vsel vm0, v28, v19  }
0x42: {  	v43 =	vsel vm1, v37, v25;
	v10 =	vsel vm0, v41, v10;
	vm2 =	vgt.f32 v23, v32  }
0x43: {  	v25 =	vsel vm7, v20, v38;
	v20 =	vsel vm7, v38, v20;
	v37 =	vsel vm2, v32, v23  }
0x44: {  	vm1 =	vgt.f32 v25, v34;
	v38 =	vsel vm2, v2, v42;
	vm4 =	vgt.f32 v37, v35  }
0x45: {  	v41 =	vsel vm7, v22, v43;
	v36 =	vsel vm1, v34, v25;
	v44 =	vsel vm4, v35, v37  }
0x46: {  	vm3 =	vgt.f32 v36, v29;
	v45 =	vsel vm4, v16, v38;
	vm8 =	vgt.f32 v44, v17  }
0x47: {  	v46 =	vsel vm3, v29, v36;
	v47 =	vsel vm8, v17, v44;
	v48 =	vsel vm8, v8, v45  }
0x48: {  	v49 =	vsel vm1, v24, v41;
	v2 =	vsel vm2, v42, v2;
	vm9 =	vgt.f32 v47, v9  }
0x49: {  	v21 =	vsel vm6, v39, v21;
	v50 =	vsel vm3, v4, v49;
	v39 =	vsel vm9, v9, v47  }
0x4a: {  	v4 =	vsel vm3, v49, v4;
	v42 =	vsel vm9, v7, v48;
	vm6 =	vgt.f32 v39, v5  }
0x4b: {  	v22 =	vsel vm7, v43, v22;
	v24 =	vsel vm1, v41, v24;
	vm7 =	vgt.f32 v46, v12  }
.Ltmp1:
0x4c: {  	v6 =	vsel vm5, v40, v6;
	v41 =	vsel vm7, v12, v46;
	v12 =	vsel vm7, v46, v12;
	(pc) =	sbr.rel @p0 .LBB2_3-.Ltmp1, $4  }
0x4d: {  	vm5 =	vgt.f32 v41, v31;
	v5 =	vsel vm6, v39, v5;
	v3 =	vsel vm6, v42, v3  }
0x4e: {  	v9 =	vsel vm9, v47, v9;
	v7 =	vsel vm9, v48, v7;
	v42 =	vsel vm7, v14, v50  }
0x4f: {  	v17 =	vsel vm8, v44, v17;
	v39 =	vsel vm5, v31, v41;
	v40 =	vsel vm5, v30, v42  }
0x50: {  	s22 =	sadd.s32 $0x20, s22;
	v8 =	vsel vm8, v45, v8;
	v14 =	vsel vm7, v50, v14;
	vm6 =	vgt.f32 v39, v15  }
0x51: {  	_ =	swait.ge [sflag:s14], $0x2580  }
0x52: {  	[sflag:s14] =	ssyncset.done $0x0  }
0x53: {  	s21 =	simm.s32 $0x2590;
	[sflag:s14] =	ssyncadd.s32 $0xFFFFDA80  }
0x54: {  	v43 =	vsel vm6, v15, v39;
	v44 =	vsel vm4, v37, v35;
	v16 =	vsel vm4, v38, v16;
	v57 =	vld [tilespmem:s21+$0xFFFFFFF0]  }
0x55: {  	v45 =	vsel vm5, v41, v31;
	v58 =	vsel vm6, v26, v40;
	v46 =	vsel vm2, v23, v32;
	v37 =	vld [tilespmem:s21+$0x0]  }
0x56: {  	v31 =	vsel vm3, v36, v29;
	v47 =	vsel vm5, v42, v30;
	v23 =	vsel vm1, v25, v34  }
0x57: {  	v30 =	vsel vm6, v39, v15;
	v59 =	vsel vm6, v40, v26;
	v38 =	vsel vm0, v19, v28;
	s31 =	simm.s32 $0x2580;
	s22 =	simm.s32 $0x2590  }
0x58: {  	vm2 =	vgt.f32 v43, v27;
	v26 =	vor.u32 s31, v0;
	v28 =	vor.u32 s22, v0  }
0x59: {  	v25 =	vsel vm2, v43, v27;
	v27 =	vsel vm2, v58, v33;
	vm1 =	vgt.f32 v57, v18  }
0x5a: {  	vm0 =	vgt.f32 v37, v1;
	v19 =	vsel vm1, v57, v18;
	v29 =	vsel vm1, v18, v57  }
0x5b: {  	v35 =	vsel vm0, v1, v37;
	v15 =	vsel vm0, v28, v21;
	v18 =	vsel vm1, v26, v13  }
0x5c: {  	v26 =	vsel vm1, v13, v26;
	v28 =	vsel vm0, v21, v28;
	vm3 =	vgt.f32 v29, v20  }
0x5d: {  	vm1 =	vgt.f32 v35, v6;
	v13 =	vsel vm3, v20, v29;
	v60 =	vsel vm3, v22, v26  }
0x5e: {  	v21 =	vsel vm3, v29, v20;
	v20 =	vsel vm1, v6, v35;
	v39 =	vsel vm1, v11, v28  }
0x5f: {  	v22 =	vsel vm3, v26, v22;
	vm4 =	vgt.f32 v13, v23;
	vm3 =	vgt.f32 v20, v10  }
0x60: {  	v33 =	vsel vm4, v23, v13;
	v32 =	vsel vm4, v24, v60;
	v23 =	vsel vm4, v13, v23  }
0x61: {  	v13 =	vsel vm1, v28, v11;
	v24 =	vsel vm4, v60, v24;
	vm2 =	vgt.f32 v33, v31  }
0x62: {  	v11 =	vsel vm3, v20, v10;
	v10 =	vsel vm3, v10, v20;
	v48 =	vsel vm2, v31, v33  }
0x63: {  	v36 =	vsel vm3, v38, v39;
	vm4 =	vgt.f32 v10, v46;
	vm7 =	vgt.f32 v48, v12  }
0x64: {  	v49 =	vsel vm2, v4, v32;
	v63 =	vsel vm4, v46, v10;
	v61 =	vsel vm7, v12, v48  }
0x65: {  	v41 =	vsel vm4, v2, v36;
	v28 =	vsel vm4, v10, v46;
	vm8 =	vgt.f32 v61, v45  }
0x66: {  	vm5 =	vgt.f32 v63, v44;
	v50 =	vsel vm7, v14, v49;
	v26 =	vsel vm8, v45, v61  }
0x67: {  	v10 =	vsel vm5, v63, v44;
	v42 =	vsel vm5, v16, v41;
	vm9 =	vgt.f32 v26, v30  }
0x68: {  	v12 =	vsel vm7, v48, v12;
	v62 =	vsel vm8, v47, v50;
	v20 =	vsel vm9, v30, v26  }
0x69: {  	v14 =	vsel vm7, v49, v14;
	v51 =	vsel vm9, v59, v62;
	vm6 =	vgt.f32 v20, v25  }
0x6a: {  	v26 =	vsel vm9, v26, v30;
	v29 =	vsel vm6, v20, v25;
	v25 =	vsel vm5, v44, v63  }
0x6b: {  	v30 =	vsel vm6, v51, v27;
	v27 =	vsel vm9, v62, v59;
	vm6 =	vgt.f32 v25, v17  }
0x6c: {  	v20 =	vsel vm6, v25, v17;
	v40 =	vsel vm6, v17, v25;
	v17 =	vsel vm8, v61, v45  }
0x6d: {  	v34 =	vmovc v9;
	s22 =	simm.s32 $0x25B0;
	s21 =	simm.s32 $0x25A0;
	v25 =	vsel vm8, v50, v47;
	v43 =	vsel vm6, v8, v42;
	vm7 =	vgt.f32 v40, v9  }
.LBB2_5:
0x6e: {  	v44 =	vld [tilespmem:s22+$0xFFFFFFF0];
	p0 =	sne.s32 s21, $0x4AE0;
	v31 =	vsel vm2, v33, v31;
	v9 =	vsel vm7, v40, v9;
	v33 =	vsel vm7, v7, v43;
	v45 =	vmovc v15;
	s23 =	smov.u32 s21;
	s21 =	sadd.s32 $0x20, s21  }
0x6f: {  	v4 =	vsel vm2, v32, v4;
	v2 =	vsel vm4, v36, v2;
	v32 =	vsel vm7, v34, v40;
	v46 =	vld [tilespmem:s22+$0x0];
	v34 =	vmovc v9  }
0x70: {  	v16 =	vsel vm5, v41, v16;
	v8 =	vsel vm6, v42, v8;
	v36 =	vmovc v13;
	vm2 =	vgt.f32 v32, v5  }
0x71: {  	v6 =	vsel vm1, v35, v6;
	v7 =	vsel vm7, v43, v7;
	v40 =	vmovc v11;
	v5 =	vsel vm2, v32, v5  }
0x72: {  	v1 =	vsel vm0, v37, v1;
	v38 =	vsel vm3, v39, v38;
	s24 =	sadd.s32 $0x10, s23;
	v3 =	vsel vm2, v33, v3  }
0x73: {  	v32 =	vor.u32 s23, v0;
	v33 =	vor.u32 s24, v0;
	vm1 =	vgt.f32 v44, v19  }
0x74: {  	v39 =	vsel vm1, v19, v44;
	v19 =	vsel vm1, v44, v19;
	vm0 =	vgt.f32 v46, v1;
	v37 =	vmovc v46  }
0x75: {  	vm3 =	vgt.f32 v39, v21;
	v35 =	vsel vm0, v1, v37;
	v15 =	vsel vm0, v33, v15  }
0x76: {  	v41 =	vsel vm1, v18, v32;
	v18 =	vsel vm1, v32, v18;
	v42 =	vsel vm3, v21, v39  }
0x77: {  	v44 =	vsel vm0, v45, v33;
	v43 =	vsel vm3, v22, v41;
	vm4 =	vgt.f32 v42, v23  }
0x78: {  	v21 =	vsel vm3, v39, v21;
	v33 =	vsel vm4, v23, v42;
	v32 =	vsel vm4, v24, v43  }
0x79: {  	vm1 =	vgt.f32 v35, v6;
	v23 =	vsel vm4, v42, v23;
	vm2 =	vgt.f32 v33, v31  }
0x7a: {  	v13 =	vsel vm1, v44, v13;
	v45 =	vsel vm2, v31, v33;
	v46 =	vsel vm2, v4, v32  }
0x7b: {  	v24 =	vsel vm4, v43, v24;
	v42 =	vsel vm1, v6, v35;
	vm7 =	vgt.f32 v45, v12  }
0x7c: {  	v39 =	vsel vm1, v36, v44;
	v43 =	vsel vm7, v12, v45;
	v47 =	vsel vm7, v14, v46  }
0x7d: {  	v22 =	vsel vm3, v41, v22;
	vm3 =	vgt.f32 v42, v11;
	vm8 =	vgt.f32 v43, v17  }
0x7e: {  	v11 =	vsel vm3, v42, v11;
	v44 =	vsel vm8, v17, v43;
	v48 =	vsel vm8, v25, v47  }
0x7f: {  	v40 =	vsel vm3, v40, v42;
	v36 =	vsel vm3, v38, v39;
	vm9 =	vgt.f32 v44, v26  }
0x80: {  	vm4 =	vgt.f32 v40, v28;
	v42 =	vsel vm9, v26, v44;
	v49 =	vsel vm9, v27, v48  }
0x81: {  	v50 =	vsel vm4, v28, v40;
	v41 =	vsel vm4, v2, v36;
	vm6 =	vgt.f32 v42, v29  }
0x82: {  	v28 =	vsel vm4, v40, v28;
	vm5 =	vgt.f32 v50, v10;
	v29 =	vsel vm6, v42, v29  }
.Ltmp2:
0x83: {  	v51 =	vsel vm5, v10, v50;
	v10 =	vsel vm5, v50, v10;
	v42 =	vsel vm5, v16, v41;
	(pc) =	sbr.rel @p0 .LBB2_5-.Ltmp2, $4  }
0x84: {  	v26 =	vsel vm9, v44, v26;
	v30 =	vsel vm6, v49, v30;
	vm6 =	vgt.f32 v51, v20  }
0x85: {  	v27 =	vsel vm9, v48, v27;
	v40 =	vsel vm6, v20, v51;
	v20 =	vsel vm6, v51, v20  }
0x86: {  	v17 =	vsel vm8, v43, v17;
	v25 =	vsel vm8, v47, v25;
	v43 =	vsel vm6, v8, v42  }
0x87: {  	s22 =	sadd.s32 $0x20, s22;
	v12 =	vsel vm7, v45, v12;
	v14 =	vsel vm7, v46, v14;
	vm7 =	vgt.f32 v40, v9  }
0x88: {  	_ =	swait.ge [sflag:s15], $0x2580  }
0x89: {  	[sflag:s15] =	ssyncset.done $0x0  }
0x8a: {  	s21 =	simm.s32 $0x4B10;
	[sflag:s15] =	ssyncadd.s32 $0xFFFFDA80  }
0x8b: {  	v31 =	vsel vm2, v33, v31;
	v9 =	vsel vm7, v40, v9;
	v44 =	vsel vm7, v7, v43;
	v45 =	vld [tilespmem:s21+$0xFFFFFFF0]  }
0x8c: {  	v32 =	vsel vm2, v32, v4;
	v33 =	vsel vm4, v36, v2;
	v2 =	vsel vm7, v34, v40;
	v40 =	vld [tilespmem:s21+$0x0]  }
0x8d: {  	v16 =	vsel vm5, v41, v16;
	v34 =	vsel vm6, v42, v8;
	v36 =	vsel vm1, v35, v6  }
0x8e: {  	v7 =	vsel vm7, v43, v7;
	v37 =	vsel vm0, v37, v1;
	vm2 =	vgt.f32 v2, v5  }
0x8f: {  	v38 =	vsel vm3, v39, v38;
	s31 =	simm.s32 $0x4B00;
	s22 =	simm.s32 $0x4B10;
	v35 =	vsel vm2, v2, v5;
	v39 =	vsel vm2, v44, v3  }
0x90: {  	v2 =	vor.u32 s31, v0;
	v3 =	vor.u32 s22, v0;
	vm1 =	vgt.f32 v45, v19  }
0x91: {  	vm0 =	vgt.f32 v40, v37;
	v4 =	vsel vm1, v45, v19;
	v6 =	vsel vm1, v19, v45  }
0x92: {  	v43 =	vsel vm0, v37, v40;
	v1 =	vsel vm0, v3, v15;
	v5 =	vsel vm1, v2, v18  }
0x93: {  	v8 =	vsel vm1, v18, v2;
	v3 =	vsel vm0, v15, v3;
	vm3 =	vgt.f32 v6, v21  }
0x94: {  	vm1 =	vgt.f32 v43, v36;
	v2 =	vsel vm3, v21, v6;
	v18 =	vsel vm3, v22, v8  }
0x95: {  	v15 =	vsel vm3, v6, v21;
	v6 =	vsel vm1, v36, v43;
	vm4 =	vgt.f32 v2, v23  }
0x96: {  	v42 =	vsel vm4, v23, v2;
	v41 =	vsel vm4, v24, v18;
	v19 =	vsel vm4, v2, v23  }
0x97: {  	v2 =	vsel vm1, v3, v13;
	v21 =	vsel vm4, v18, v24;
	v13 =	vsel vm1, v13, v3  }
0x98: {  	v18 =	vsel vm3, v8, v22;
	vm3 =	vgt.f32 v6, v11;
	vm2 =	vgt.f32 v42, v31  }
0x99: {  	v3 =	vsel vm3, v6, v11;
	v6 =	vsel vm3, v11, v6;
	v48 =	vsel vm2, v31, v42  }
0x9a: {  	v44 =	vsel vm3, v38, v13;
	vm4 =	vgt.f32 v6, v28;
	vm7 =	vgt.f32 v48, v12  }
0x9b: {  	v49 =	vsel vm2, v32, v41;
	v22 =	vsel vm4, v28, v6;
	v46 =	vsel vm7, v12, v48  }
0x9c: {  	v45 =	vsel vm4, v33, v44;
	v24 =	vsel vm4, v6, v28;
	vm8 =	vgt.f32 v46, v17  }
0x9d: {  	v50 =	vsel vm7, v14, v49;
	vm5 =	vgt.f32 v22, v10;
	v8 =	vsel vm8, v17, v46  }
0x9e: {  	v6 =	vsel vm5, v22, v10;
	v10 =	vsel vm5, v10, v22;
	vm9 =	vgt.f32 v8, v26  }
0x9f: {  	v28 =	vsel vm5, v16, v45;
	v23 =	vsel vm8, v25, v50;
	v11 =	vsel vm9, v26, v8  }
0xa0: {  	v47 =	vsel vm9, v27, v23;
	v22 =	vsel vm9, v8, v26;
	vm6 =	vgt.f32 v11, v29  }
0xa1: {  	v29 =	vsel vm6, v11, v29;
	v26 =	vsel vm6, v47, v30;
	vm6 =	vgt.f32 v10, v20  }
0xa2: {  	v17 =	vsel vm8, v46, v17;
	v23 =	vsel vm9, v23, v27;
	v8 =	vsel vm6, v10, v20  }
0xa3: {  	v47 =	vsel vm6, v20, v10;
	v20 =	vsel vm8, v50, v25;
	v46 =	vsel vm6, v34, v28  }
0xa4: {  	s22 =	simm.s32 $0x4B30;
	s21 =	simm.s32 $0x4B20;
	v10 =	vsel vm7, v48, v12;
	v12 =	vsel vm7, v49, v14;
	v11 =	vmovc v9;
	vm7 =	vgt.f32 v47, v9  }
.LBB2_7:
0xa5: {  	v14 =	vld [tilespmem:s22+$0xFFFFFFF0];
	p0 =	sne.s32 s21, $0x7060;
	v31 =	vsel vm2, v42, v31;
	v9 =	vsel vm7, v47, v9;
	v25 =	vsel vm7, v7, v46;
	v27 =	vmovc v1;
	s23 =	smov.u32 s21;
	s21 =	sadd.s32 $0x20, s21  }
0xa6: {  	v32 =	vsel vm2, v41, v32;
	v33 =	vsel vm4, v44, v33;
	v41 =	vsel vm7, v11, v47;
	v30 =	vld [tilespmem:s22+$0x0];
	v11 =	vmovc v9  }
0xa7: {  	v16 =	vsel vm5, v45, v16;
	v34 =	vsel vm6, v28, v34;
	v28 =	vmovc v2;
	vm2 =	vgt.f32 v41, v35  }
0xa8: {  	v36 =	vsel vm1, v43, v36;
	v7 =	vsel vm7, v46, v7;
	v44 =	vmovc v3;
	v35 =	vsel vm2, v41, v35  }
0xa9: {  	v37 =	vsel vm0, v40, v37;
	v38 =	vsel vm3, v13, v38;
	s24 =	sadd.s32 $0x10, s23;
	v39 =	vsel vm2, v25, v39  }
0xaa: {  	v13 =	vor.u32 s23, v0;
	v25 =	vor.u32 s24, v0;
	vm1 =	vgt.f32 v14, v4  }
0xab: {  	v41 =	vsel vm1, v4, v14;
	v4 =	vsel vm1, v14, v4;
	vm0 =	vgt.f32 v30, v37;
	v40 =	vmovc v30  }
0xac: {  	vm3 =	vgt.f32 v41, v15;
	v43 =	vsel vm0, v37, v40;
	v1 =	vsel vm0, v25, v1  }
0xad: {  	v14 =	vsel vm1, v5, v13;
	v5 =	vsel vm1, v13, v5;
	v13 =	vsel vm3, v15, v41  }
0xae: {  	v25 =	vsel vm0, v27, v25;
	v30 =	vsel vm3, v18, v14;
	vm4 =	vgt.f32 v13, v19  }
0xaf: {  	v15 =	vsel vm3, v41, v15;
	v42 =	vsel vm4, v19, v13;
	v41 =	vsel vm4, v21, v30  }
0xb0: {  	vm1 =	vgt.f32 v43, v36;
	v19 =	vsel vm4, v13, v19;
	vm2 =	vgt.f32 v42, v31  }
0xb1: {  	v2 =	vsel vm1, v25, v2;
	v27 =	vsel vm2, v31, v42;
	v48 =	vsel vm2, v32, v41  }
0xb2: {  	v21 =	vsel vm4, v30, v21;
	v30 =	vsel vm1, v36, v43;
	vm7 =	vgt.f32 v27, v10  }
0xb3: {  	v13 =	vsel vm1, v28, v25;
	v46 =	vsel vm7, v10, v27;
	v49 =	vsel vm7, v12, v48  }
0xb4: {  	v18 =	vsel vm3, v14, v18;
	vm3 =	vgt.f32 v30, v3;
	vm8 =	vgt.f32 v46, v17  }
0xb5: {  	v3 =	vsel vm3, v30, v3;
	v14 =	vsel vm8, v17, v46;
	v25 =	vsel vm8, v20, v49  }
0xb6: {  	v28 =	vsel vm3, v44, v30;
	v44 =	vsel vm3, v38, v13;
	vm9 =	vgt.f32 v14, v22  }
0xb7: {  	vm4 =	vgt.f32 v28, v24;
	v30 =	vsel vm9, v22, v14;
	v47 =	vsel vm9, v23, v25  }
0xb8: {  	v50 =	vsel vm4, v24, v28;
	v45 =	vsel vm4, v33, v44;
	vm6 =	vgt.f32 v30, v29  }
0xb9: {  	v24 =	vsel vm4, v28, v24;
	vm5 =	vgt.f32 v50, v6;
	v29 =	vsel vm6, v30, v29  }
.Ltmp3:
0xba: {  	v28 =	vsel vm5, v16, v45;
	v30 =	vsel vm5, v6, v50;
	v6 =	vsel vm5, v50, v6;
	(pc) =	sbr.rel @p0 .LBB2_7-.Ltmp3, $4  }
0xbb: {  	v22 =	vsel vm9, v14, v22;
	v26 =	vsel vm6, v47, v26;
	vm6 =	vgt.f32 v30, v8  }
0xbc: {  	v23 =	vsel vm9, v25, v23;
	v47 =	vsel vm6, v8, v30;
	v8 =	vsel vm6, v30, v8  }
0xbd: {  	v17 =	vsel vm8, v46, v17;
	v20 =	vsel vm8, v49, v20;
	v46 =	vsel vm6, v34, v28  }
0xbe: {  	s22 =	sadd.s32 $0x20, s22;
	v10 =	vsel vm7, v27, v10;
	v12 =	vsel vm7, v48, v12;
	vm7 =	vgt.f32 v47, v9  }
0xbf: {  	_ =	swait.ge [sflag:s16], $0x2590  }
0xc0: {  	[sflag:s16] =	ssyncset.done $0x0  }
0xc1: {  	s21 =	simm.s32 $0x7090;
	[sflag:s16] =	ssyncadd.s32 $0xFFFFDA70  }
0xc2: {  	v25 =	vsel vm2, v42, v31;
	v27 =	vsel vm7, v47, v9;
	v9 =	vsel vm7, v7, v46;
	v14 =	vld [tilespmem:s21+$0xFFFFFFF0]  }
0xc3: {  	v41 =	vsel vm2, v41, v32;
	v30 =	vsel vm4, v44, v33;
	v11 =	vsel vm7, v11, v47;
	v42 =	vld [tilespmem:s21+$0x0]  }
0xc4: {  	v33 =	vsel vm5, v45, v16;
	v34 =	vsel vm6, v28, v34;
	v36 =	vsel vm1, v43, v36  }
0xc5: {  	v32 =	vsel vm7, v46, v7;
	v16 =	vsel vm0, v40, v37;
	s31 =	simm.s32 $0x7080;
	vm2 =	vgt.f32 v11, v35  }
0xc6: {  	v31 =	vsel vm3, v13, v38;
	s22 =	simm.s32 $0x7090;
	v7 =	vor.u32 s31, v0;
	v35 =	vsel vm2, v11, v35  }
0xc7: {  	v28 =	vsel vm2, v9, v39;
	v9 =	vor.u32 s22, v0;
	vm1 =	vgt.f32 v14, v4  }
0xc8: {  	vm0 =	vgt.f32 v42, v16;
	v37 =	vsel vm1, v14, v4;
	v4 =	vsel vm1, v4, v14  }
0xc9: {  	v44 =	vsel vm0, v16, v42;
	v13 =	vsel vm0, v9, v1;
	v38 =	vsel vm1, v7, v5  }
0xca: {  	v7 =	vsel vm1, v5, v7;
	v1 =	vsel vm0, v1, v9;
	vm3 =	vgt.f32 v4, v15  }
0xcb: {  	vm1 =	vgt.f32 v44, v36;
	v11 =	vsel vm3, v15, v4;
	v14 =	vsel vm3, v18, v7  }
0xcc: {  	v40 =	vsel vm3, v4, v15;
	v4 =	vsel vm1, v36, v44;
	vm4 =	vgt.f32 v11, v19  }
0xcd: {  	v45 =	vsel vm1, v2, v1;
	v43 =	vsel vm3, v7, v18;
	v5 =	vsel vm4, v19, v11  }
0xce: {  	vm3 =	vgt.f32 v4, v3;
	v46 =	vsel vm4, v21, v14;
	vm2 =	vgt.f32 v5, v25  }
0xcf: {  	v39 =	vsel vm4, v11, v19;
	v11 =	vsel vm1, v1, v2;
	v48 =	vsel vm2, v25, v5  }
0xd0: {  	v21 =	vsel vm4, v14, v21;
	v9 =	vsel vm3, v4, v3;
	vm7 =	vgt.f32 v48, v10  }
0xd1: {  	v4 =	vsel vm3, v3, v4;
	v3 =	vsel vm3, v31, v45;
	v50 =	vsel vm7, v10, v48  }
0xd2: {  	vm4 =	vgt.f32 v4, v24;
	v49 =	vsel vm2, v41, v46;
	vm8 =	vgt.f32 v50, v17  }
0xd3: {  	v18 =	vsel vm4, v24, v4;
	v51 =	vsel vm7, v12, v49;
	v1 =	vsel vm8, v17, v50  }
0xd4: {  	v47 =	vsel vm4, v30, v3;
	v2 =	vsel vm8, v20, v51;
	vm9 =	vgt.f32 v1, v22  }
0xd5: {  	vm5 =	vgt.f32 v18, v6;
	v7 =	vsel vm9, v22, v1;
	v15 =	vsel vm9, v23, v2  }
0xd6: {  	v19 =	vsel vm9, v1, v22;
	v22 =	vsel vm8, v50, v17;
	vm6 =	vgt.f32 v7, v29  }
0xd7: {  	v17 =	vsel vm8, v51, v20;
	v20 =	vsel vm7, v49, v12;
	v14 =	vsel vm6, v7, v29  }
0xd8: {  	v7 =	vsel vm4, v4, v24;
	v4 =	vsel vm5, v18, v6;
	v24 =	vsel vm5, v6, v18  }
0xd9: {  	v6 =	vsel vm5, v33, v47;
	v15 =	vsel vm6, v15, v26;
	vm6 =	vgt.f32 v24, v8  }
0xda: {  	v18 =	vsel vm9, v2, v23;
	v1 =	vsel vm6, v24, v8;
	v8 =	vsel vm6, v8, v24  }
0xdb: {  	s22 =	simm.s32 $0x70B0;
	s21 =	simm.s32 $0x70A0;
	v23 =	vsel vm7, v48, v10;
	v2 =	vmovc v27;
	v26 =	vsel vm6, v34, v6;
	vm7 =	vgt.f32 v8, v27  }
.LBB2_9:
0xdc: {  	v10 =	vld [tilespmem:s22+$0xFFFFFFF0];
	p0 =	sne.s32 s21, $0x95E0;
	v25 =	vsel vm2, v5, v25;
	v27 =	vsel vm7, v8, v27;
	v5 =	vsel vm7, v32, v26;
	v12 =	vmovc v13;
	s23 =	smov.u32 s21;
	s21 =	sadd.s32 $0x20, s21  }
0xdd: {  	v41 =	vsel vm2, v46, v41;
	v30 =	vsel vm4, v3, v30;
	v8 =	vsel vm7, v2, v8;
	v24 =	vld [tilespmem:s22+$0x0];
	v2 =	vmovc v27  }
0xde: {  	v33 =	vsel vm5, v47, v33;
	v34 =	vsel vm6, v6, v34;
	v6 =	vmovc v11;
	vm2 =	vgt.f32 v8, v35  }
0xdf: {  	v36 =	vsel vm1, v44, v36;
	v32 =	vsel vm7, v26, v32;
	v3 =	vmovc v9;
	v35 =	vsel vm2, v8, v35  }
0xe0: {  	v16 =	vsel vm0, v42, v16;
	v31 =	vsel vm3, v45, v31;
	s24 =	sadd.s32 $0x10, s23;
	v28 =	vsel vm2, v5, v28  }
0xe1: {  	v5 =	vor.u32 s23, v0;
	v8 =	vor.u32 s24, v0;
	vm1 =	vgt.f32 v10, v37  }
0xe2: {  	v26 =	vsel vm1, v37, v10;
	v37 =	vsel vm1, v10, v37;
	vm0 =	vgt.f32 v24, v16;
	v42 =	vmovc v24  }
0xe3: {  	vm3 =	vgt.f32 v26, v40;
	v44 =	vsel vm0, v16, v42;
	v13 =	vsel vm0, v8, v13  }
0xe4: {  	v10 =	vsel vm1, v38, v5;
	v38 =	vsel vm1, v5, v38;
	v24 =	vsel vm3, v40, v26  }
0xe5: {  	v8 =	vsel vm0, v12, v8;
	v29 =	vsel vm3, v43, v10;
	vm4 =	vgt.f32 v24, v39  }
0xe6: {  	v40 =	vsel vm3, v26, v40;
	v5 =	vsel vm4, v39, v24;
	v46 =	vsel vm4, v21, v29  }
0xe7: {  	vm1 =	vgt.f32 v44, v36;
	v39 =	vsel vm4, v24, v39;
	vm2 =	vgt.f32 v5, v25  }
0xe8: {  	v11 =	vsel vm1, v8, v11;
	v12 =	vsel vm2, v25, v5;
	v24 =	vsel vm2, v41, v46  }
0xe9: {  	v26 =	vsel vm1, v36, v44;
	v21 =	vsel vm4, v29, v21;
	vm7 =	vgt.f32 v12, v23  }
0xea: {  	v45 =	vsel vm1, v6, v8;
	v29 =	vsel vm7, v23, v12;
	v48 =	vsel vm7, v20, v24  }
0xeb: {  	v43 =	vsel vm3, v10, v43;
	vm3 =	vgt.f32 v26, v9;
	vm8 =	vgt.f32 v29, v22  }
0xec: {  	v9 =	vsel vm3, v26, v9;
	v8 =	vsel vm8, v22, v29;
	v10 =	vsel vm8, v17, v48  }
0xed: {  	v6 =	vsel vm3, v3, v26;
	v3 =	vsel vm3, v31, v45;
	vm9 =	vgt.f32 v8, v19  }
0xee: {  	vm4 =	vgt.f32 v6, v7;
	v26 =	vsel vm9, v19, v8;
	v49 =	vsel vm9, v18, v10  }
0xef: {  	v50 =	vsel vm4, v7, v6;
	v47 =	vsel vm4, v30, v3;
	vm6 =	vgt.f32 v26, v14  }
0xf0: {  	v7 =	vsel vm4, v6, v7;
	vm5 =	vgt.f32 v50, v4;
	v14 =	vsel vm6, v26, v14  }
.Ltmp4:
0xf1: {  	v6 =	vsel vm5, v33, v47;
	v26 =	vsel vm5, v4, v50;
	v4 =	vsel vm5, v50, v4;
	(pc) =	sbr.rel @p0 .LBB2_9-.Ltmp4, $4  }
0xf2: {  	v19 =	vsel vm9, v8, v19;
	v15 =	vsel vm6, v49, v15;
	vm6 =	vgt.f32 v26, v1  }
0xf3: {  	v18 =	vsel vm9, v10, v18;
	v8 =	vsel vm6, v1, v26;
	v1 =	vsel vm6, v26, v1  }
0xf4: {  	v22 =	vsel vm8, v29, v22;
	v17 =	vsel vm8, v48, v17;
	v26 =	vsel vm6, v34, v6  }
0xf5: {  	s22 =	sadd.s32 $0x20, s22;
	v23 =	vsel vm7, v12, v23;
	v20 =	vsel vm7, v24, v20;
	vm7 =	vgt.f32 v8, v27  }
0xf6: {  	v29 =	vld [tilespmem:$0x9600];
	v25 =	vsel vm2, v5, v25  }
0xf7: {  	v5 =	vsel vm7, v8, v27;
	v62 =	vsel vm2, v46, v41;
	v63 =	vsel vm7, v32, v26  }
0xf8: {  	v12 =	vsel vm4, v3, v30;
	v2 =	vsel vm7, v2, v8;
	v10 =	vsel vm5, v47, v33  }
0xf9: {  	v8 =	vsel vm6, v6, v34;
	v24 =	vsel vm1, v44, v36;
	v6 =	vsel vm7, v26, v32  }
0xfa: {  	v26 =	vsel vm0, v42, v16;
	v16 =	vsel vm3, v45, v31;
	vm9 =	vgt.f32 v2, v35  }
0xfb: {  	v45 =	vor.u32 $0x9600, v0;
	v2 =	vsel vm9, v2, v35;
	vm10 =	vgt.f32 v29, v37  }
0xfc: {  	v3 =	vsel vm9, v63, v28;
	v44 =	vsel vm10, v37, v29;
	v29 =	vsel vm10, v29, v37  }
0xfd: {  	v46 =	vsel vm10, v45, v38;
	v28 =	vsel vm10, v38, v45;
	vm11 =	vgt.f32 v44, v40  }
0xfe: {  	vm15 =	veq.f32 v26, v29;
	vm6 =	vlt.s32 v13, v46;
	vm7 =	vgt.f32 v26, v29  }
0xff: {  	v47 =	vsel vm11, v40, v44;
	v30 =	vsel vm11, v44, v40;
	v33 =	vsel vm11, v28, v43  }
0x100: {  	v28 =	vsel vm11, v43, v28;
	vm1 =	vmand vm15, vm6;
	vm12 =	vgt.f32 v47, v39  }
0x101: {  	vm0 =	vmor vm7, vm1;
	v48 =	vsel vm12, v39, v47;
	v32 =	vsel vm12, v47, v39  }
0x102: {  	v35 =	vsel vm12, v28, v21;
	v49 =	vsel vm12, v21, v28;
	v53 =	vsel vm0, v29, v26  }
0x103: {  	v54 =	vsel vm0, v46, v13;
	v43 =	vsel vm0, v26, v29;
	v44 =	vsel vm0, v13, v46  }
0x104: {  	vm13 =	vgt.f32 v48, v25;
	vm9 =	veq.f32 v53, v30;
	vm10 =	vlt.s32 v54, v33  }
0x105: {  	vm11 =	vgt.f32 v53, v30;
	v28 =	vsel vm13, v48, v25;
	v25 =	vsel vm13, v25, v48  }
0x106: {  	v50 =	vsel vm13, v49, v62;
	vm2 =	vmand vm9, vm10;
	vm14 =	vgt.f32 v25, v23  }
0x107: {  	v21 =	vsel vm13, v62, v49;
	vm1 =	vmor vm11, vm2;
	v27 =	vsel vm14, v25, v23  }
0x108: {  	v51 =	vsel vm14, v23, v25;
	v25 =	vsel vm14, v21, v20;
	v52 =	vsel vm14, v20, v21  }
0x109: {  	v59 =	vsel vm1, v30, v53;
	v60 =	vsel vm1, v33, v54;
	v45 =	vsel vm1, v53, v30  }
0x10a: {  	v48 =	vsel vm1, v54, v33;
	vm8 =	vgt.f32 v51, v22;
	vm13 =	veq.f32 v59, v32  }
0x10b: {  	vm14 =	vlt.s32 v60, v35;
	vm15 =	vgt.f32 v59, v32;
	v55 =	vsel vm8, v51, v22  }
0x10c: {  	v56 =	vsel vm8, v22, v51;
	v57 =	vsel vm8, v52, v17;
	vm3 =	vmand vm13, vm14  }
0x10d: {  	v58 =	vsel vm8, v17, v52;
	vm12 =	vgt.f32 v56, v19;
	vm2 =	vmor vm15, vm3  }
0x10e: {  	v39 =	vsel vm12, v56, v19;
	v62 =	vsel vm2, v32, v59;
	v63 =	vsel vm2, v35, v60  }
0x10f: {  	v61 =	vsel vm12, v19, v56;
	vm9 =	veq.f32 v62, v28;
	vm10 =	vlt.s32 v63, v50  }
0x110: {  	v22 =	vsel vm12, v58, v18;
	vm11 =	vgt.f32 v62, v28;
	vm4 =	vmand vm9, vm10  }
0x111: {  	v17 =	vsel vm12, v18, v58;
	v20 =	vsel vm2, v59, v32;
	vm12 =	vmor vm11, vm4  }
0x112: {  	v49 =	vsel vm2, v60, v35;
	v46 =	vsel vm12, v28, v62;
	v47 =	vsel vm12, v50, v63  }
0x113: {  	vm8 =	vgt.f32 v61, v14;
	vm13 =	veq.f32 v46, v27;
	vm14 =	vlt.s32 v47, v25  }
0x114: {  	v14 =	vsel vm8, v61, v14;
	vm15 =	vgt.f32 v46, v27;
	vm1 =	vmand vm13, vm14  }
0x115: {  	v15 =	vsel vm8, v17, v15;
	vm8 =	veq.f32 v24, v43;
	vm1 =	vmor vm15, vm1  }
0x116: {  	vm9 =	vlt.s32 v11, v44;
	v51 =	vsel vm1, v27, v46;
	v52 =	vsel vm1, v25, v47  }
0x117: {  	vm10 =	vgt.f32 v24, v43;
	vm5 =	veq.f32 v51, v55;
	vm6 =	vlt.s32 v52, v57  }
0x118: {  	v18 =	vsel vm12, v62, v28;
	vm7 =	vgt.f32 v51, v55;
	vm0 =	vmand vm5, vm6  }
0x119: {  	v21 =	vsel vm1, v46, v27;
	v25 =	vsel vm1, v47, v25;
	vm1 =	vmor vm7, vm0  }
0x11a: {  	v50 =	vsel vm12, v63, v50;
	vm0 =	vmand vm8, vm9;
	v53 =	vsel vm1, v51, v55  }
0x11b: {  	v54 =	vsel vm1, v55, v51;
	v55 =	vsel vm1, v52, v57;
	vm0 =	vmor vm10, vm0  }
0x11c: {  	v23 =	vsel vm1, v57, v52;
	v56 =	vsel vm0, v43, v24;
	v57 =	vsel vm0, v44, v11  }
0x11d: {  	vm11 =	veq.f32 v54, v39;
	vm14 =	vlt.s32 v23, v22;
	vm8 =	vgt.f32 v54, v39  }
0x11e: {  	v17 =	vsel vm0, v24, v43;
	vm12 =	veq.f32 v56, v45;
	vm13 =	vlt.s32 v57, v48  }
0x11f: {  	vm15 =	vgt.f32 v56, v45;
	vm4 =	vmand vm11, vm14;
	vm2 =	vmand vm12, vm13  }
0x120: {  	v42 =	vsel vm0, v11, v44;
	vm1 =	vmor vm15, vm2;
	vm2 =	vmor vm8, vm4  }
0x121: {  	v58 =	vsel vm1, v45, v56;
	v59 =	vsel vm1, v48, v57;
	v60 =	vsel vm2, v54, v39  }
0x122: {  	v27 =	vsel vm2, v39, v54;
	v61 =	vsel vm2, v22, v23;
	v22 =	vsel vm2, v23, v22  }
0x123: {  	v43 =	vsel vm1, v56, v45;
	vm9 =	veq.f32 v58, v20;
	vm10 =	vlt.s32 v59, v49  }
0x124: {  	vm11 =	vgt.f32 v58, v20;
	vm12 =	veq.f32 v27, v14;
	vm13 =	vlt.s32 v61, v15  }
0x125: {  	vm3 =	vmand vm9, vm10;
	vm4 =	vmand vm12, vm13;
	vm9 =	vgt.f32 v27, v14  }
0x126: {  	v44 =	vsel vm1, v57, v48;
	vm3 =	vmor vm11, vm3;
	vm11 =	vmor vm9, vm4  }
0x127: {  	v62 =	vsel vm3, v20, v58;
	v63 =	vsel vm3, v49, v59;
	v14 =	vsel vm11, v27, v14  }
0x128: {  	v15 =	vsel vm11, v61, v15;
	vm14 =	veq.f32 v62, v18;
	vm15 =	vlt.s32 v63, v50  }
0x129: {  	v20 =	vsel vm3, v58, v20;
	vm10 =	vgt.f32 v62, v18;
	vm5 =	vmand vm14, vm15  }
0x12a: {  	v30 =	vsel vm3, v59, v49;
	vm11 =	veq.f32 v9, v17;
	vm12 =	vmor vm10, vm5  }
0x12b: {  	v40 =	vsel vm12, v18, v62;
	v41 =	vsel vm12, v50, v63;
	v18 =	vsel vm12, v62, v18  }
0x12c: {  	v28 =	vsel vm12, v63, v50;
	vm13 =	veq.f32 v40, v21;
	vm14 =	vlt.s32 v41, v25  }
0x12d: {  	vm12 =	vlt.s32 v16, v42;
	vm15 =	vgt.f32 v40, v21;
	vm2 =	vmand vm13, vm14  }
0x12e: {  	vm0 =	vmand vm11, vm12;
	vm13 =	vgt.f32 v9, v17;
	vm7 =	vmor vm15, vm2  }
0x12f: {  	vm0 =	vmor vm13, vm0;
	v45 =	vsel vm7, v21, v40;
	v46 =	vsel vm7, v25, v41  }
0x130: {  	v21 =	vsel vm7, v40, v21;
	v47 =	vsel vm7, v41, v25;
	v50 =	vsel vm0, v17, v9  }
0x131: {  	v51 =	vsel vm0, v42, v16;
	v58 =	vsel vm0, v9, v17;
	v11 =	vsel vm0, v16, v42  }
0x132: {  	vm8 =	veq.f32 v45, v53;
	vm9 =	vlt.s32 v46, v55;
	vm10 =	vgt.f32 v45, v53  }
0x133: {  	vm1 =	vmand vm8, vm9;
	vm8 =	veq.f32 v50, v43;
	vm9 =	vlt.s32 v51, v44  }
0x134: {  	vm1 =	vmor vm10, vm1;
	vm10 =	vgt.f32 v50, v43;
	vm4 =	vmand vm8, vm9  }
0x135: {  	v48 =	vsel vm1, v45, v53;
	v24 =	vsel vm1, v53, v45;
	v49 =	vsel vm1, v55, v46  }
0x136: {  	v29 =	vsel vm1, v46, v55;
	vm1 =	vmor vm10, vm4;
	vm14 =	vgt.f32 v24, v60  }
0x137: {  	vm15 =	veq.f32 v24, v60;
	vm7 =	vlt.s32 v49, v22;
	v53 =	vsel vm1, v43, v50  }
0x138: {  	v54 =	vsel vm1, v44, v51;
	v13 =	vsel vm1, v50, v43;
	v61 =	vsel vm1, v51, v44  }
0x139: {  	vm3 =	vmand vm15, vm7;
	vm11 =	veq.f32 v53, v20;
	vm12 =	vlt.s32 v54, v30  }
0x13a: {  	vm13 =	vgt.f32 v53, v20;
	vm2 =	vmor vm14, vm3;
	vm3 =	vmand vm11, vm12  }
0x13b: {  	v52 =	vsel vm2, v24, v60;
	v24 =	vsel vm2, v60, v24;
	v55 =	vsel vm2, v49, v22  }
0x13c: {  	v22 =	vsel vm2, v22, v49;
	vm2 =	vmor vm13, vm3;
	vm14 =	vgt.f32 v24, v14  }
0x13d: {  	vm15 =	veq.f32 v24, v14;
	vm8 =	vlt.s32 v22, v15;
	v56 =	vsel vm2, v20, v53  }
0x13e: {  	v57 =	vsel vm2, v30, v54;
	v62 =	vsel vm2, v53, v20;
	v63 =	vsel vm2, v54, v30  }
0x13f: {  	vm3 =	vmand vm15, vm8;
	vm9 =	veq.f32 v56, v18;
	vm10 =	vlt.s32 v57, v28  }
0x140: {  	vm11 =	vgt.f32 v56, v18;
	vm3 =	vmor vm14, vm3;
	vm5 =	vmand vm9, vm10  }
0x141: {  	vm10 =	veq.f32 v7, v58;
	v14 =	vsel vm3, v24, v14;
	vm12 =	vmor vm11, vm5  }
0x142: {  	v15 =	vsel vm3, v22, v15;
	v59 =	vsel vm12, v18, v56;
	v60 =	vsel vm12, v28, v57  }
0x143: {  	vm11 =	vlt.s32 v12, v11;
	vm13 =	veq.f32 v59, v21;
	vm14 =	vlt.s32 v60, v47  }
0x144: {  	v18 =	vsel vm12, v56, v18;
	vm15 =	vgt.f32 v59, v21;
	vm0 =	vmand vm13, vm14  }
0x145: {  	v36 =	vsel vm12, v57, v28;
	vm13 =	vgt.f32 v7, v58;
	vm0 =	vmor vm15, vm0  }
0x146: {  	v33 =	vsel vm0, v21, v59;
	v34 =	vsel vm0, v47, v60;
	v17 =	vsel vm0, v59, v21  }
0x147: {  	v37 =	vsel vm0, v60, v47;
	vm0 =	vmand vm10, vm11;
	vm6 =	veq.f32 v33, v48  }
0x148: {  	vm7 =	vlt.s32 v34, v29;
	vm8 =	vgt.f32 v33, v48;
	vm0 =	vmor vm13, vm0  }
0x149: {  	vm1 =	vmand vm6, vm7;
	v42 =	vsel vm0, v58, v7;
	v43 =	vsel vm0, v11, v12  }
0x14a: {  	v47 =	vsel vm0, v7, v58;
	vm9 =	vmor vm8, vm1;
	vm8 =	veq.f32 v42, v13  }
0x14b: {  	vm10 =	vgt.f32 v42, v13;
	v38 =	vsel vm9, v33, v48;
	v39 =	vsel vm9, v48, v33  }
0x14c: {  	v40 =	vsel vm9, v34, v29;
	v41 =	vsel vm9, v29, v34;
	vm9 =	vlt.s32 v43, v61  }
0x14d: {  	vm14 =	veq.f32 v39, v52;
	vm15 =	vlt.s32 v41, v55;
	vm2 =	vmand vm8, vm9  }
0x14e: {  	vm12 =	vgt.f32 v39, v52;
	vm1 =	vmand vm14, vm15;
	vm2 =	vmor vm10, vm2  }
0x14f: {  	v48 =	vsel vm0, v12, v11;
	vm1 =	vmor vm12, vm1;
	v46 =	vsel vm2, v13, v42  }
0x150: {  	v32 =	vsel vm2, v61, v43;
	v49 =	vsel vm2, v42, v13;
	v44 =	vsel vm1, v39, v52  }
0x151: {  	v23 =	vsel vm1, v52, v39;
	vm12 =	veq.f32 v46, v62;
	vm13 =	vlt.s32 v32, v63  }
0x152: {  	v45 =	vsel vm1, v41, v55;
	vm15 =	vgt.f32 v46, v62;
	vm3 =	vmand vm12, vm13  }
0x153: {  	v25 =	vsel vm1, v55, v41;
	vm11 =	veq.f32 v23, v14;
	vm3 =	vmor vm15, vm3  }
0x154: {  	vm14 =	vlt.s32 v25, v15;
	v33 =	vsel vm3, v62, v46;
	v34 =	vsel vm3, v63, v32  }
0x155: {  	vm8 =	vgt.f32 v23, v14;
	vm9 =	veq.f32 v33, v18;
	vm10 =	vlt.s32 v34, v36  }
0x156: {  	vm1 =	vmand vm11, vm14;
	vm11 =	vgt.f32 v33, v18;
	vm4 =	vmand vm9, vm10  }
0x157: {  	v16 =	vsel vm2, v43, v61;
	vm1 =	vmor vm8, vm1;
	vm12 =	vmor vm11, vm4  }
0x158: {  	v19 =	vsel vm3, v46, v62;
	v50 =	vsel vm12, v18, v33;
	v51 =	vsel vm12, v36, v34  }
0x159: {  	v14 =	vsel vm1, v23, v14;
	vm13 =	veq.f32 v50, v17;
	vm14 =	vlt.s32 v51, v37  }
0x15a: {  	v15 =	vsel vm1, v25, v15;
	vm15 =	vgt.f32 v50, v17;
	vm1 =	vmand vm13, vm14  }
0x15b: {  	v20 =	vsel vm3, v32, v63;
	vm8 =	veq.f32 v4, v47;
	vm1 =	vmor vm15, vm1  }
0x15c: {  	vm9 =	vlt.s32 v10, v48;
	v53 =	vsel vm1, v17, v50;
	v54 =	vsel vm1, v37, v51  }
0x15d: {  	vm10 =	vgt.f32 v4, v47;
	vm5 =	veq.f32 v53, v38;
	vm6 =	vlt.s32 v54, v40  }
0x15e: {  	v18 =	vsel vm12, v33, v18;
	vm7 =	vgt.f32 v53, v38;
	vm0 =	vmand vm5, vm6  }
0x15f: {  	v12 =	vsel vm1, v50, v17;
	v13 =	vsel vm1, v51, v37;
	vm1 =	vmor vm7, vm0  }
0x160: {  	v52 =	vsel vm12, v34, v36;
	vm0 =	vmand vm8, vm9;
	v55 =	vsel vm1, v53, v38  }
0x161: {  	v56 =	vsel vm1, v38, v53;
	v57 =	vsel vm1, v54, v40;
	vm0 =	vmor vm10, vm0  }
0x162: {  	v24 =	vsel vm1, v40, v54;
	v58 =	vsel vm0, v47, v4;
	v59 =	vsel vm0, v48, v10  }
0x163: {  	vm11 =	veq.f32 v56, v44;
	vm14 =	vlt.s32 v24, v45;
	vm8 =	vgt.f32 v56, v44  }
0x164: {  	v37 =	vsel vm0, v4, v47;
	vm12 =	veq.f32 v58, v49;
	vm13 =	vlt.s32 v59, v16  }
0x165: {  	vm15 =	vgt.f32 v58, v49;
	vm4 =	vmand vm11, vm14;
	vm2 =	vmand vm12, vm13  }
0x166: {  	v38 =	vsel vm0, v10, v48;
	vm1 =	vmor vm15, vm2;
	vm2 =	vmor vm8, vm4  }
0x167: {  	v27 =	vsel vm1, v49, v58;
	v28 =	vsel vm1, v16, v59;
	v60 =	vsel vm2, v56, v44  }
0x168: {  	v21 =	vsel vm2, v44, v56;
	v61 =	vsel vm2, v45, v24;
	v24 =	vsel vm2, v24, v45  }
0x169: {  	v39 =	vsel vm1, v58, v49;
	vm9 =	veq.f32 v27, v19;
	vm10 =	vlt.s32 v28, v20  }
0x16a: {  	vm11 =	vgt.f32 v27, v19;
	vm12 =	veq.f32 v21, v14;
	vm13 =	vlt.s32 v61, v15  }
0x16b: {  	vm3 =	vmand vm9, vm10;
	vm4 =	vmand vm12, vm13;
	vm9 =	vgt.f32 v21, v14  }
0x16c: {  	v40 =	vsel vm1, v59, v16;
	vm3 =	vmor vm11, vm3;
	vm11 =	vmor vm9, vm4  }
0x16d: {  	v62 =	vsel vm3, v19, v27;
	v63 =	vsel vm3, v20, v28;
	v14 =	vsel vm11, v21, v14  }
0x16e: {  	v15 =	vsel vm11, v61, v15;
	vm14 =	veq.f32 v62, v18;
	vm15 =	vlt.s32 v63, v52  }
0x16f: {  	v19 =	vsel vm3, v27, v19;
	vm10 =	vgt.f32 v62, v18;
	vm5 =	vmand vm14, vm15  }
0x170: {  	v20 =	vsel vm3, v28, v20;
	vm11 =	veq.f32 v1, v37;
	vm12 =	vmor vm10, vm5  }
0x171: {  	v35 =	vsel vm12, v18, v62;
	v36 =	vsel vm12, v52, v63;
	v18 =	vsel vm12, v62, v18  }
0x172: {  	v23 =	vsel vm12, v63, v52;
	vm13 =	veq.f32 v35, v12;
	vm14 =	vlt.s32 v36, v13  }
0x173: {  	vm12 =	vlt.s32 v8, v38;
	vm15 =	vgt.f32 v35, v12;
	vm2 =	vmand vm13, vm14  }
0x174: {  	vm0 =	vmand vm11, vm12;
	vm13 =	vgt.f32 v1, v37;
	vm7 =	vmor vm15, vm2  }
0x175: {  	vm0 =	vmor vm13, vm0;
	v41 =	vsel vm7, v12, v35;
	v42 =	vsel vm7, v13, v36  }
0x176: {  	v12 =	vsel vm7, v35, v12;
	v13 =	vsel vm7, v36, v13;
	v45 =	vsel vm0, v37, v1  }
0x177: {  	v46 =	vsel vm0, v38, v8;
	v1 =	vsel vm0, v1, v37;
	v7 =	vsel vm0, v8, v38  }
0x178: {  	vm8 =	veq.f32 v41, v55;
	vm9 =	vlt.s32 v42, v57;
	vm10 =	vgt.f32 v41, v55  }
0x179: {  	vm1 =	vmand vm8, vm9;
	vm8 =	veq.f32 v45, v39;
	vm9 =	vlt.s32 v46, v40  }
0x17a: {  	vm1 =	vmor vm10, vm1;
	vm10 =	vgt.f32 v45, v39;
	vm4 =	vmand vm8, vm9  }
0x17b: {  	v43 =	vsel vm1, v41, v55;
	v11 =	vsel vm1, v55, v41;
	v44 =	vsel vm1, v57, v42  }
0x17c: {  	v16 =	vsel vm1, v42, v57;
	vm1 =	vmor vm10, vm4;
	vm14 =	vgt.f32 v11, v60  }
0x17d: {  	vm15 =	veq.f32 v11, v60;
	vm7 =	vlt.s32 v44, v24;
	v48 =	vsel vm1, v39, v45  }
0x17e: {  	v49 =	vsel vm1, v40, v46;
	v56 =	vsel vm1, v45, v39;
	v57 =	vsel vm1, v46, v40  }
0x17f: {  	vm3 =	vmand vm15, vm7;
	vm11 =	veq.f32 v48, v19;
	vm12 =	vlt.s32 v49, v20  }
0x180: {  	vm13 =	vgt.f32 v48, v19;
	vm2 =	vmor vm14, vm3;
	vm3 =	vmand vm11, vm12  }
0x181: {  	v47 =	vsel vm2, v11, v60;
	v11 =	vsel vm2, v60, v11;
	v50 =	vsel vm2, v44, v24  }
0x182: {  	v17 =	vsel vm2, v24, v44;
	vm2 =	vmor vm13, vm3;
	vm14 =	vgt.f32 v11, v14  }
0x183: {  	vm15 =	veq.f32 v11, v14;
	vm8 =	vlt.s32 v17, v15;
	v51 =	vsel vm2, v19, v48  }
0x184: {  	v52 =	vsel vm2, v20, v49;
	v58 =	vsel vm2, v48, v19;
	v59 =	vsel vm2, v49, v20  }
0x185: {  	vm3 =	vmand vm15, vm8;
	vm9 =	veq.f32 v51, v18;
	vm10 =	vlt.s32 v52, v23  }
0x186: {  	vm11 =	vgt.f32 v51, v18;
	vm3 =	vmor vm14, vm3;
	vm5 =	vmand vm9, vm10  }
0x187: {  	v11 =	vsel vm3, v11, v14;
	v53 =	vsel vm3, v17, v15;
	vm12 =	vmor vm11, vm5  }
0x188: {  	v54 =	vsel vm12, v18, v51;
	v55 =	vsel vm12, v23, v52;
	v18 =	vsel vm12, v51, v18  }
0x189: {  	v23 =	vsel vm12, v52, v23;
	vm13 =	veq.f32 v54, v12;
	vm14 =	vlt.s32 v55, v13  }
0x18a: {  	vm12 =	veq.f32 v5, v1;
	vm15 =	vgt.f32 v54, v12;
	vm0 =	vmand vm13, vm14  }
0x18b: {  	vm13 =	vlt.s32 v6, v7;
	vm0 =	vmor vm15, vm0;
	vm15 =	vgt.f32 v5, v1  }
0x18c: {  	v60 =	vsel vm0, v12, v54;
	v61 =	vsel vm0, v13, v55;
	v4 =	vsel vm0, v54, v12  }
0x18d: {  	v62 =	vsel vm0, v55, v13;
	vm0 =	vmand vm12, vm13;
	vm8 =	veq.f32 v60, v43  }
0x18e: {  	vm9 =	vlt.s32 v61, v16;
	vm10 =	vgt.f32 v60, v43;
	vm0 =	vmor vm15, vm0  }
0x18f: {  	vm1 =	vmand vm8, vm9;
	v33 =	vsel vm0, v1, v5;
	v34 =	vsel vm0, v7, v6  }
0x190: {  	v1 =	vsel vm0, v5, v1;
	vm11 =	vmor vm10, vm1;
	vm10 =	veq.f32 v33, v56  }
0x191: {  	vm12 =	vgt.f32 v33, v56;
	v63 =	vsel vm11, v60, v43;
	v31 =	vsel vm11, v43, v60  }
0x192: {  	v32 =	vsel vm11, v61, v16;
	v16 =	vsel vm11, v16, v61;
	vm11 =	vlt.s32 v34, v57  }
0x193: {  	vm8 =	veq.f32 v31, v47;
	vm9 =	vlt.s32 v16, v50;
	vm2 =	vmand vm10, vm11  }
0x194: {  	vm14 =	vgt.f32 v31, v47;
	vm1 =	vmand vm8, vm9;
	vm2 =	vmor vm12, vm2  }
0x195: {  	v37 =	vsel vm0, v6, v7;
	vm1 =	vmor vm14, vm1;
	v25 =	vsel vm2, v56, v33  }
0x196: {  	v26 =	vsel vm2, v57, v34;
	v38 =	vsel vm2, v33, v56;
	v9 =	vsel vm2, v34, v57  }
0x197: {  	v35 =	vsel vm1, v31, v47;
	v15 =	vsel vm1, v47, v31;
	v36 =	vsel vm1, v16, v50  }
0x198: {  	v16 =	vsel vm1, v50, v16;
	vm14 =	veq.f32 v25, v58;
	vm15 =	vlt.s32 v26, v59  }
0x199: {  	vm10 =	vgt.f32 v25, v58;
	vm13 =	veq.f32 v15, v11;
	vm3 =	vmand vm14, vm15  }
0x19a: {  	vm9 =	vlt.s32 v16, v53;
	vm11 =	vgt.f32 v15, v11;
	vm3 =	vmor vm10, vm3  }
0x19b: {  	vm1 =	vmand vm13, vm9;
	v27 =	vsel vm3, v58, v25;
	v28 =	vsel vm3, v59, v26  }
0x19c: {  	vm1 =	vmor vm11, vm1;
	vm12 =	veq.f32 v27, v18;
	vm13 =	vlt.s32 v28, v23  }
0x19d: {  	v10 =	vsel vm3, v25, v58;
	vm14 =	vgt.f32 v27, v18;
	vm4 =	vmand vm12, vm13  }
0x19e: {  	v11 =	vsel vm1, v15, v11;
	v14 =	vsel vm1, v16, v53;
	vm15 =	vmor vm14, vm4  }
0x19f: {  	vm14 =	veq.f32 v2, v1;
	v39 =	vsel vm15, v18, v27;
	v40 =	vsel vm15, v23, v28  }
0x1a0: {  	v42 =	vsel vm15, v27, v18;
	v43 =	vsel vm15, v28, v23;
	vm15 =	vlt.s32 v3, v37  }
0x1a1: {  	vm8 =	veq.f32 v39, v4;
	vm9 =	vlt.s32 v40, v62;
	vm10 =	vgt.f32 v39, v4  }
0x1a2: {  	vm4 =	vmand vm14, vm15;
	vm1 =	vmand vm8, vm9;
	vm8 =	vgt.f32 v2, v1  }
0x1a3: {  	v41 =	vsel vm3, v26, v59;
	vm1 =	vmor vm10, vm1;
	vm0 =	vmor vm8, vm4  }
0x1a4: {  	v44 =	vsel vm1, v39, v4;
	v4 =	vsel vm1, v4, v39;
	v45 =	vsel vm1, v62, v40  }
0x1a5: {  	v8 =	vsel vm1, v40, v62;
	v47 =	vsel vm0, v1, v2;
	v48 =	vsel vm0, v37, v3  }
0x1a6: {  	v1 =	vsel vm0, v2, v1;
	vm12 =	veq.f32 v4, v63;
	vm13 =	vlt.s32 v45, v32  }
0x1a7: {  	v2 =	vsel vm0, v3, v37;
	vm11 =	vgt.f32 v4, v63;
	vm2 =	vmand vm12, vm13  }
0x1a8: {  	vm9 =	veq.f32 v47, v38;
	vm10 =	vlt.s32 v48, v9;
	vm2 =	vmor vm11, vm2  }
0x1a9: {  	vm1 =	vmand vm9, vm10;
	vm11 =	vgt.f32 v47, v38;
	v46 =	vsel vm2, v4, v63  }
0x1aa: {  	v4 =	vsel vm2, v63, v4;
	v49 =	vsel vm2, v32, v45;
	vm1 =	vmor vm11, vm1  }
0x1ab: {  	v7 =	vsel vm2, v45, v32;
	v50 =	vsel vm1, v38, v47;
	v51 =	vsel vm1, v9, v48  }
0x1ac: {  	vm13 =	veq.f32 v4, v35;
	vm15 =	veq.f32 v50, v10;
	vm9 =	vlt.s32 v51, v41  }
0x1ad: {  	vm14 =	vlt.s32 v49, v36;
	vm10 =	vgt.f32 v50, v10;
	vm5 =	vmand vm15, vm9  }
0x1ae: {  	vm12 =	vgt.f32 v4, v35;
	vm4 =	vmand vm13, vm14;
	vm2 =	vmor vm10, vm5  }
0x1af: {  	vm3 =	vmor vm12, vm4;
	v53 =	vsel vm2, v10, v50;
	v26 =	vsel vm2, v41, v51  }
0x1b0: {  	v52 =	vsel vm3, v4, v35;
	vm11 =	veq.f32 v53, v42;
	vm12 =	vlt.s32 v26, v43  }
0x1b1: {  	v4 =	vsel vm3, v35, v4;
	vm13 =	vgt.f32 v53, v42;
	vm4 =	vmand vm11, vm12  }
0x1b2: {  	v54 =	vsel vm3, v49, v36;
	v13 =	vsel vm3, v36, v49;
	vm3 =	vmor vm13, vm4  }
0x1b3: {  	[tilespmem:$0x9680] =	vst v1;
	v1 =	vsel vm1, v47, v38;
	v55 =	vsel vm3, v42, v53;
	v28 =	vsel vm3, v43, v26  }
0x1b4: {  	[tilespmem:$0x9700] =	vst v2;
	v2 =	vsel vm1, v48, v9;
	vm9 =	veq.f32 v55, v44;
	vm10 =	vlt.s32 v28, v8  }
0x1b5: {  	vm14 =	vgt.f32 v4, v11;
	vm11 =	vgt.f32 v55, v44;
	vm6 =	vmand vm9, vm10  }
0x1b6: {  	vm15 =	veq.f32 v4, v11;
	vm8 =	vlt.s32 v13, v14;
	vm12 =	vmor vm11, vm6  }
0x1b7: {  	vm4 =	vmand vm15, vm8;
	v3 =	vsel vm12, v44, v55;
	v56 =	vsel vm12, v8, v28  }
0x1b8: {  	[tilespmem:$0x9690] =	vst v1;
	vm4 =	vmor vm14, vm4;
	vm13 =	veq.f32 v3, v46;
	vm14 =	vlt.s32 v56, v7  }
0x1b9: {  	[tilespmem:$0x9710] =	vst v2;
	v1 =	vsel vm2, v50, v10;
	vm15 =	vgt.f32 v3, v46;
	vm1 =	vmand vm13, vm14  }
0x1ba: {  	v57 =	vsel vm2, v51, v41;
	[tilespmem:$0x96A0] =	vst v1;
	v1 =	vsel vm3, v53, v42;
	vm1 =	vmor vm15, vm1  }
0x1bb: {  	[tilespmem:$0x9720] =	vst v57;
	v60 =	vsel vm3, v26, v43;
	v58 =	vsel vm1, v46, v3;
	v59 =	vsel vm1, v7, v56  }
0x1bc: {  	v2 =	vsel vm4, v4, v11;
	[tilespmem:$0x96B0] =	vst v1;
	vm8 =	veq.f32 v58, v52;
	vm9 =	vlt.s32 v59, v54  }
0x1bd: {  	[tilespmem:$0x9730] =	vst v60;
	v1 =	vsel vm12, v55, v44;
	vm10 =	vgt.f32 v58, v52;
	vm2 =	vmand vm8, vm9  }
0x1be: {  	v61 =	vsel vm4, v13, v14;
	v8 =	vsel vm12, v28, v8;
	[tilespmem:$0x96C0] =	vst v1;
	vm11 =	vmor vm10, vm2  }
0x1bf: {  	[tilespmem:$0x9740] =	vst v8;
	v1 =	vsel vm1, v3, v46;
	v3 =	vsel vm11, v52, v58;
	v62 =	vsel vm11, v54, v59  }
0x1c0: {  	v5 =	vsel vm1, v56, v7;
	[tilespmem:$0x96D0] =	vst v1;
	vm12 =	veq.f32 v3, v2;
	vm13 =	vlt.s32 v62, v61  }
0x1c1: {  	[tilespmem:$0x9750] =	vst v5;
	v1 =	vsel vm11, v58, v52;
	vm14 =	vgt.f32 v3, v2;
	vm1 =	vmand vm12, vm13  }
0x1c2: {  	v63 =	vsel vm11, v59, v54;
	[tilespmem:$0x96E0] =	vst v1;
	vm15 =	vmor vm14, vm1  }
0x1c3: {  	[tilespmem:$0x9760] =	vst v63;
	v1 =	vsel vm15, v3, v2  }
0x1c4: {  	v2 =	vsel vm15, v62, v61;
	[tilespmem:$0x96F0] =	vst v1  }
0x1c5: {  	[tilespmem:$0x9770] =	vst v2  }
0x1c6: {  	[hbm4b:s3+s2] =	stream.linear.scatter [tilespmem:s17], [sflag:$0x5], $0x80, $0x38;
	[tilespmem:$0x9780] =	vst v63  }
0x1c7: {  	s20 =	sadd.s32 $0x1, s20;
	_ =	swait.ge [sflag:s18], $0x80  }
0x1c8: {  	p0 =	sne.s32 s20, s9;
	[sflag:s18] =	ssyncset.done $0x0  }
.Ltmp5:
0x1c9: {  	[sflag:s18] =	ssyncadd.s32 $0xFFFFFF80;
	(pc) =	sbr.rel @p0 .LBB2_2-.Ltmp5, $4  }
0x1ca: {  	[hbm4b:s4+s2] =	stream.linear.scatter [tilespmem:s19], [sflag:$0x5], $0x80, $0x38;
	[tilespmem:$0x9780] =	vst v63  }
0x1cb: {  	_ =	swait.ge [sflag:s18], $0x80  }
0x1cc: {  	[sflag:s18] =	ssyncset.done $0x0  }
0x1cd: {  	[sflag:s18] =	ssyncadd.s32 $0xFFFFFF80  }
.LBB2_11:
0x1ce: {  	_ =	sfence.sel $0x180000  }
0x1cf: {  	[bflag:$0x0] =	sbarrier.arrive $0xFFFF  }
0x1d0: {  	p0 =	sne.s32 s1, $0x0;
	_ =	strace $0x90000047  }
0x1d1: {  	s0 =	sadd.s32 @!p0 $0x100000, s0;
	[bflag:$0x2] =	sbarrier.arrive $0xFFFF  }
0x1d2: {  	[sflag:s0] =	ssyncadd.tile.s32 @!p0 $0x1;
	_ =	shalt  }
.Lfunc_end2:
_tile_overlayer_lowered:
.L_overlay_start_2:
0x1d3: {  	(tag) =	ssettag $0x2  }
0x1d4: {  	s0 =	rddreg [dreg:$0x0];
	s2 =	stileid.u32  }
0x1d5: {  	s1 =	rddreg [dreg:$0x1];
	p0 =	sne.s32 s2, $0x0  }
0x1d6: {  	s3 =	rddreg [dreg:$0x2];
	[bflag:$0x3] =	sbarrier.arrive $0xFFFF;
	s2 =	simm.s32 @!p0 $0x1C05  }
0x1d7: {  	[timem:s3], [sflag:s2] =	dma.local @!p0 [hbm:s0], s1  }
0x1d8: {  	s0 =	simm.s32 @!p0 $0x5  }
0x1d9: {  	_ =	swait.ge @!p0 [sflag:s0], s1  }
0x1da: {  	s1 =	ssub.s32 @!p0 $0x0, s1;
	[sflag:s0] =	ssyncset.done @!p0 $0x0  }
0x1db: {  	[sflag:s0] =	ssyncadd.s32 @!p0 s1  }
0x1dc: {  	[bflag:$0x3] =	sbarrier.arrive $0xFFFF  }
0x1dd: {  	_ =	shalt  }

</sc_bundles>
